<compile_context>
chip_gen: v7x
topology: tpu7x:2x2x1
jax: 0.10.2.dev20260603
libtpu: 0.0.44.dev20260713+nightly
codegen_flags: <defaults>
</compile_context>

<pallas_src>
import functools

import jax
import jax.numpy as jnp
from jax import lax
from jax.experimental import pallas as pl
from jax.experimental.pallas import tpu as pltpu
from jax.experimental.pallas import tpu_sc as plsc

N = 10000
E = 320000
D = 128
LANES = 16
CHUNK = 128
NC = 2
NS = 16
NW = NC * NS
ITERS = 81
PADCHUNKS = ITERS * NW
E_PAD = PADCHUNKS * CHUNK
EW = ITERS * 3 * CHUNK
RBLK = 80
NRBLK = N // RBLK
RITERS = -(-NRBLK // NS)


def _mm_body(x_ref, w_ref, b_ref, o_ref):
    o_ref[...] = (
        jnp.dot(x_ref[...], w_ref[...], preferred_element_type=jnp.float32)
        + b_ref[...]
    )


def _matmul_bias(x, W, b):
    M = x.shape[0]
    BM = 1000
    return pl.pallas_call(
        _mm_body,
        grid=(M // BM,),
        in_specs=[
            pl.BlockSpec((BM, D), lambda i: (i, 0)),
            pl.BlockSpec((D, D), lambda i: (0, 0)),
            pl.BlockSpec((1, D), lambda i: (0, 0)),
        ],
        out_specs=pl.BlockSpec((BM, D), lambda i: (i, 0)),
        out_shape=jax.ShapeDtypeStruct((M, D), jnp.float32),
    )(x, W, b.reshape(1, D))


def _add_body(a_ref, b_ref, o_ref):
    o_ref[...] = a_ref[...] + b_ref[...]


def _add2(a, b):
    BM = 1000
    return pl.pallas_call(
        _add_body,
        grid=(N // BM,),
        in_specs=[pl.BlockSpec((BM, D), lambda i: (i, 0))] * 2,
        out_specs=pl.BlockSpec((BM, D), lambda i: (i, 0)),
        out_shape=jax.ShapeDtypeStruct((N, D), jnp.float32),
    )(a, b)


def _sc_scatter(h, edata):
    mesh = plsc.VectorSubcoreMesh(core_axis_name="c", subcore_axis_name="s")

    @functools.partial(
        pl.kernel,
        out_type=jax.ShapeDtypeStruct((NC, N, D), jnp.float32),
        mesh=mesh,
        compiler_params=pltpu.CompilerParams(needs_layout_passes=False),
        scratch_types=(
            pltpu.VMEM((CHUNK, D), jnp.float32),
            pltpu.VMEM((CHUNK, D), jnp.float32),
            pltpu.VMEM((CHUNK, D), jnp.float32),
            pltpu.VMEM((CHUNK,), jnp.int32),
            pltpu.VMEM((CHUNK,), jnp.int32),
            pltpu.VMEM((CHUNK,), jnp.int32),
            pltpu.VMEM((CHUNK,), jnp.int32),
            pltpu.VMEM((CHUNK,), jnp.int32),
            pltpu.VMEM((CHUNK,), jnp.int32),
            pltpu.VMEM((CHUNK,), jnp.int32),
            pltpu.VMEM((CHUNK,), jnp.int32),
            pltpu.VMEM((CHUNK,), jnp.int32),
            pltpu.VMEM_SHARED((N, D), jnp.float32),
            pltpu.SemaphoreType.DMA,
            pltpu.SemaphoreType.DMA,
            pltpu.SemaphoreType.DMA,
            pltpu.SemaphoreType.DMA,
            pltpu.SemaphoreType.DMA,
            pltpu.SemaphoreType.DMA,
            pltpu.SemaphoreType.DMA,
            pltpu.SemaphoreType.DMA,
            pltpu.SemaphoreType.DMA,
            pltpu.SemaphoreType.DMA,
            pltpu.SemaphoreType.DMA,
            pltpu.SemaphoreType.DMA,
        ),
    )
    def k(h_hbm, edata_hbm, out_hbm,
          mg0, mg1, mg2, rb0, rb1, rb2, cb0, cb1, cb2, vb0, vb1, vb2, acc,
          rsem0, rsem1, rsem2, csem0, csem1, csem2,
          vsem0, vsem1, vsem2, gsem0, gsem1, gsem2):
        mg = (mg0, mg1, mg2)
        rb = (rb0, rb1, rb2)
        cb = (cb0, cb1, cb2)
        vb = (vb0, vb1, vb2)
        rsem = (rsem0, rsem1, rsem2)
        csem = (csem0, csem1, csem2)
        vsem = (vsem0, vsem1, vsem2)
        gsem = (gsem0, gsem1, gsem2)
        cid = lax.axis_index("c")
        sid = lax.axis_index("s")
        w = sid * NC + cid

        def start_edata(t, m):
            base = pl.multiple_of(t * 3 * CHUNK, 8)
            pltpu.async_copy(
                edata_hbm.at[w, pl.ds(base, CHUNK)], rb[m], rsem[m])
            pltpu.async_copy(
                edata_hbm.at[w, pl.ds(base + CHUNK, CHUNK)], cb[m], csem[m])
            pltpu.async_copy(
                edata_hbm.at[w, pl.ds(base + 2 * CHUNK, CHUNK)],
                vb[m], vsem[m])

        def wait_edata(m):
            pltpu.make_async_copy(
                edata_hbm.at[w, pl.ds(0, CHUNK)], rb[m], rsem[m]).wait()
            pltpu.make_async_copy(
                edata_hbm.at[w, pl.ds(0, CHUNK)], cb[m], csem[m]).wait()
            pltpu.make_async_copy(
                edata_hbm.at[w, pl.ds(0, CHUNK)], vb[m], vsem[m]).wait()

        def start_gather(m):
            pltpu.async_copy(h_hbm.at[cb[m]], mg[m], gsem[m])

        def wait_gather(m):
            pltpu.make_async_copy(h_hbm.at[cb[m]], mg[m], gsem[m]).wait()

        def scale(m):
            msgs = mg[m]
            vals = vb[m]

            @plsc.parallel_loop(0, CHUNK, unroll=4)
            def _scale(e):
                v = plsc.bitcast(
                    plsc.load_gather(
                        vals, [jnp.full((LANES,), e, jnp.int32)]),
                    jnp.float32)
                for j in range(D // LANES):
                    fsl = pl.ds(j * LANES, LANES)
                    msgs[e, fsl] = msgs[e, fsl] * v

        def scatter(m):
            pltpu.sync_copy(mg[m], acc.at[rb[m]], add=True)

        start_edata(0, 0)
        start_edata(1, 1)
        start_edata(2, 2)

        @plsc.parallel_loop(0, RBLK)
        def _zero(r):
            for j in range(D // LANES):
                mg0[r, pl.ds(j * LANES, LANES)] = jnp.zeros(
                    (LANES,), jnp.float32)

        for t in range(RITERS):
            zb = sid + t * NS

            @pl.when(zb < NRBLK)
            def _():
                z0 = pl.multiple_of(zb * RBLK, 8)
                pltpu.sync_copy(
                    mg0.at[pl.ds(0, RBLK)], acc.at[pl.ds(z0, RBLK)])

        wait_edata(0)
        start_gather(0)
        wait_edata(1)
        start_gather(1)
        plsc.subcore_barrier()

        def slot(i, m, tail=0):
            wait_gather(m)
            scale(m)
            scatter(m)
            if tail < 2:
                g = (m + 2) % 3
                if tail < 1:
                    start_edata(i + 3, m)
                wait_edata(g)
                start_gather(g)

        def triple_body(k3, carry):
            i = k3 * 3
            slot(i, 0)
            slot(i + 1, 1)
            slot(i + 2, 2)
            return carry

        lax.fori_loop(0, (ITERS - 3) // 3, triple_body, 0)

        slot(ITERS - 3, 0, tail=1)
        slot(ITERS - 2, 1, tail=2)
        slot(ITERS - 1, 2, tail=2)
        plsc.subcore_barrier()

        for t in range(RITERS):
            zb = sid + t * NS

            @pl.when(zb < NRBLK)
            def _():
                z0 = pl.multiple_of(zb * RBLK, 8)
                pltpu.sync_copy(
                    acc.at[pl.ds(z0, RBLK)],
                    out_hbm.at[cid, pl.ds(z0, RBLK)],
                )

    return k(h, edata)


def kernel(x, adj_indices, adj_values, W, b):
    h = _matmul_bias(x, W, b)
    pad = E_PAD - E
    rows = jnp.pad(adj_indices[0], (0, pad))
    cols = jnp.pad(adj_indices[1], (0, pad))
    vals = jnp.pad(adj_values, (0, pad))
    edata = jnp.stack(
        [rows.reshape(NW * ITERS, CHUNK),
         cols.reshape(NW * ITERS, CHUNK),
         lax.bitcast_convert_type(vals, jnp.int32).reshape(NW * ITERS, CHUNK)],
        axis=1).reshape(NW, EW)
    parts = _sc_scatter(h, edata)
    return _add2(parts[0], parts[1])

# --- scband reference (transcript-rebuilt; emitter-appended) ---
"""Pipeline reference for scband-gcnlayer-70360154243247 (READ-ONLY COPY).

The authoritative reference and input builder live on the scoring server;
editing this copy changes nothing except your own understanding.
"""

import jax, jax.numpy as jnp
import numpy as np

N = 10000
E = 320000
D_IN = 128
D_OUT = 128


def setup_inputs(seed: int = 0) -> dict:
    key = jax.random.key(seed)
    k1, k2, k3, k4 = jax.random.split(key, 4)
    x = jax.random.normal(k1, (N, D_IN), dtype=jnp.float32)
    adj_indices = jax.random.randint(k2, (2, E), 0, N, dtype=jnp.int32)
    adj_values = jax.random.uniform(k3, (E,), dtype=jnp.float32)
    # Xavier-uniform-like init for weight, zeros for bias (matches GCNLayer init)
    limit = float(np.sqrt(6.0 / (D_IN + D_OUT)))
    W = jax.random.uniform(k4, (D_IN, D_OUT), dtype=jnp.float32, minval=-limit, maxval=limit)
    b = jnp.zeros((D_OUT,), dtype=jnp.float32)
    return {"x": x, "adj_indices": adj_indices, "adj_values": adj_values, "W": W, "b": b}


def reference(x, adj_indices, adj_values, W, b):
    # h = x @ W + b
    h = x @ W
    h = h + b
    # torch.sparse.mm(adj, h): out[i] = sum_j adj[i, j] * h[j]
    # COO indices: row 0 = destination row i, row 1 = source column j
    row = adj_indices[0]
    col = adj_indices[1]
    msgs = adj_values[:, None] * jnp.take(h, col, axis=0)
    out = jnp.zeros((x.shape[0], h.shape[1]), dtype=h.dtype).at[row].add(msgs)
    return out

if __name__ == "__main__":
    import jax
    _d = setup_inputs()
    print(jax.jit(kernel)(*tuple(_d.values())))

</pallas_src>

<mosaic_0001>
#map = affine_map<(d0, d1) -> (0, 0)>
#map1 = affine_map<(d0, d1) -> (0, 0, 0)>
module attributes {stable_mosaic.version = 14 : i64} {
  func.func @k(%arg0: i32, %arg1: i32, %arg2: memref<10000x128xf32, #tpu.memory_space<hbm>>, %arg3: memref<32x31104xi32, #tpu.memory_space<hbm>>, %arg4: memref<2x10000x128xf32, #tpu.memory_space<hbm>>, %arg5: memref<128x128xf32, #tpu.memory_space<vmem>>, %arg6: memref<128x128xf32, #tpu.memory_space<vmem>>, %arg7: memref<128x128xf32, #tpu.memory_space<vmem>>, %arg8: memref<128xi32, #tpu.memory_space<vmem>>, %arg9: memref<128xi32, #tpu.memory_space<vmem>>, %arg10: memref<128xi32, #tpu.memory_space<vmem>>, %arg11: memref<128xi32, #tpu.memory_space<vmem>>, %arg12: memref<128xi32, #tpu.memory_space<vmem>>, %arg13: memref<128xi32, #tpu.memory_space<vmem>>, %arg14: memref<128xi32, #tpu.memory_space<vmem>>, %arg15: memref<128xi32, #tpu.memory_space<vmem>>, %arg16: memref<128xi32, #tpu.memory_space<vmem>>, %arg17: memref<10000x128xf32, #tpu.memory_space<vmem_shared>>, %arg18: memref<!tpu.dma_semaphore, #tpu.memory_space<semaphore_mem>>, %arg19: memref<!tpu.dma_semaphore, #tpu.memory_space<semaphore_mem>>, %arg20: memref<!tpu.dma_semaphore, #tpu.memory_space<semaphore_mem>>, %arg21: memref<!tpu.dma_semaphore, #tpu.memory_space<semaphore_mem>>, %arg22: memref<!tpu.dma_semaphore, #tpu.memory_space<semaphore_mem>>, %arg23: memref<!tpu.dma_semaphore, #tpu.memory_space<semaphore_mem>>, %arg24: memref<!tpu.dma_semaphore, #tpu.memory_space<semaphore_mem>>, %arg25: memref<!tpu.dma_semaphore, #tpu.memory_space<semaphore_mem>>, %arg26: memref<!tpu.dma_semaphore, #tpu.memory_space<semaphore_mem>>, %arg27: memref<!tpu.dma_semaphore, #tpu.memory_space<semaphore_mem>>, %arg28: memref<!tpu.dma_semaphore, #tpu.memory_space<semaphore_mem>>, %arg29: memref<!tpu.dma_semaphore, #tpu.memory_space<semaphore_mem>>) attributes {dimension_semantics = [#tpu.dimension_semantics<core_parallel>, #tpu.dimension_semantics<subcore_parallel>], iteration_bounds = array<i64: 2, 16>, scalar_prefetch = 0 : i64, scratch_operands = 25 : i64, tpu.core_type = #tpu.core_type<sc_vector_subcore>, window_params = [{transform_indices = #map}, {transform_indices = #map}, {transform_indices = #map1}]} {
    %mul3A = arith.constant 2 : i32
    %mul3A_0 = arith.muli %arg1, %mul3A : i32
    %add3A = arith.addi %mul3A_0, %arg0 : i32
    %multiple_of3A = arith.constant 0 : i32
    %multiple_of3A_1 = tpu.assume_multiple %multiple_of3A, 8 : i32
    %dma_start3A = tpu.memref_slice %arg3[%add3A, %multiple_of3A_1] : memref<32x31104xi32, #tpu.memory_space<hbm>> -> memref<1x128xi32, #tpu.memory_space<hbm>>
    %dma_start3A_2 = tpu.memref_squeeze %dma_start3A : memref<1x128xi32, #tpu.memory_space<hbm>> -> memref<128xi32, #tpu.memory_space<hbm>>
    %dma_start3A_3 = tpu.memref_slice %arg3[%add3A, %multiple_of3A_1] : memref<32x31104xi32, #tpu.memory_space<hbm>> -> memref<1x128xi32, #tpu.memory_space<hbm>>
    %dma_start3A_4 = tpu.memref_squeeze %dma_start3A_3 : memref<1x128xi32, #tpu.memory_space<hbm>> -> memref<128xi32, #tpu.memory_space<hbm>>
    tpu.enqueue_dma source(%dma_start3A_4 : memref<128xi32, #tpu.memory_space<hbm>>) target(%arg8 : memref<128xi32, #tpu.memory_space<vmem>>) target_semaphore(%arg18 : memref<!tpu.dma_semaphore, #tpu.memory_space<semaphore_mem>>)
    %add3A_5 = arith.constant 128 : i32
    %add3A_6 = arith.addi %multiple_of3A_1, %add3A_5 : i32
    %dma_start3A_7 = tpu.memref_slice %arg3[%add3A, %add3A_6] : memref<32x31104xi32, #tpu.memory_space<hbm>> -> memref<1x128xi32, #tpu.memory_space<hbm>>
    %dma_start3A_8 = tpu.memref_squeeze %dma_start3A_7 : memref<1x128xi32, #tpu.memory_space<hbm>> -> memref<128xi32, #tpu.memory_space<hbm>>
    %dma_start3A_9 = tpu.memref_slice %arg3[%add3A, %add3A_6] : memref<32x31104xi32, #tpu.memory_space<hbm>> -> memref<1x128xi32, #tpu.memory_space<hbm>>
    %dma_start3A_10 = tpu.memref_squeeze %dma_start3A_9 : memref<1x128xi32, #tpu.memory_space<hbm>> -> memref<128xi32, #tpu.memory_space<hbm>>
    tpu.enqueue_dma source(%dma_start3A_10 : memref<128xi32, #tpu.memory_space<hbm>>) target(%arg11 : memref<128xi32, #tpu.memory_space<vmem>>) target_semaphore(%arg21 : memref<!tpu.dma_semaphore, #tpu.memory_space<semaphore_mem>>)
    %add3A_11 = arith.constant 256 : i32
    %add3A_12 = arith.addi %multiple_of3A_1, %add3A_11 : i32
    %dma_start3A_13 = tpu.memref_slice %arg3[%add3A, %add3A_12] : memref<32x31104xi32, #tpu.memory_space<hbm>> -> memref<1x128xi32, #tpu.memory_space<hbm>>
    %dma_start3A_14 = tpu.memref_squeeze %dma_start3A_13 : memref<1x128xi32, #tpu.memory_space<hbm>> -> memref<128xi32, #tpu.memory_space<hbm>>
    %dma_start3A_15 = tpu.memref_slice %arg3[%add3A, %add3A_12] : memref<32x31104xi32, #tpu.memory_space<hbm>> -> memref<1x128xi32, #tpu.memory_space<hbm>>
    %dma_start3A_16 = tpu.memref_squeeze %dma_start3A_15 : memref<1x128xi32, #tpu.memory_space<hbm>> -> memref<128xi32, #tpu.memory_space<hbm>>
    tpu.enqueue_dma source(%dma_start3A_16 : memref<128xi32, #tpu.memory_space<hbm>>) target(%arg14 : memref<128xi32, #tpu.memory_space<vmem>>) target_semaphore(%arg24 : memref<!tpu.dma_semaphore, #tpu.memory_space<semaphore_mem>>)
    %multiple_of3A_17 = arith.constant 384 : i32
    %multiple_of3A_18 = tpu.assume_multiple %multiple_of3A_17, 8 : i32
    %dma_start3A_19 = tpu.memref_slice %arg3[%add3A, %multiple_of3A_18] : memref<32x31104xi32, #tpu.memory_space<hbm>> -> memref<1x128xi32, #tpu.memory_space<hbm>>
    %dma_start3A_20 = tpu.memref_squeeze %dma_start3A_19 : memref<1x128xi32, #tpu.memory_space<hbm>> -> memref<128xi32, #tpu.memory_space<hbm>>
    %dma_start3A_21 = tpu.memref_slice %arg3[%add3A, %multiple_of3A_18] : memref<32x31104xi32, #tpu.memory_space<hbm>> -> memref<1x128xi32, #tpu.memory_space<hbm>>
    %dma_start3A_22 = tpu.memref_squeeze %dma_start3A_21 : memref<1x128xi32, #tpu.memory_space<hbm>> -> memref<128xi32, #tpu.memory_space<hbm>>
    tpu.enqueue_dma source(%dma_start3A_22 : memref<128xi32, #tpu.memory_space<hbm>>) target(%arg9 : memref<128xi32, #tpu.memory_space<vmem>>) target_semaphore(%arg19 : memref<!tpu.dma_semaphore, #tpu.memory_space<semaphore_mem>>)
    %add3A_23 = arith.constant 128 : i32
    %add3A_24 = arith.addi %multiple_of3A_18, %add3A_23 : i32
    %dma_start3A_25 = tpu.memref_slice %arg3[%add3A, %add3A_24] : memref<32x31104xi32, #tpu.memory_space<hbm>> -> memref<1x128xi32, #tpu.memory_space<hbm>>
    %dma_start3A_26 = tpu.memref_squeeze %dma_start3A_25 : memref<1x128xi32, #tpu.memory_space<hbm>> -> memref<128xi32, #tpu.memory_space<hbm>>
    %dma_start3A_27 = tpu.memref_slice %arg3[%add3A, %add3A_24] : memref<32x31104xi32, #tpu.memory_space<hbm>> -> memref<1x128xi32, #tpu.memory_space<hbm>>
    %dma_start3A_28 = tpu.memref_squeeze %dma_start3A_27 : memref<1x128xi32, #tpu.memory_space<hbm>> -> memref<128xi32, #tpu.memory_space<hbm>>
    tpu.enqueue_dma source(%dma_start3A_28 : memref<128xi32, #tpu.memory_space<hbm>>) target(%arg12 : memref<128xi32, #tpu.memory_space<vmem>>) target_semaphore(%arg22 : memref<!tpu.dma_semaphore, #tpu.memory_space<semaphore_mem>>)
    %add3A_29 = arith.constant 256 : i32
    %add3A_30 = arith.addi %multiple_of3A_18, %add3A_29 : i32
    %dma_start3A_31 = tpu.memref_slice %arg3[%add3A, %add3A_30] : memref<32x31104xi32, #tpu.memory_space<hbm>> -> memref<1x128xi32, #tpu.memory_space<hbm>>
    %dma_start3A_32 = tpu.memref_squeeze %dma_start3A_31 : memref<1x128xi32, #tpu.memory_space<hbm>> -> memref<128xi32, #tpu.memory_space<hbm>>
    %dma_start3A_33 = tpu.memref_slice %arg3[%add3A, %add3A_30] : memref<32x31104xi32, #tpu.memory_space<hbm>> -> memref<1x128xi32, #tpu.memory_space<hbm>>
    %dma_start3A_34 = tpu.memref_squeeze %dma_start3A_33 : memref<1x128xi32, #tpu.memory_space<hbm>> -> memref<128xi32, #tpu.memory_space<hbm>>
    tpu.enqueue_dma source(%dma_start3A_34 : memref<128xi32, #tpu.memory_space<hbm>>) target(%arg15 : memref<128xi32, #tpu.memory_space<vmem>>) target_semaphore(%arg25 : memref<!tpu.dma_semaphore, #tpu.memory_space<semaphore_mem>>)
    %multiple_of3A_35 = arith.constant 768 : i32
    %multiple_of3A_36 = tpu.assume_multiple %multiple_of3A_35, 8 : i32
    %dma_start3A_37 = tpu.memref_slice %arg3[%add3A, %multiple_of3A_36] : memref<32x31104xi32, #tpu.memory_space<hbm>> -> memref<1x128xi32, #tpu.memory_space<hbm>>
    %dma_start3A_38 = tpu.memref_squeeze %dma_start3A_37 : memref<1x128xi32, #tpu.memory_space<hbm>> -> memref<128xi32, #tpu.memory_space<hbm>>
    %dma_start3A_39 = tpu.memref_slice %arg3[%add3A, %multiple_of3A_36] : memref<32x31104xi32, #tpu.memory_space<hbm>> -> memref<1x128xi32, #tpu.memory_space<hbm>>
    %dma_start3A_40 = tpu.memref_squeeze %dma_start3A_39 : memref<1x128xi32, #tpu.memory_space<hbm>> -> memref<128xi32, #tpu.memory_space<hbm>>
    tpu.enqueue_dma source(%dma_start3A_40 : memref<128xi32, #tpu.memory_space<hbm>>) target(%arg10 : memref<128xi32, #tpu.memory_space<vmem>>) target_semaphore(%arg20 : memref<!tpu.dma_semaphore, #tpu.memory_space<semaphore_mem>>)
    %add3A_41 = arith.constant 128 : i32
    %add3A_42 = arith.addi %multiple_of3A_36, %add3A_41 : i32
    %dma_start3A_43 = tpu.memref_slice %arg3[%add3A, %add3A_42] : memref<32x31104xi32, #tpu.memory_space<hbm>> -> memref<1x128xi32, #tpu.memory_space<hbm>>
    %dma_start3A_44 = tpu.memref_squeeze %dma_start3A_43 : memref<1x128xi32, #tpu.memory_space<hbm>> -> memref<128xi32, #tpu.memory_space<hbm>>
    %dma_start3A_45 = tpu.memref_slice %arg3[%add3A, %add3A_42] : memref<32x31104xi32, #tpu.memory_space<hbm>> -> memref<1x128xi32, #tpu.memory_space<hbm>>
    %dma_start3A_46 = tpu.memref_squeeze %dma_start3A_45 : memref<1x128xi32, #tpu.memory_space<hbm>> -> memref<128xi32, #tpu.memory_space<hbm>>
    tpu.enqueue_dma source(%dma_start3A_46 : memref<128xi32, #tpu.memory_space<hbm>>) target(%arg13 : memref<128xi32, #tpu.memory_space<vmem>>) target_semaphore(%arg23 : memref<!tpu.dma_semaphore, #tpu.memory_space<semaphore_mem>>)
    %add3A_47 = arith.constant 256 : i32
    %add3A_48 = arith.addi %multiple_of3A_36, %add3A_47 : i32
    %dma_start3A_49 = tpu.memref_slice %arg3[%add3A, %add3A_48] : memref<32x31104xi32, #tpu.memory_space<hbm>> -> memref<1x128xi32, #tpu.memory_space<hbm>>
    %dma_start3A_50 = tpu.memref_squeeze %dma_start3A_49 : memref<1x128xi32, #tpu.memory_space<hbm>> -> memref<128xi32, #tpu.memory_space<hbm>>
    %dma_start3A_51 = tpu.memref_slice %arg3[%add3A, %add3A_48] : memref<32x31104xi32, #tpu.memory_space<hbm>> -> memref<1x128xi32, #tpu.memory_space<hbm>>
    %dma_start3A_52 = tpu.memref_squeeze %dma_start3A_51 : memref<1x128xi32, #tpu.memory_space<hbm>> -> memref<128xi32, #tpu.memory_space<hbm>>
    tpu.enqueue_dma source(%dma_start3A_52 : memref<128xi32, #tpu.memory_space<hbm>>) target(%arg16 : memref<128xi32, #tpu.memory_space<vmem>>) target_semaphore(%arg26 : memref<!tpu.dma_semaphore, #tpu.memory_space<semaphore_mem>>)
    %parallel_loop3A = arith.constant 0 : i32
    %parallel_loop3A_53 = arith.constant 80 : i32
    %parallel_loop3A_54 = arith.constant 1 : i32
    scf.for %parallel_loop3A_250 = %parallel_loop3A to %parallel_loop3A_53 step %parallel_loop3A_54  : i32 {
      %parallel_loop3A_251 = arith.constant 0.000000e+00 : f32
      %parallel_loop3A_252 = vector.broadcast %parallel_loop3A_251 : f32 to vector<16xf32>
      %parallel_loop3A_253 = arith.index_cast %parallel_loop3A_250 : i32 to index
      %parallel_loop3A_254 = arith.constant 0 : index
      %parallel_loop3A_255 = tpu.vector_load %arg5[%parallel_loop3A_253, %parallel_loop3A_254] {strides = array<i32>} : memref<128x128xf32, #tpu.memory_space<vmem>>, vector<16xf32>,
      tpu.vector_store %arg5[%parallel_loop3A_253, %parallel_loop3A_254], %parallel_loop3A_252 {strides = array<i32>} : memref<128x128xf32, #tpu.memory_space<vmem>>, vector<16xf32>,
      %parallel_loop3A_256 = arith.constant 0.000000e+00 : f32
      %parallel_loop3A_257 = vector.broadcast %parallel_loop3A_256 : f32 to vector<16xf32>
      %parallel_loop3A_258 = arith.index_cast %parallel_loop3A_250 : i32 to index
      %parallel_loop3A_259 = arith.constant 16 : index
      %parallel_loop3A_260 = tpu.vector_load %arg5[%parallel_loop3A_258, %parallel_loop3A_259] {strides = array<i32>} : memref<128x128xf32, #tpu.memory_space<vmem>>, vector<16xf32>,
      tpu.vector_store %arg5[%parallel_loop3A_258, %parallel_loop3A_259], %parallel_loop3A_257 {strides = array<i32>} : memref<128x128xf32, #tpu.memory_space<vmem>>, vector<16xf32>,
      %parallel_loop3A_261 = arith.constant 0.000000e+00 : f32
      %parallel_loop3A_262 = vector.broadcast %parallel_loop3A_261 : f32 to vector<16xf32>
      %parallel_loop3A_263 = arith.index_cast %parallel_loop3A_250 : i32 to index
      %parallel_loop3A_264 = arith.constant 32 : index
      %parallel_loop3A_265 = tpu.vector_load %arg5[%parallel_loop3A_263, %parallel_loop3A_264] {strides = array<i32>} : memref<128x128xf32, #tpu.memory_space<vmem>>, vector<16xf32>,
      tpu.vector_store %arg5[%parallel_loop3A_263, %parallel_loop3A_264], %parallel_loop3A_262 {strides = array<i32>} : memref<128x128xf32, #tpu.memory_space<vmem>>, vector<16xf32>,
      %parallel_loop3A_266 = arith.constant 0.000000e+00 : f32
      %parallel_loop3A_267 = vector.broadcast %parallel_loop3A_266 : f32 to vector<16xf32>
      %parallel_loop3A_268 = arith.index_cast %parallel_loop3A_250 : i32 to index
      %parallel_loop3A_269 = arith.constant 48 : index
      %parallel_loop3A_270 = tpu.vector_load %arg5[%parallel_loop3A_268, %parallel_loop3A_269] {strides = array<i32>} : memref<128x128xf32, #tpu.memory_space<vmem>>, vector<16xf32>,
      tpu.vector_store %arg5[%parallel_loop3A_268, %parallel_loop3A_269], %parallel_loop3A_267 {strides = array<i32>} : memref<128x128xf32, #tpu.memory_space<vmem>>, vector<16xf32>,
      %parallel_loop3A_271 = arith.constant 0.000000e+00 : f32
      %parallel_loop3A_272 = vector.broadcast %parallel_loop3A_271 : f32 to vector<16xf32>
      %parallel_loop3A_273 = arith.index_cast %parallel_loop3A_250 : i32 to index
      %parallel_loop3A_274 = arith.constant 64 : index
      %parallel_loop3A_275 = tpu.vector_load %arg5[%parallel_loop3A_273, %parallel_loop3A_274] {strides = array<i32>} : memref<128x128xf32, #tpu.memory_space<vmem>>, vector<16xf32>,
      tpu.vector_store %arg5[%parallel_loop3A_273, %parallel_loop3A_274], %parallel_loop3A_272 {strides = array<i32>} : memref<128x128xf32, #tpu.memory_space<vmem>>, vector<16xf32>,
      %parallel_loop3A_276 = arith.constant 0.000000e+00 : f32
      %parallel_loop3A_277 = vector.broadcast %parallel_loop3A_276 : f32 to vector<16xf32>
      %parallel_loop3A_278 = arith.index_cast %parallel_loop3A_250 : i32 to index
      %parallel_loop3A_279 = arith.constant 80 : index
      %parallel_loop3A_280 = tpu.vector_load %arg5[%parallel_loop3A_278, %parallel_loop3A_279] {strides = array<i32>} : memref<128x128xf32, #tpu.memory_space<vmem>>, vector<16xf32>,
      tpu.vector_store %arg5[%parallel_loop3A_278, %parallel_loop3A_279], %parallel_loop3A_277 {strides = array<i32>} : memref<128x128xf32, #tpu.memory_space<vmem>>, vector<16xf32>,
      %parallel_loop3A_281 = arith.constant 0.000000e+00 : f32
      %parallel_loop3A_282 = vector.broadcast %parallel_loop3A_281 : f32 to vector<16xf32>
      %parallel_loop3A_283 = arith.index_cast %parallel_loop3A_250 : i32 to index
      %parallel_loop3A_284 = arith.constant 96 : index
      %parallel_loop3A_285 = tpu.vector_load %arg5[%parallel_loop3A_283, %parallel_loop3A_284] {strides = array<i32>} : memref<128x128xf32, #tpu.memory_space<vmem>>, vector<16xf32>,
      tpu.vector_store %arg5[%parallel_loop3A_283, %parallel_loop3A_284], %parallel_loop3A_282 {strides = array<i32>} : memref<128x128xf32, #tpu.memory_space<vmem>>, vector<16xf32>,
      %parallel_loop3A_286 = arith.constant 0.000000e+00 : f32
      %parallel_loop3A_287 = vector.broadcast %parallel_loop3A_286 : f32 to vector<16xf32>
      %parallel_loop3A_288 = arith.index_cast %parallel_loop3A_250 : i32 to index
      %parallel_loop3A_289 = arith.constant 112 : index
      %parallel_loop3A_290 = tpu.vector_load %arg5[%parallel_loop3A_288, %parallel_loop3A_289] {strides = array<i32>} : memref<128x128xf32, #tpu.memory_space<vmem>>, vector<16xf32>,
      tpu.vector_store %arg5[%parallel_loop3A_288, %parallel_loop3A_289], %parallel_loop3A_287 {strides = array<i32>} : memref<128x128xf32, #tpu.memory_space<vmem>>, vector<16xf32>,
    } {sc.loop_unroll_factor = 1 : i64, sc.parallel_access}
    %add3A_55 = arith.constant 0 : i32
    %add3A_56 = arith.addi %arg1, %add3A_55 : i32
    %lt3A = arith.constant 125 : i32
    %lt3A_57 = arith.cmpi slt, %add3A_56, %lt3A : i32
    %convert_element_type3A = arith.extui %lt3A_57 : i1 to i32
    %cond3A = arith.constant 0 : i32
    %cond3A_58 = arith.cmpi ne, %convert_element_type3A, %cond3A : i32
    scf.if %cond3A_58 {
      %mul3A_250 = arith.constant 80 : i32
      %mul3A_251 = arith.muli %add3A_56, %mul3A_250 : i32
      %multiple_of3A_252 = tpu.assume_multiple %mul3A_251, 8 : i32
      "tpu.region"() ({
        %run_scoped3A = tpu.sem_alloc : memref<!tpu.dma_semaphore, #tpu.memory_space<semaphore_mem>>
        %dma_start3A_253 = arith.constant 0 : i32
        %dma_start3A_254 = arith.constant 0 : i32
        %dma_start3A_255 = tpu.memref_slice %arg5[%dma_start3A_253, %dma_start3A_254] : memref<128x128xf32, #tpu.memory_space<vmem>> -> memref<80x128xf32, #tpu.memory_space<vmem>>
        %dma_start3A_256 = arith.constant 0 : i32
        %dma_start3A_257 = tpu.memref_slice %arg17[%multiple_of3A_252, %dma_start3A_256] : memref<10000x128xf32, #tpu.memory_space<vmem_shared>> -> memref<80x128xf32, #tpu.memory_space<vmem_shared>>
        %dma_start3A_258 = arith.constant 0 : i32
        %dma_start3A_259 = tpu.memref_slice %arg17[%multiple_of3A_252, %dma_start3A_258] : memref<10000x128xf32, #tpu.memory_space<vmem_shared>> -> memref<80x128xf32, #tpu.memory_space<vmem_shared>>
        %dma_start3A_260 = arith.constant 0 : i32
        %dma_start3A_261 = arith.constant 0 : i32
        %dma_start3A_262 = tpu.memref_slice %arg5[%dma_start3A_260, %dma_start3A_261] : memref<128x128xf32, #tpu.memory_space<vmem>> -> memref<80x128xf32, #tpu.memory_space<vmem>>
        tpu.enqueue_dma source(%dma_start3A_262 : memref<80x128xf32, #tpu.memory_space<vmem>>) target(%dma_start3A_259 : memref<80x128xf32, #tpu.memory_space<vmem_shared>>) target_semaphore(%run_scoped3A : memref<!tpu.dma_semaphore, #tpu.memory_space<semaphore_mem>>)
        %dma_wait3A_263 = arith.constant 0 : i32
        %dma_wait3A_264 = arith.constant 0 : i32
        %dma_wait3A_265 = tpu.memref_slice %arg5[%dma_wait3A_263, %dma_wait3A_264] : memref<128x128xf32, #tpu.memory_space<vmem>> -> memref<80x128xf32, #tpu.memory_space<vmem>>
        %dma_wait3A_266 = arith.constant 0 : i32
        %dma_wait3A_267 = tpu.memref_slice %arg17[%multiple_of3A_252, %dma_wait3A_266] : memref<10000x128xf32, #tpu.memory_space<vmem_shared>> -> memref<80x128xf32, #tpu.memory_space<vmem_shared>>
        %dma_wait3A_268 = arith.constant 0 : i32
        %dma_wait3A_269 = tpu.memref_slice %arg17[%multiple_of3A_252, %dma_wait3A_268] : memref<10000x128xf32, #tpu.memory_space<vmem_shared>> -> memref<80x128xf32, #tpu.memory_space<vmem_shared>>
        %dma_wait3A_270 = arith.constant 0 : i32
        %dma_wait3A_271 = arith.constant 0 : i32
        %dma_wait3A_272 = tpu.memref_slice %arg5[%dma_wait3A_270, %dma_wait3A_271] : memref<128x128xf32, #tpu.memory_space<vmem>> -> memref<80x128xf32, #tpu.memory_space<vmem>>
        tpu.wait_dma2 semaphore(%run_scoped3A : memref<!tpu.dma_semaphore, #tpu.memory_space<semaphore_mem>>) src(%dma_wait3A_272 : memref<80x128xf32, #tpu.memory_space<vmem>>) dst(%dma_wait3A_269 : memref<80x128xf32, #tpu.memory_space<vmem_shared>>)
        tpu.yield
      }) : () -> ()
    } else {
    }
    %add3A_59 = arith.constant 16 : i32
    %add3A_60 = arith.addi %arg1, %add3A_59 : i32
    %lt3A_61 = arith.constant 125 : i32
    %lt3A_62 = arith.cmpi slt, %add3A_60, %lt3A_61 : i32
    %convert_element_type3A_63 = arith.extui %lt3A_62 : i1 to i32
    %cond3A_64 = arith.constant 0 : i32
    %cond3A_65 = arith.cmpi ne, %convert_element_type3A_63, %cond3A_64 : i32
    scf.if %cond3A_65 {
      %mul3A_250 = arith.constant 80 : i32
      %mul3A_251 = arith.muli %add3A_60, %mul3A_250 : i32
      %multiple_of3A_252 = tpu.assume_multiple %mul3A_251, 8 : i32
      "tpu.region"() ({
        %run_scoped3A = tpu.sem_alloc : memref<!tpu.dma_semaphore, #tpu.memory_space<semaphore_mem>>
        %dma_start3A_253 = arith.constant 0 : i32
        %dma_start3A_254 = arith.constant 0 : i32
        %dma_start3A_255 = tpu.memref_slice %arg5[%dma_start3A_253, %dma_start3A_254] : memref<128x128xf32, #tpu.memory_space<vmem>> -> memref<80x128xf32, #tpu.memory_space<vmem>>
        %dma_start3A_256 = arith.constant 0 : i32
        %dma_start3A_257 = tpu.memref_slice %arg17[%multiple_of3A_252, %dma_start3A_256] : memref<10000x128xf32, #tpu.memory_space<vmem_shared>> -> memref<80x128xf32, #tpu.memory_space<vmem_shared>>
        %dma_start3A_258 = arith.constant 0 : i32
        %dma_start3A_259 = tpu.memref_slice %arg17[%multiple_of3A_252, %dma_start3A_258] : memref<10000x128xf32, #tpu.memory_space<vmem_shared>> -> memref<80x128xf32, #tpu.memory_space<vmem_shared>>
        %dma_start3A_260 = arith.constant 0 : i32
        %dma_start3A_261 = arith.constant 0 : i32
        %dma_start3A_262 = tpu.memref_slice %arg5[%dma_start3A_260, %dma_start3A_261] : memref<128x128xf32, #tpu.memory_space<vmem>> -> memref<80x128xf32, #tpu.memory_space<vmem>>
        tpu.enqueue_dma source(%dma_start3A_262 : memref<80x128xf32, #tpu.memory_space<vmem>>) target(%dma_start3A_259 : memref<80x128xf32, #tpu.memory_space<vmem_shared>>) target_semaphore(%run_scoped3A : memref<!tpu.dma_semaphore, #tpu.memory_space<semaphore_mem>>)
        %dma_wait3A_263 = arith.constant 0 : i32
        %dma_wait3A_264 = arith.constant 0 : i32
        %dma_wait3A_265 = tpu.memref_slice %arg5[%dma_wait3A_263, %dma_wait3A_264] : memref<128x128xf32, #tpu.memory_space<vmem>> -> memref<80x128xf32, #tpu.memory_space<vmem>>
        %dma_wait3A_266 = arith.constant 0 : i32
        %dma_wait3A_267 = tpu.memref_slice %arg17[%multiple_of3A_252, %dma_wait3A_266] : memref<10000x128xf32, #tpu.memory_space<vmem_shared>> -> memref<80x128xf32, #tpu.memory_space<vmem_shared>>
        %dma_wait3A_268 = arith.constant 0 : i32
        %dma_wait3A_269 = tpu.memref_slice %arg17[%multiple_of3A_252, %dma_wait3A_268] : memref<10000x128xf32, #tpu.memory_space<vmem_shared>> -> memref<80x128xf32, #tpu.memory_space<vmem_shared>>
        %dma_wait3A_270 = arith.constant 0 : i32
        %dma_wait3A_271 = arith.constant 0 : i32
        %dma_wait3A_272 = tpu.memref_slice %arg5[%dma_wait3A_270, %dma_wait3A_271] : memref<128x128xf32, #tpu.memory_space<vmem>> -> memref<80x128xf32, #tpu.memory_space<vmem>>
        tpu.wait_dma2 semaphore(%run_scoped3A : memref<!tpu.dma_semaphore, #tpu.memory_space<semaphore_mem>>) src(%dma_wait3A_272 : memref<80x128xf32, #tpu.memory_space<vmem>>) dst(%dma_wait3A_269 : memref<80x128xf32, #tpu.memory_space<vmem_shared>>)
        tpu.yield
      }) : () -> ()
    } else {
    }
    %add3A_66 = arith.constant 32 : i32
    %add3A_67 = arith.addi %arg1, %add3A_66 : i32
    %lt3A_68 = arith.constant 125 : i32
    %lt3A_69 = arith.cmpi slt, %add3A_67, %lt3A_68 : i32
    %convert_element_type3A_70 = arith.extui %lt3A_69 : i1 to i32
    %cond3A_71 = arith.constant 0 : i32
    %cond3A_72 = arith.cmpi ne, %convert_element_type3A_70, %cond3A_71 : i32
    scf.if %cond3A_72 {
      %mul3A_250 = arith.constant 80 : i32
      %mul3A_251 = arith.muli %add3A_67, %mul3A_250 : i32
      %multiple_of3A_252 = tpu.assume_multiple %mul3A_251, 8 : i32
      "tpu.region"() ({
        %run_scoped3A = tpu.sem_alloc : memref<!tpu.dma_semaphore, #tpu.memory_space<semaphore_mem>>
        %dma_start3A_253 = arith.constant 0 : i32
        %dma_start3A_254 = arith.constant 0 : i32
        %dma_start3A_255 = tpu.memref_slice %arg5[%dma_start3A_253, %dma_start3A_254] : memref<128x128xf32, #tpu.memory_space<vmem>> -> memref<80x128xf32, #tpu.memory_space<vmem>>
        %dma_start3A_256 = arith.constant 0 : i32
        %dma_start3A_257 = tpu.memref_slice %arg17[%multiple_of3A_252, %dma_start3A_256] : memref<10000x128xf32, #tpu.memory_space<vmem_shared>> -> memref<80x128xf32, #tpu.memory_space<vmem_shared>>
        %dma_start3A_258 = arith.constant 0 : i32
        %dma_start3A_259 = tpu.memref_slice %arg17[%multiple_of3A_252, %dma_start3A_258] : memref<10000x128xf32, #tpu.memory_space<vmem_shared>> -> memref<80x128xf32, #tpu.memory_space<vmem_shared>>
        %dma_start3A_260 = arith.constant 0 : i32
        %dma_start3A_261 = arith.constant 0 : i32
        %dma_start3A_262 = tpu.memref_slice %arg5[%dma_start3A_260, %dma_start3A_261] : memref<128x128xf32, #tpu.memory_space<vmem>> -> memref<80x128xf32, #tpu.memory_space<vmem>>
        tpu.enqueue_dma source(%dma_start3A_262 : memref<80x128xf32, #tpu.memory_space<vmem>>) target(%dma_start3A_259 : memref<80x128xf32, #tpu.memory_space<vmem_shared>>) target_semaphore(%run_scoped3A : memref<!tpu.dma_semaphore, #tpu.memory_space<semaphore_mem>>)
        %dma_wait3A_263 = arith.constant 0 : i32
        %dma_wait3A_264 = arith.constant 0 : i32
        %dma_wait3A_265 = tpu.memref_slice %arg5[%dma_wait3A_263, %dma_wait3A_264] : memref<128x128xf32, #tpu.memory_space<vmem>> -> memref<80x128xf32, #tpu.memory_space<vmem>>
        %dma_wait3A_266 = arith.constant 0 : i32
        %dma_wait3A_267 = tpu.memref_slice %arg17[%multiple_of3A_252, %dma_wait3A_266] : memref<10000x128xf32, #tpu.memory_space<vmem_shared>> -> memref<80x128xf32, #tpu.memory_space<vmem_shared>>
        %dma_wait3A_268 = arith.constant 0 : i32
        %dma_wait3A_269 = tpu.memref_slice %arg17[%multiple_of3A_252, %dma_wait3A_268] : memref<10000x128xf32, #tpu.memory_space<vmem_shared>> -> memref<80x128xf32, #tpu.memory_space<vmem_shared>>
        %dma_wait3A_270 = arith.constant 0 : i32
        %dma_wait3A_271 = arith.constant 0 : i32
        %dma_wait3A_272 = tpu.memref_slice %arg5[%dma_wait3A_270, %dma_wait3A_271] : memref<128x128xf32, #tpu.memory_space<vmem>> -> memref<80x128xf32, #tpu.memory_space<vmem>>
        tpu.wait_dma2 semaphore(%run_scoped3A : memref<!tpu.dma_semaphore, #tpu.memory_space<semaphore_mem>>) src(%dma_wait3A_272 : memref<80x128xf32, #tpu.memory_space<vmem>>) dst(%dma_wait3A_269 : memref<80x128xf32, #tpu.memory_space<vmem_shared>>)
        tpu.yield
      }) : () -> ()
    } else {
    }
    %add3A_73 = arith.constant 48 : i32
    %add3A_74 = arith.addi %arg1, %add3A_73 : i32
    %lt3A_75 = arith.constant 125 : i32
    %lt3A_76 = arith.cmpi slt, %add3A_74, %lt3A_75 : i32
    %convert_element_type3A_77 = arith.extui %lt3A_76 : i1 to i32
    %cond3A_78 = arith.constant 0 : i32
    %cond3A_79 = arith.cmpi ne, %convert_element_type3A_77, %cond3A_78 : i32
    scf.if %cond3A_79 {
      %mul3A_250 = arith.constant 80 : i32
      %mul3A_251 = arith.muli %add3A_74, %mul3A_250 : i32
      %multiple_of3A_252 = tpu.assume_multiple %mul3A_251, 8 : i32
      "tpu.region"() ({
        %run_scoped3A = tpu.sem_alloc : memref<!tpu.dma_semaphore, #tpu.memory_space<semaphore_mem>>
        %dma_start3A_253 = arith.constant 0 : i32
        %dma_start3A_254 = arith.constant 0 : i32
        %dma_start3A_255 = tpu.memref_slice %arg5[%dma_start3A_253, %dma_start3A_254] : memref<128x128xf32, #tpu.memory_space<vmem>> -> memref<80x128xf32, #tpu.memory_space<vmem>>
        %dma_start3A_256 = arith.constant 0 : i32
        %dma_start3A_257 = tpu.memref_slice %arg17[%multiple_of3A_252, %dma_start3A_256] : memref<10000x128xf32, #tpu.memory_space<vmem_shared>> -> memref<80x128xf32, #tpu.memory_space<vmem_shared>>
        %dma_start3A_258 = arith.constant 0 : i32
        %dma_start3A_259 = tpu.memref_slice %arg17[%multiple_of3A_252, %dma_start3A_258] : memref<10000x128xf32, #tpu.memory_space<vmem_shared>> -> memref<80x128xf32, #tpu.memory_space<vmem_shared>>
        %dma_start3A_260 = arith.constant 0 : i32
        %dma_start3A_261 = arith.constant 0 : i32
        %dma_start3A_262 = tpu.memref_slice %arg5[%dma_start3A_260, %dma_start3A_261] : memref<128x128xf32, #tpu.memory_space<vmem>> -> memref<80x128xf32, #tpu.memory_space<vmem>>
        tpu.enqueue_dma source(%dma_start3A_262 : memref<80x128xf32, #tpu.memory_space<vmem>>) target(%dma_start3A_259 : memref<80x128xf32, #tpu.memory_space<vmem_shared>>) target_semaphore(%run_scoped3A : memref<!tpu.dma_semaphore, #tpu.memory_space<semaphore_mem>>)
        %dma_wait3A_263 = arith.constant 0 : i32
        %dma_wait3A_264 = arith.constant 0 : i32
        %dma_wait3A_265 = tpu.memref_slice %arg5[%dma_wait3A_263, %dma_wait3A_264] : memref<128x128xf32, #tpu.memory_space<vmem>> -> memref<80x128xf32, #tpu.memory_space<vmem>>
        %dma_wait3A_266 = arith.constant 0 : i32
        %dma_wait3A_267 = tpu.memref_slice %arg17[%multiple_of3A_252, %dma_wait3A_266] : memref<10000x128xf32, #tpu.memory_space<vmem_shared>> -> memref<80x128xf32, #tpu.memory_space<vmem_shared>>
        %dma_wait3A_268 = arith.constant 0 : i32
        %dma_wait3A_269 = tpu.memref_slice %arg17[%multiple_of3A_252, %dma_wait3A_268] : memref<10000x128xf32, #tpu.memory_space<vmem_shared>> -> memref<80x128xf32, #tpu.memory_space<vmem_shared>>
        %dma_wait3A_270 = arith.constant 0 : i32
        %dma_wait3A_271 = arith.constant 0 : i32
        %dma_wait3A_272 = tpu.memref_slice %arg5[%dma_wait3A_270, %dma_wait3A_271] : memref<128x128xf32, #tpu.memory_space<vmem>> -> memref<80x128xf32, #tpu.memory_space<vmem>>
        tpu.wait_dma2 semaphore(%run_scoped3A : memref<!tpu.dma_semaphore, #tpu.memory_space<semaphore_mem>>) src(%dma_wait3A_272 : memref<80x128xf32, #tpu.memory_space<vmem>>) dst(%dma_wait3A_269 : memref<80x128xf32, #tpu.memory_space<vmem_shared>>)
        tpu.yield
      }) : () -> ()
    } else {
    }
    %add3A_80 = arith.constant 64 : i32
    %add3A_81 = arith.addi %arg1, %add3A_80 : i32
    %lt3A_82 = arith.constant 125 : i32
    %lt3A_83 = arith.cmpi slt, %add3A_81, %lt3A_82 : i32
    %convert_element_type3A_84 = arith.extui %lt3A_83 : i1 to i32
    %cond3A_85 = arith.constant 0 : i32
    %cond3A_86 = arith.cmpi ne, %convert_element_type3A_84, %cond3A_85 : i32
    scf.if %cond3A_86 {
      %mul3A_250 = arith.constant 80 : i32
      %mul3A_251 = arith.muli %add3A_81, %mul3A_250 : i32
      %multiple_of3A_252 = tpu.assume_multiple %mul3A_251, 8 : i32
      "tpu.region"() ({
        %run_scoped3A = tpu.sem_alloc : memref<!tpu.dma_semaphore, #tpu.memory_space<semaphore_mem>>
        %dma_start3A_253 = arith.constant 0 : i32
        %dma_start3A_254 = arith.constant 0 : i32
        %dma_start3A_255 = tpu.memref_slice %arg5[%dma_start3A_253, %dma_start3A_254] : memref<128x128xf32, #tpu.memory_space<vmem>> -> memref<80x128xf32, #tpu.memory_space<vmem>>
        %dma_start3A_256 = arith.constant 0 : i32
        %dma_start3A_257 = tpu.memref_slice %arg17[%multiple_of3A_252, %dma_start3A_256] : memref<10000x128xf32, #tpu.memory_space<vmem_shared>> -> memref<80x128xf32, #tpu.memory_space<vmem_shared>>
        %dma_start3A_258 = arith.constant 0 : i32
        %dma_start3A_259 = tpu.memref_slice %arg17[%multiple_of3A_252, %dma_start3A_258] : memref<10000x128xf32, #tpu.memory_space<vmem_shared>> -> memref<80x128xf32, #tpu.memory_space<vmem_shared>>
        %dma_start3A_260 = arith.constant 0 : i32
        %dma_start3A_261 = arith.constant 0 : i32
        %dma_start3A_262 = tpu.memref_slice %arg5[%dma_start3A_260, %dma_start3A_261] : memref<128x128xf32, #tpu.memory_space<vmem>> -> memref<80x128xf32, #tpu.memory_space<vmem>>
        tpu.enqueue_dma source(%dma_start3A_262 : memref<80x128xf32, #tpu.memory_space<vmem>>) target(%dma_start3A_259 : memref<80x128xf32, #tpu.memory_space<vmem_shared>>) target_semaphore(%run_scoped3A : memref<!tpu.dma_semaphore, #tpu.memory_space<semaphore_mem>>)
        %dma_wait3A_263 = arith.constant 0 : i32
        %dma_wait3A_264 = arith.constant 0 : i32
        %dma_wait3A_265 = tpu.memref_slice %arg5[%dma_wait3A_263, %dma_wait3A_264] : memref<128x128xf32, #tpu.memory_space<vmem>> -> memref<80x128xf32, #tpu.memory_space<vmem>>
        %dma_wait3A_266 = arith.constant 0 : i32
        %dma_wait3A_267 = tpu.memref_slice %arg17[%multiple_of3A_252, %dma_wait3A_266] : memref<10000x128xf32, #tpu.memory_space<vmem_shared>> -> memref<80x128xf32, #tpu.memory_space<vmem_shared>>
        %dma_wait3A_268 = arith.constant 0 : i32
        %dma_wait3A_269 = tpu.memref_slice %arg17[%multiple_of3A_252, %dma_wait3A_268] : memref<10000x128xf32, #tpu.memory_space<vmem_shared>> -> memref<80x128xf32, #tpu.memory_space<vmem_shared>>
        %dma_wait3A_270 = arith.constant 0 : i32
        %dma_wait3A_271 = arith.constant 0 : i32
        %dma_wait3A_272 = tpu.memref_slice %arg5[%dma_wait3A_270, %dma_wait3A_271] : memref<128x128xf32, #tpu.memory_space<vmem>> -> memref<80x128xf32, #tpu.memory_space<vmem>>
        tpu.wait_dma2 semaphore(%run_scoped3A : memref<!tpu.dma_semaphore, #tpu.memory_space<semaphore_mem>>) src(%dma_wait3A_272 : memref<80x128xf32, #tpu.memory_space<vmem>>) dst(%dma_wait3A_269 : memref<80x128xf32, #tpu.memory_space<vmem_shared>>)
        tpu.yield
      }) : () -> ()
    } else {
    }
    %add3A_87 = arith.constant 80 : i32
    %add3A_88 = arith.addi %arg1, %add3A_87 : i32
    %lt3A_89 = arith.constant 125 : i32
    %lt3A_90 = arith.cmpi slt, %add3A_88, %lt3A_89 : i32
    %convert_element_type3A_91 = arith.extui %lt3A_90 : i1 to i32
    %cond3A_92 = arith.constant 0 : i32
    %cond3A_93 = arith.cmpi ne, %convert_element_type3A_91, %cond3A_92 : i32
    scf.if %cond3A_93 {
      %mul3A_250 = arith.constant 80 : i32
      %mul3A_251 = arith.muli %add3A_88, %mul3A_250 : i32
      %multiple_of3A_252 = tpu.assume_multiple %mul3A_251, 8 : i32
      "tpu.region"() ({
        %run_scoped3A = tpu.sem_alloc : memref<!tpu.dma_semaphore, #tpu.memory_space<semaphore_mem>>
        %dma_start3A_253 = arith.constant 0 : i32
        %dma_start3A_254 = arith.constant 0 : i32
        %dma_start3A_255 = tpu.memref_slice %arg5[%dma_start3A_253, %dma_start3A_254] : memref<128x128xf32, #tpu.memory_space<vmem>> -> memref<80x128xf32, #tpu.memory_space<vmem>>
        %dma_start3A_256 = arith.constant 0 : i32
        %dma_start3A_257 = tpu.memref_slice %arg17[%multiple_of3A_252, %dma_start3A_256] : memref<10000x128xf32, #tpu.memory_space<vmem_shared>> -> memref<80x128xf32, #tpu.memory_space<vmem_shared>>
        %dma_start3A_258 = arith.constant 0 : i32
        %dma_start3A_259 = tpu.memref_slice %arg17[%multiple_of3A_252, %dma_start3A_258] : memref<10000x128xf32, #tpu.memory_space<vmem_shared>> -> memref<80x128xf32, #tpu.memory_space<vmem_shared>>
        %dma_start3A_260 = arith.constant 0 : i32
        %dma_start3A_261 = arith.constant 0 : i32
        %dma_start3A_262 = tpu.memref_slice %arg5[%dma_start3A_260, %dma_start3A_261] : memref<128x128xf32, #tpu.memory_space<vmem>> -> memref<80x128xf32, #tpu.memory_space<vmem>>
        tpu.enqueue_dma source(%dma_start3A_262 : memref<80x128xf32, #tpu.memory_space<vmem>>) target(%dma_start3A_259 : memref<80x128xf32, #tpu.memory_space<vmem_shared>>) target_semaphore(%run_scoped3A : memref<!tpu.dma_semaphore, #tpu.memory_space<semaphore_mem>>)
        %dma_wait3A_263 = arith.constant 0 : i32
        %dma_wait3A_264 = arith.constant 0 : i32
        %dma_wait3A_265 = tpu.memref_slice %arg5[%dma_wait3A_263, %dma_wait3A_264] : memref<128x128xf32, #tpu.memory_space<vmem>> -> memref<80x128xf32, #tpu.memory_space<vmem>>
        %dma_wait3A_266 = arith.constant 0 : i32
        %dma_wait3A_267 = tpu.memref_slice %arg17[%multiple_of3A_252, %dma_wait3A_266] : memref<10000x128xf32, #tpu.memory_space<vmem_shared>> -> memref<80x128xf32, #tpu.memory_space<vmem_shared>>
        %dma_wait3A_268 = arith.constant 0 : i32
        %dma_wait3A_269 = tpu.memref_slice %arg17[%multiple_of3A_252, %dma_wait3A_268] : memref<10000x128xf32, #tpu.memory_space<vmem_shared>> -> memref<80x128xf32, #tpu.memory_space<vmem_shared>>
        %dma_wait3A_270 = arith.constant 0 : i32
        %dma_wait3A_271 = arith.constant 0 : i32
        %dma_wait3A_272 = tpu.memref_slice %arg5[%dma_wait3A_270, %dma_wait3A_271] : memref<128x128xf32, #tpu.memory_space<vmem>> -> memref<80x128xf32, #tpu.memory_space<vmem>>
        tpu.wait_dma2 semaphore(%run_scoped3A : memref<!tpu.dma_semaphore, #tpu.memory_space<semaphore_mem>>) src(%dma_wait3A_272 : memref<80x128xf32, #tpu.memory_space<vmem>>) dst(%dma_wait3A_269 : memref<80x128xf32, #tpu.memory_space<vmem_shared>>)
        tpu.yield
      }) : () -> ()
    } else {
    }
    %add3A_94 = arith.constant 96 : i32
    %add3A_95 = arith.addi %arg1, %add3A_94 : i32
    %lt3A_96 = arith.constant 125 : i32
    %lt3A_97 = arith.cmpi slt, %add3A_95, %lt3A_96 : i32
    %convert_element_type3A_98 = arith.extui %lt3A_97 : i1 to i32
    %cond3A_99 = arith.constant 0 : i32
    %cond3A_100 = arith.cmpi ne, %convert_element_type3A_98, %cond3A_99 : i32
    scf.if %cond3A_100 {
      %mul3A_250 = arith.constant 80 : i32
      %mul3A_251 = arith.muli %add3A_95, %mul3A_250 : i32
      %multiple_of3A_252 = tpu.assume_multiple %mul3A_251, 8 : i32
      "tpu.region"() ({
        %run_scoped3A = tpu.sem_alloc : memref<!tpu.dma_semaphore, #tpu.memory_space<semaphore_mem>>
        %dma_start3A_253 = arith.constant 0 : i32
        %dma_start3A_254 = arith.constant 0 : i32
        %dma_start3A_255 = tpu.memref_slice %arg5[%dma_start3A_253, %dma_start3A_254] : memref<128x128xf32, #tpu.memory_space<vmem>> -> memref<80x128xf32, #tpu.memory_space<vmem>>
        %dma_start3A_256 = arith.constant 0 : i32
        %dma_start3A_257 = tpu.memref_slice %arg17[%multiple_of3A_252, %dma_start3A_256] : memref<10000x128xf32, #tpu.memory_space<vmem_shared>> -> memref<80x128xf32, #tpu.memory_space<vmem_shared>>
        %dma_start3A_258 = arith.constant 0 : i32
        %dma_start3A_259 = tpu.memref_slice %arg17[%multiple_of3A_252, %dma_start3A_258] : memref<10000x128xf32, #tpu.memory_space<vmem_shared>> -> memref<80x128xf32, #tpu.memory_space<vmem_shared>>
        %dma_start3A_260 = arith.constant 0 : i32
        %dma_start3A_261 = arith.constant 0 : i32
        %dma_start3A_262 = tpu.memref_slice %arg5[%dma_start3A_260, %dma_start3A_261] : memref<128x128xf32, #tpu.memory_space<vmem>> -> memref<80x128xf32, #tpu.memory_space<vmem>>
        tpu.enqueue_dma source(%dma_start3A_262 : memref<80x128xf32, #tpu.memory_space<vmem>>) target(%dma_start3A_259 : memref<80x128xf32, #tpu.memory_space<vmem_shared>>) target_semaphore(%run_scoped3A : memref<!tpu.dma_semaphore, #tpu.memory_space<semaphore_mem>>)
        %dma_wait3A_263 = arith.constant 0 : i32
        %dma_wait3A_264 = arith.constant 0 : i32
        %dma_wait3A_265 = tpu.memref_slice %arg5[%dma_wait3A_263, %dma_wait3A_264] : memref<128x128xf32, #tpu.memory_space<vmem>> -> memref<80x128xf32, #tpu.memory_space<vmem>>
        %dma_wait3A_266 = arith.constant 0 : i32
        %dma_wait3A_267 = tpu.memref_slice %arg17[%multiple_of3A_252, %dma_wait3A_266] : memref<10000x128xf32, #tpu.memory_space<vmem_shared>> -> memref<80x128xf32, #tpu.memory_space<vmem_shared>>
        %dma_wait3A_268 = arith.constant 0 : i32
        %dma_wait3A_269 = tpu.memref_slice %arg17[%multiple_of3A_252, %dma_wait3A_268] : memref<10000x128xf32, #tpu.memory_space<vmem_shared>> -> memref<80x128xf32, #tpu.memory_space<vmem_shared>>
        %dma_wait3A_270 = arith.constant 0 : i32
        %dma_wait3A_271 = arith.constant 0 : i32
        %dma_wait3A_272 = tpu.memref_slice %arg5[%dma_wait3A_270, %dma_wait3A_271] : memref<128x128xf32, #tpu.memory_space<vmem>> -> memref<80x128xf32, #tpu.memory_space<vmem>>
        tpu.wait_dma2 semaphore(%run_scoped3A : memref<!tpu.dma_semaphore, #tpu.memory_space<semaphore_mem>>) src(%dma_wait3A_272 : memref<80x128xf32, #tpu.memory_space<vmem>>) dst(%dma_wait3A_269 : memref<80x128xf32, #tpu.memory_space<vmem_shared>>)
        tpu.yield
      }) : () -> ()
    } else {
    }
    %add3A_101 = arith.constant 112 : i32
    %add3A_102 = arith.addi %arg1, %add3A_101 : i32
    %lt3A_103 = arith.constant 125 : i32
    %lt3A_104 = arith.cmpi slt, %add3A_102, %lt3A_103 : i32
    %convert_element_type3A_105 = arith.extui %lt3A_104 : i1 to i32
    %cond3A_106 = arith.constant 0 : i32
    %cond3A_107 = arith.cmpi ne, %convert_element_type3A_105, %cond3A_106 : i32
    scf.if %cond3A_107 {
      %mul3A_250 = arith.constant 80 : i32
      %mul3A_251 = arith.muli %add3A_102, %mul3A_250 : i32
      %multiple_of3A_252 = tpu.assume_multiple %mul3A_251, 8 : i32
      "tpu.region"() ({
        %run_scoped3A = tpu.sem_alloc : memref<!tpu.dma_semaphore, #tpu.memory_space<semaphore_mem>>
        %dma_start3A_253 = arith.constant 0 : i32
        %dma_start3A_254 = arith.constant 0 : i32
        %dma_start3A_255 = tpu.memref_slice %arg5[%dma_start3A_253, %dma_start3A_254] : memref<128x128xf32, #tpu.memory_space<vmem>> -> memref<80x128xf32, #tpu.memory_space<vmem>>
        %dma_start3A_256 = arith.constant 0 : i32
        %dma_start3A_257 = tpu.memref_slice %arg17[%multiple_of3A_252, %dma_start3A_256] : memref<10000x128xf32, #tpu.memory_space<vmem_shared>> -> memref<80x128xf32, #tpu.memory_space<vmem_shared>>
        %dma_start3A_258 = arith.constant 0 : i32
        %dma_start3A_259 = tpu.memref_slice %arg17[%multiple_of3A_252, %dma_start3A_258] : memref<10000x128xf32, #tpu.memory_space<vmem_shared>> -> memref<80x128xf32, #tpu.memory_space<vmem_shared>>
        %dma_start3A_260 = arith.constant 0 : i32
        %dma_start3A_261 = arith.constant 0 : i32
        %dma_start3A_262 = tpu.memref_slice %arg5[%dma_start3A_260, %dma_start3A_261] : memref<128x128xf32, #tpu.memory_space<vmem>> -> memref<80x128xf32, #tpu.memory_space<vmem>>
        tpu.enqueue_dma source(%dma_start3A_262 : memref<80x128xf32, #tpu.memory_space<vmem>>) target(%dma_start3A_259 : memref<80x128xf32, #tpu.memory_space<vmem_shared>>) target_semaphore(%run_scoped3A : memref<!tpu.dma_semaphore, #tpu.memory_space<semaphore_mem>>)
        %dma_wait3A_263 = arith.constant 0 : i32
        %dma_wait3A_264 = arith.constant 0 : i32
        %dma_wait3A_265 = tpu.memref_slice %arg5[%dma_wait3A_263, %dma_wait3A_264] : memref<128x128xf32, #tpu.memory_space<vmem>> -> memref<80x128xf32, #tpu.memory_space<vmem>>
        %dma_wait3A_266 = arith.constant 0 : i32
        %dma_wait3A_267 = tpu.memref_slice %arg17[%multiple_of3A_252, %dma_wait3A_266] : memref<10000x128xf32, #tpu.memory_space<vmem_shared>> -> memref<80x128xf32, #tpu.memory_space<vmem_shared>>
        %dma_wait3A_268 = arith.constant 0 : i32
        %dma_wait3A_269 = tpu.memref_slice %arg17[%multiple_of3A_252, %dma_wait3A_268] : memref<10000x128xf32, #tpu.memory_space<vmem_shared>> -> memref<80x128xf32, #tpu.memory_space<vmem_shared>>
        %dma_wait3A_270 = arith.constant 0 : i32
        %dma_wait3A_271 = arith.constant 0 : i32
        %dma_wait3A_272 = tpu.memref_slice %arg5[%dma_wait3A_270, %dma_wait3A_271] : memref<128x128xf32, #tpu.memory_space<vmem>> -> memref<80x128xf32, #tpu.memory_space<vmem>>
        tpu.wait_dma2 semaphore(%run_scoped3A : memref<!tpu.dma_semaphore, #tpu.memory_space<semaphore_mem>>) src(%dma_wait3A_272 : memref<80x128xf32, #tpu.memory_space<vmem>>) dst(%dma_wait3A_269 : memref<80x128xf32, #tpu.memory_space<vmem_shared>>)
        tpu.yield
      }) : () -> ()
    } else {
    }
    %dma_wait3A = arith.constant 0 : i32
    %dma_wait3A_108 = tpu.memref_slice %arg3[%add3A, %dma_wait3A] : memref<32x31104xi32, #tpu.memory_space<hbm>> -> memref<1x128xi32, #tpu.memory_space<hbm>>
    %dma_wait3A_109 = tpu.memref_squeeze %dma_wait3A_108 : memref<1x128xi32, #tpu.memory_space<hbm>> -> memref<128xi32, #tpu.memory_space<hbm>>
    %dma_wait3A_110 = arith.constant 0 : i32
    %dma_wait3A_111 = tpu.memref_slice %arg3[%add3A, %dma_wait3A_110] : memref<32x31104xi32, #tpu.memory_space<hbm>> -> memref<1x128xi32, #tpu.memory_space<hbm>>
    %dma_wait3A_112 = tpu.memref_squeeze %dma_wait3A_111 : memref<1x128xi32, #tpu.memory_space<hbm>> -> memref<128xi32, #tpu.memory_space<hbm>>
    tpu.wait_dma2 semaphore(%arg18 : memref<!tpu.dma_semaphore, #tpu.memory_space<semaphore_mem>>) src(%dma_wait3A_112 : memref<128xi32, #tpu.memory_space<hbm>>) dst(%arg8 : memref<128xi32, #tpu.memory_space<vmem>>)
    %dma_wait3A_113 = arith.constant 0 : i32
    %dma_wait3A_114 = tpu.memref_slice %arg3[%add3A, %dma_wait3A_113] : memref<32x31104xi32, #tpu.memory_space<hbm>> -> memref<1x128xi32, #tpu.memory_space<hbm>>
    %dma_wait3A_115 = tpu.memref_squeeze %dma_wait3A_114 : memref<1x128xi32, #tpu.memory_space<hbm>> -> memref<128xi32, #tpu.memory_space<hbm>>
    %dma_wait3A_116 = arith.constant 0 : i32
    %dma_wait3A_117 = tpu.memref_slice %arg3[%add3A, %dma_wait3A_116] : memref<32x31104xi32, #tpu.memory_space<hbm>> -> memref<1x128xi32, #tpu.memory_space<hbm>>
    %dma_wait3A_118 = tpu.memref_squeeze %dma_wait3A_117 : memref<1x128xi32, #tpu.memory_space<hbm>> -> memref<128xi32, #tpu.memory_space<hbm>>
    tpu.wait_dma2 semaphore(%arg21 : memref<!tpu.dma_semaphore, #tpu.memory_space<semaphore_mem>>) src(%dma_wait3A_118 : memref<128xi32, #tpu.memory_space<hbm>>) dst(%arg11 : memref<128xi32, #tpu.memory_space<vmem>>)
    %dma_wait3A_119 = arith.constant 0 : i32
    %dma_wait3A_120 = tpu.memref_slice %arg3[%add3A, %dma_wait3A_119] : memref<32x31104xi32, #tpu.memory_space<hbm>> -> memref<1x128xi32, #tpu.memory_space<hbm>>
    %dma_wait3A_121 = tpu.memref_squeeze %dma_wait3A_120 : memref<1x128xi32, #tpu.memory_space<hbm>> -> memref<128xi32, #tpu.memory_space<hbm>>
    %dma_wait3A_122 = arith.constant 0 : i32
    %dma_wait3A_123 = tpu.memref_slice %arg3[%add3A, %dma_wait3A_122] : memref<32x31104xi32, #tpu.memory_space<hbm>> -> memref<1x128xi32, #tpu.memory_space<hbm>>
    %dma_wait3A_124 = tpu.memref_squeeze %dma_wait3A_123 : memref<1x128xi32, #tpu.memory_space<hbm>> -> memref<128xi32, #tpu.memory_space<hbm>>
    tpu.wait_dma2 semaphore(%arg24 : memref<!tpu.dma_semaphore, #tpu.memory_space<semaphore_mem>>) src(%dma_wait3A_124 : memref<128xi32, #tpu.memory_space<hbm>>) dst(%arg14 : memref<128xi32, #tpu.memory_space<vmem>>)
    %dma_start3A_125 = arith.constant 0 : i32
    %dma_start3A_126 = arith.constant 0 : i32
    %dma_start3A_127 = tpu.memref_slice %arg2[%dma_start3A_125, %dma_start3A_126] : memref<10000x128xf32, #tpu.memory_space<hbm>> -> memref<10000x128xf32, #tpu.memory_space<hbm>>
    tpu.enqueue_indirect_dma source(%dma_start3A_127 : memref<10000x128xf32, #tpu.memory_space<hbm>>) target(%arg5 : memref<128x128xf32, #tpu.memory_space<vmem>>) offsets(%arg11 : memref<128xi32, #tpu.memory_space<vmem>>) semaphore(%arg27 : memref<!tpu.dma_semaphore, #tpu.memory_space<semaphore_mem>>)
    %dma_wait3A_128 = arith.constant 0 : i32
    %dma_wait3A_129 = tpu.memref_slice %arg3[%add3A, %dma_wait3A_128] : memref<32x31104xi32, #tpu.memory_space<hbm>> -> memref<1x128xi32, #tpu.memory_space<hbm>>
    %dma_wait3A_130 = tpu.memref_squeeze %dma_wait3A_129 : memref<1x128xi32, #tpu.memory_space<hbm>> -> memref<128xi32, #tpu.memory_space<hbm>>
    %dma_wait3A_131 = arith.constant 0 : i32
    %dma_wait3A_132 = tpu.memref_slice %arg3[%add3A, %dma_wait3A_131] : memref<32x31104xi32, #tpu.memory_space<hbm>> -> memref<1x128xi32, #tpu.memory_space<hbm>>
    %dma_wait3A_133 = tpu.memref_squeeze %dma_wait3A_132 : memref<1x128xi32, #tpu.memory_space<hbm>> -> memref<128xi32, #tpu.memory_space<hbm>>
    tpu.wait_dma2 semaphore(%arg19 : memref<!tpu.dma_semaphore, #tpu.memory_space<semaphore_mem>>) src(%dma_wait3A_133 : memref<128xi32, #tpu.memory_space<hbm>>) dst(%arg9 : memref<128xi32, #tpu.memory_space<vmem>>)
    %dma_wait3A_134 = arith.constant 0 : i32
    %dma_wait3A_135 = tpu.memref_slice %arg3[%add3A, %dma_wait3A_134] : memref<32x31104xi32, #tpu.memory_space<hbm>> -> memref<1x128xi32, #tpu.memory_space<hbm>>
    %dma_wait3A_136 = tpu.memref_squeeze %dma_wait3A_135 : memref<1x128xi32, #tpu.memory_space<hbm>> -> memref<128xi32, #tpu.memory_space<hbm>>
    %dma_wait3A_137 = arith.constant 0 : i32
    %dma_wait3A_138 = tpu.memref_slice %arg3[%add3A, %dma_wait3A_137] : memref<32x31104xi32, #tpu.memory_space<hbm>> -> memref<1x128xi32, #tpu.memory_space<hbm>>
    %dma_wait3A_139 = tpu.memref_squeeze %dma_wait3A_138 : memref<1x128xi32, #tpu.memory_space<hbm>> -> memref<128xi32, #tpu.memory_space<hbm>>
    tpu.wait_dma2 semaphore(%arg22 : memref<!tpu.dma_semaphore, #tpu.memory_space<semaphore_mem>>) src(%dma_wait3A_139 : memref<128xi32, #tpu.memory_space<hbm>>) dst(%arg12 : memref<128xi32, #tpu.memory_space<vmem>>)
    %dma_wait3A_140 = arith.constant 0 : i32
    %dma_wait3A_141 = tpu.memref_slice %arg3[%add3A, %dma_wait3A_140] : memref<32x31104xi32, #tpu.memory_space<hbm>> -> memref<1x128xi32, #tpu.memory_space<hbm>>
    %dma_wait3A_142 = tpu.memref_squeeze %dma_wait3A_141 : memref<1x128xi32, #tpu.memory_space<hbm>> -> memref<128xi32, #tpu.memory_space<hbm>>
    %dma_wait3A_143 = arith.constant 0 : i32
    %dma_wait3A_144 = tpu.memref_slice %arg3[%add3A, %dma_wait3A_143] : memref<32x31104xi32, #tpu.memory_space<hbm>> -> memref<1x128xi32, #tpu.memory_space<hbm>>
    %dma_wait3A_145 = tpu.memref_squeeze %dma_wait3A_144 : memref<1x128xi32, #tpu.memory_space<hbm>> -> memref<128xi32, #tpu.memory_space<hbm>>
    tpu.wait_dma2 semaphore(%arg25 : memref<!tpu.dma_semaphore, #tpu.memory_space<semaphore_mem>>) src(%dma_wait3A_145 : memref<128xi32, #tpu.memory_space<hbm>>) dst(%arg15 : memref<128xi32, #tpu.memory_space<vmem>>)
    %dma_start3A_146 = arith.constant 0 : i32
    %dma_start3A_147 = arith.constant 0 : i32
    %dma_start3A_148 = tpu.memref_slice %arg2[%dma_start3A_146, %dma_start3A_147] : memref<10000x128xf32, #tpu.memory_space<hbm>> -> memref<10000x128xf32, #tpu.memory_space<hbm>>
    tpu.enqueue_indirect_dma source(%dma_start3A_148 : memref<10000x128xf32, #tpu.memory_space<hbm>>) target(%arg6 : memref<128x128xf32, #tpu.memory_space<vmem>>) offsets(%arg12 : memref<128xi32, #tpu.memory_space<vmem>>) semaphore(%arg28 : memref<!tpu.dma_semaphore, #tpu.memory_space<semaphore_mem>>)
    %barrier3A = arith.constant 0 : index
    tpu.barrier barrier_id(%barrier3A)
    %scan3A = arith.constant 0 : i32
    %scan3A_149 = arith.constant 0 : i32
    %scan3A_150 = arith.constant 26 : i32
    %scan3A_151 = arith.addi %scan3A_149, %scan3A_150 : i32
    %scan3A_152 = arith.constant 1 : i32
    scf.for %scan3A_250 = %scan3A_149 to %scan3A_151 step %scan3A_152  : i32 {
      %mul3A_251 = arith.constant 3 : i32
      %mul3A_252 = arith.muli %scan3A_250, %mul3A_251 : i32
      %dma_wait3A_253 = arith.constant 0 : i32
      %dma_wait3A_254 = arith.constant 0 : i32
      %dma_wait3A_255 = tpu.memref_slice %arg2[%dma_wait3A_253, %dma_wait3A_254] : memref<10000x128xf32, #tpu.memory_space<hbm>> -> memref<10000x128xf32, #tpu.memory_space<hbm>>
      tpu.wait_indirect_dma semaphore(%arg27 : memref<!tpu.dma_semaphore, #tpu.memory_space<semaphore_mem>>) src(%dma_wait3A_255 : memref<10000x128xf32, #tpu.memory_space<hbm>>) dst(%arg5 : memref<128x128xf32, #tpu.memory_space<vmem>>)
      %parallel_loop3A_256 = arith.constant 0 : i32
      %parallel_loop3A_257 = arith.constant 128 : i32
      %parallel_loop3A_258 = arith.constant 1 : i32
      scf.for %parallel_loop3A_407 = %parallel_loop3A_256 to %parallel_loop3A_257 step %parallel_loop3A_258  : i32 {
        %parallel_loop3A_408 = vector.broadcast %parallel_loop3A_407 : i32 to vector<16xi32>
        %parallel_loop3A_409 = tpu.vector_load_idx %arg14[%parallel_loop3A_408] : memref<128xi32, #tpu.memory_space<vmem>>[vector<16xi32>], vector<16xi32>,
        %parallel_loop3A_410 = vector.bitcast %parallel_loop3A_409 : vector<16xi32> to vector<16xf32>
        %parallel_loop3A_411 = arith.index_cast %parallel_loop3A_407 : i32 to index
        %parallel_loop3A_412 = arith.constant 0 : index
        %parallel_loop3A_413 = tpu.vector_load %arg5[%parallel_loop3A_411, %parallel_loop3A_412] {strides = array<i32>} : memref<128x128xf32, #tpu.memory_space<vmem>>, vector<16xf32>,
        %parallel_loop3A_414 = arith.mulf %parallel_loop3A_413, %parallel_loop3A_410 : vector<16xf32>
        %parallel_loop3A_415 = arith.index_cast %parallel_loop3A_407 : i32 to index
        %parallel_loop3A_416 = arith.constant 0 : index
        %parallel_loop3A_417 = tpu.vector_load %arg5[%parallel_loop3A_415, %parallel_loop3A_416] {strides = array<i32>} : memref<128x128xf32, #tpu.memory_space<vmem>>, vector<16xf32>,
        tpu.vector_store %arg5[%parallel_loop3A_415, %parallel_loop3A_416], %parallel_loop3A_414 {strides = array<i32>} : memref<128x128xf32, #tpu.memory_space<vmem>>, vector<16xf32>,
        %parallel_loop3A_418 = arith.index_cast %parallel_loop3A_407 : i32 to index
        %parallel_loop3A_419 = arith.constant 16 : index
        %parallel_loop3A_420 = tpu.vector_load %arg5[%parallel_loop3A_418, %parallel_loop3A_419] {strides = array<i32>} : memref<128x128xf32, #tpu.memory_space<vmem>>, vector<16xf32>,
        %parallel_loop3A_421 = arith.mulf %parallel_loop3A_420, %parallel_loop3A_410 : vector<16xf32>
        %parallel_loop3A_422 = arith.index_cast %parallel_loop3A_407 : i32 to index
        %parallel_loop3A_423 = arith.constant 16 : index
        %parallel_loop3A_424 = tpu.vector_load %arg5[%parallel_loop3A_422, %parallel_loop3A_423] {strides = array<i32>} : memref<128x128xf32, #tpu.memory_space<vmem>>, vector<16xf32>,
        tpu.vector_store %arg5[%parallel_loop3A_422, %parallel_loop3A_423], %parallel_loop3A_421 {strides = array<i32>} : memref<128x128xf32, #tpu.memory_space<vmem>>, vector<16xf32>,
        %parallel_loop3A_425 = arith.index_cast %parallel_loop3A_407 : i32 to index
        %parallel_loop3A_426 = arith.constant 32 : index
        %parallel_loop3A_427 = tpu.vector_load %arg5[%parallel_loop3A_425, %parallel_loop3A_426] {strides = array<i32>} : memref<128x128xf32, #tpu.memory_space<vmem>>, vector<16xf32>,
        %parallel_loop3A_428 = arith.mulf %parallel_loop3A_427, %parallel_loop3A_410 : vector<16xf32>
        %parallel_loop3A_429 = arith.index_cast %parallel_loop3A_407 : i32 to index
        %parallel_loop3A_430 = arith.constant 32 : index
        %parallel_loop3A_431 = tpu.vector_load %arg5[%parallel_loop3A_429, %parallel_loop3A_430] {strides = array<i32>} : memref<128x128xf32, #tpu.memory_space<vmem>>, vector<16xf32>,
        tpu.vector_store %arg5[%parallel_loop3A_429, %parallel_loop3A_430], %parallel_loop3A_428 {strides = array<i32>} : memref<128x128xf32, #tpu.memory_space<vmem>>, vector<16xf32>,
        %parallel_loop3A_432 = arith.index_cast %parallel_loop3A_407 : i32 to index
        %parallel_loop3A_433 = arith.constant 48 : index
        %parallel_loop3A_434 = tpu.vector_load %arg5[%parallel_loop3A_432, %parallel_loop3A_433] {strides = array<i32>} : memref<128x128xf32, #tpu.memory_space<vmem>>, vector<16xf32>,
        %parallel_loop3A_435 = arith.mulf %parallel_loop3A_434, %parallel_loop3A_410 : vector<16xf32>
        %parallel_loop3A_436 = arith.index_cast %parallel_loop3A_407 : i32 to index
        %parallel_loop3A_437 = arith.constant 48 : index
        %parallel_loop3A_438 = tpu.vector_load %arg5[%parallel_loop3A_436, %parallel_loop3A_437] {strides = array<i32>} : memref<128x128xf32, #tpu.memory_space<vmem>>, vector<16xf32>,
        tpu.vector_store %arg5[%parallel_loop3A_436, %parallel_loop3A_437], %parallel_loop3A_435 {strides = array<i32>} : memref<128x128xf32, #tpu.memory_space<vmem>>, vector<16xf32>,
        %parallel_loop3A_439 = arith.index_cast %parallel_loop3A_407 : i32 to index
        %parallel_loop3A_440 = arith.constant 64 : index
        %parallel_loop3A_441 = tpu.vector_load %arg5[%parallel_loop3A_439, %parallel_loop3A_440] {strides = array<i32>} : memref<128x128xf32, #tpu.memory_space<vmem>>, vector<16xf32>,
        %parallel_loop3A_442 = arith.mulf %parallel_loop3A_441, %parallel_loop3A_410 : vector<16xf32>
        %parallel_loop3A_443 = arith.index_cast %parallel_loop3A_407 : i32 to index
        %parallel_loop3A_444 = arith.constant 64 : index
        %parallel_loop3A_445 = tpu.vector_load %arg5[%parallel_loop3A_443, %parallel_loop3A_444] {strides = array<i32>} : memref<128x128xf32, #tpu.memory_space<vmem>>, vector<16xf32>,
        tpu.vector_store %arg5[%parallel_loop3A_443, %parallel_loop3A_444], %parallel_loop3A_442 {strides = array<i32>} : memref<128x128xf32, #tpu.memory_space<vmem>>, vector<16xf32>,
        %parallel_loop3A_446 = arith.index_cast %parallel_loop3A_407 : i32 to index
        %parallel_loop3A_447 = arith.constant 80 : index
        %parallel_loop3A_448 = tpu.vector_load %arg5[%parallel_loop3A_446, %parallel_loop3A_447] {strides = array<i32>} : memref<128x128xf32, #tpu.memory_space<vmem>>, vector<16xf32>,
        %parallel_loop3A_449 = arith.mulf %parallel_loop3A_448, %parallel_loop3A_410 : vector<16xf32>
        %parallel_loop3A_450 = arith.index_cast %parallel_loop3A_407 : i32 to index
        %parallel_loop3A_451 = arith.constant 80 : index
        %parallel_loop3A_452 = tpu.vector_load %arg5[%parallel_loop3A_450, %parallel_loop3A_451] {strides = array<i32>} : memref<128x128xf32, #tpu.memory_space<vmem>>, vector<16xf32>,
        tpu.vector_store %arg5[%parallel_loop3A_450, %parallel_loop3A_451], %parallel_loop3A_449 {strides = array<i32>} : memref<128x128xf32, #tpu.memory_space<vmem>>, vector<16xf32>,
        %parallel_loop3A_453 = arith.index_cast %parallel_loop3A_407 : i32 to index
        %parallel_loop3A_454 = arith.constant 96 : index
        %parallel_loop3A_455 = tpu.vector_load %arg5[%parallel_loop3A_453, %parallel_loop3A_454] {strides = array<i32>} : memref<128x128xf32, #tpu.memory_space<vmem>>, vector<16xf32>,
        %parallel_loop3A_456 = arith.mulf %parallel_loop3A_455, %parallel_loop3A_410 : vector<16xf32>
        %parallel_loop3A_457 = arith.index_cast %parallel_loop3A_407 : i32 to index
        %parallel_loop3A_458 = arith.constant 96 : index
        %parallel_loop3A_459 = tpu.vector_load %arg5[%parallel_loop3A_457, %parallel_loop3A_458] {strides = array<i32>} : memref<128x128xf32, #tpu.memory_space<vmem>>, vector<16xf32>,
        tpu.vector_store %arg5[%parallel_loop3A_457, %parallel_loop3A_458], %parallel_loop3A_456 {strides = array<i32>} : memref<128x128xf32, #tpu.memory_space<vmem>>, vector<16xf32>,
        %parallel_loop3A_460 = arith.index_cast %parallel_loop3A_407 : i32 to index
        %parallel_loop3A_461 = arith.constant 112 : index
        %parallel_loop3A_462 = tpu.vector_load %arg5[%parallel_loop3A_460, %parallel_loop3A_461] {strides = array<i32>} : memref<128x128xf32, #tpu.memory_space<vmem>>, vector<16xf32>,
        %parallel_loop3A_463 = arith.mulf %parallel_loop3A_462, %parallel_loop3A_410 : vector<16xf32>
        %parallel_loop3A_464 = arith.index_cast %parallel_loop3A_407 : i32 to index
        %parallel_loop3A_465 = arith.constant 112 : index
        %parallel_loop3A_466 = tpu.vector_load %arg5[%parallel_loop3A_464, %parallel_loop3A_465] {strides = array<i32>} : memref<128x128xf32, #tpu.memory_space<vmem>>, vector<16xf32>,
        tpu.vector_store %arg5[%parallel_loop3A_464, %parallel_loop3A_465], %parallel_loop3A_463 {strides = array<i32>} : memref<128x128xf32, #tpu.memory_space<vmem>>, vector<16xf32>,
      } {sc.loop_unroll_factor = 4 : i64, sc.parallel_access}
      "tpu.region"() ({
        %run_scoped3A = tpu.sem_alloc : memref<!tpu.dma_semaphore, #tpu.memory_space<semaphore_mem>>
        %dma_start3A_407 = arith.constant 0 : i32
        %dma_start3A_408 = arith.constant 0 : i32
        %dma_start3A_409 = tpu.memref_slice %arg17[%dma_start3A_407, %dma_start3A_408] : memref<10000x128xf32, #tpu.memory_space<vmem_shared>> -> memref<10000x128xf32, #tpu.memory_space<vmem_shared>>
        tpu.enqueue_indirect_dma source(%arg5 : memref<128x128xf32, #tpu.memory_space<vmem>>) target(%dma_start3A_409 : memref<10000x128xf32, #tpu.memory_space<vmem_shared>>) offsets(%arg8 : memref<128xi32, #tpu.memory_space<vmem>>) semaphore(%run_scoped3A : memref<!tpu.dma_semaphore, #tpu.memory_space<semaphore_mem>>) {add = true}
        %dma_wait3A_410 = arith.constant 0 : i32
        %dma_wait3A_411 = arith.constant 0 : i32
        %dma_wait3A_412 = tpu.memref_slice %arg17[%dma_wait3A_410, %dma_wait3A_411] : memref<10000x128xf32, #tpu.memory_space<vmem_shared>> -> memref<10000x128xf32, #tpu.memory_space<vmem_shared>>
        tpu.wait_indirect_dma semaphore(%run_scoped3A : memref<!tpu.dma_semaphore, #tpu.memory_space<semaphore_mem>>) src(%arg5 : memref<128x128xf32, #tpu.memory_space<vmem>>) dst(%dma_wait3A_412 : memref<10000x128xf32, #tpu.memory_space<vmem_shared>>)
        tpu.yield
      }) : () -> ()
      %add3A_259 = arith.constant 3 : i32
      %add3A_260 = arith.addi %mul3A_252, %add3A_259 : i32
      %mul3A_261 = arith.constant 3 : i32
      %mul3A_262 = arith.muli %add3A_260, %mul3A_261 : i32
      %mul3A_263 = arith.constant 128 : i32
      %mul3A_264 = arith.muli %mul3A_262, %mul3A_263 : i32
      %multiple_of3A_265 = tpu.assume_multiple %mul3A_264, 8 : i32
      %dma_start3A_266 = tpu.memref_slice %arg3[%add3A, %multiple_of3A_265] : memref<32x31104xi32, #tpu.memory_space<hbm>> -> memref<1x128xi32, #tpu.memory_space<hbm>>
      %dma_start3A_267 = tpu.memref_squeeze %dma_start3A_266 : memref<1x128xi32, #tpu.memory_space<hbm>> -> memref<128xi32, #tpu.memory_space<hbm>>
      %dma_start3A_268 = tpu.memref_slice %arg3[%add3A, %multiple_of3A_265] : memref<32x31104xi32, #tpu.memory_space<hbm>> -> memref<1x128xi32, #tpu.memory_space<hbm>>
      %dma_start3A_269 = tpu.memref_squeeze %dma_start3A_268 : memref<1x128xi32, #tpu.memory_space<hbm>> -> memref<128xi32, #tpu.memory_space<hbm>>
      tpu.enqueue_dma source(%dma_start3A_269 : memref<128xi32, #tpu.memory_space<hbm>>) target(%arg8 : memref<128xi32, #tpu.memory_space<vmem>>) target_semaphore(%arg18 : memref<!tpu.dma_semaphore, #tpu.memory_space<semaphore_mem>>)
      %add3A_270 = arith.constant 128 : i32
      %add3A_271 = arith.addi %multiple_of3A_265, %add3A_270 : i32
      %dma_start3A_272 = tpu.memref_slice %arg3[%add3A, %add3A_271] : memref<32x31104xi32, #tpu.memory_space<hbm>> -> memref<1x128xi32, #tpu.memory_space<hbm>>
      %dma_start3A_273 = tpu.memref_squeeze %dma_start3A_272 : memref<1x128xi32, #tpu.memory_space<hbm>> -> memref<128xi32, #tpu.memory_space<hbm>>
      %dma_start3A_274 = tpu.memref_slice %arg3[%add3A, %add3A_271] : memref<32x31104xi32, #tpu.memory_space<hbm>> -> memref<1x128xi32, #tpu.memory_space<hbm>>
      %dma_start3A_275 = tpu.memref_squeeze %dma_start3A_274 : memref<1x128xi32, #tpu.memory_space<hbm>> -> memref<128xi32, #tpu.memory_space<hbm>>
      tpu.enqueue_dma source(%dma_start3A_275 : memref<128xi32, #tpu.memory_space<hbm>>) target(%arg11 : memref<128xi32, #tpu.memory_space<vmem>>) target_semaphore(%arg21 : memref<!tpu.dma_semaphore, #tpu.memory_space<semaphore_mem>>)
      %add3A_276 = arith.constant 256 : i32
      %add3A_277 = arith.addi %multiple_of3A_265, %add3A_276 : i32
      %dma_start3A_278 = tpu.memref_slice %arg3[%add3A, %add3A_277] : memref<32x31104xi32, #tpu.memory_space<hbm>> -> memref<1x128xi32, #tpu.memory_space<hbm>>
      %dma_start3A_279 = tpu.memref_squeeze %dma_start3A_278 : memref<1x128xi32, #tpu.memory_space<hbm>> -> memref<128xi32, #tpu.memory_space<hbm>>
      %dma_start3A_280 = tpu.memref_slice %arg3[%add3A, %add3A_277] : memref<32x31104xi32, #tpu.memory_space<hbm>> -> memref<1x128xi32, #tpu.memory_space<hbm>>
      %dma_start3A_281 = tpu.memref_squeeze %dma_start3A_280 : memref<1x128xi32, #tpu.memory_space<hbm>> -> memref<128xi32, #tpu.memory_space<hbm>>
      tpu.enqueue_dma source(%dma_start3A_281 : memref<128xi32, #tpu.memory_space<hbm>>) target(%arg14 : memref<128xi32, #tpu.memory_space<vmem>>) target_semaphore(%arg24 : memref<!tpu.dma_semaphore, #tpu.memory_space<semaphore_mem>>)
      %dma_wait3A_282 = arith.constant 0 : i32
      %dma_wait3A_283 = tpu.memref_slice %arg3[%add3A, %dma_wait3A_282] : memref<32x31104xi32, #tpu.memory_space<hbm>> -> memref<1x128xi32, #tpu.memory_space<hbm>>
      %dma_wait3A_284 = tpu.memref_squeeze %dma_wait3A_283 : memref<1x128xi32, #tpu.memory_space<hbm>> -> memref<128xi32, #tpu.memory_space<hbm>>
      %dma_wait3A_285 = arith.constant 0 : i32
      %dma_wait3A_286 = tpu.memref_slice %arg3[%add3A, %dma_wait3A_285] : memref<32x31104xi32, #tpu.memory_space<hbm>> -> memref<1x128xi32, #tpu.memory_space<hbm>>
      %dma_wait3A_287 = tpu.memref_squeeze %dma_wait3A_286 : memref<1x128xi32, #tpu.memory_space<hbm>> -> memref<128xi32, #tpu.memory_space<hbm>>
      tpu.wait_dma2 semaphore(%arg20 : memref<!tpu.dma_semaphore, #tpu.memory_space<semaphore_mem>>) src(%dma_wait3A_287 : memref<128xi32, #tpu.memory_space<hbm>>) dst(%arg10 : memref<128xi32, #tpu.memory_space<vmem>>)
      %dma_wait3A_288 = arith.constant 0 : i32
      %dma_wait3A_289 = tpu.memref_slice %arg3[%add3A, %dma_wait3A_288] : memref<32x31104xi32, #tpu.memory_space<hbm>> -> memref<1x128xi32, #tpu.memory_space<hbm>>
      %dma_wait3A_290 = tpu.memref_squeeze %dma_wait3A_289 : memref<1x128xi32, #tpu.memory_space<hbm>> -> memref<128xi32, #tpu.memory_space<hbm>>
      %dma_wait3A_291 = arith.constant 0 : i32
      %dma_wait3A_292 = tpu.memref_slice %arg3[%add3A, %dma_wait3A_291] : memref<32x31104xi32, #tpu.memory_space<hbm>> -> memref<1x128xi32, #tpu.memory_space<hbm>>
      %dma_wait3A_293 = tpu.memref_squeeze %dma_wait3A_292 : memref<1x128xi32, #tpu.memory_space<hbm>> -> memref<128xi32, #tpu.memory_space<hbm>>
      tpu.wait_dma2 semaphore(%arg23 : memref<!tpu.dma_semaphore, #tpu.memory_space<semaphore_mem>>) src(%dma_wait3A_293 : memref<128xi32, #tpu.memory_space<hbm>>) dst(%arg13 : memref<128xi32, #tpu.memory_space<vmem>>)
      %dma_wait3A_294 = arith.constant 0 : i32
      %dma_wait3A_295 = tpu.memref_slice %arg3[%add3A, %dma_wait3A_294] : memref<32x31104xi32, #tpu.memory_space<hbm>> -> memref<1x128xi32, #tpu.memory_space<hbm>>
      %dma_wait3A_296 = tpu.memref_squeeze %dma_wait3A_295 : memref<1x128xi32, #tpu.memory_space<hbm>> -> memref<128xi32, #tpu.memory_space<hbm>>
      %dma_wait3A_297 = arith.constant 0 : i32
      %dma_wait3A_298 = tpu.memref_slice %arg3[%add3A, %dma_wait3A_297] : memref<32x31104xi32, #tpu.memory_space<hbm>> -> memref<1x128xi32, #tpu.memory_space<hbm>>
      %dma_wait3A_299 = tpu.memref_squeeze %dma_wait3A_298 : memref<1x128xi32, #tpu.memory_space<hbm>> -> memref<128xi32, #tpu.memory_space<hbm>>
      tpu.wait_dma2 semaphore(%arg26 : memref<!tpu.dma_semaphore, #tpu.memory_space<semaphore_mem>>) src(%dma_wait3A_299 : memref<128xi32, #tpu.memory_space<hbm>>) dst(%arg16 : memref<128xi32, #tpu.memory_space<vmem>>)
      %dma_start3A_300 = arith.constant 0 : i32
      %dma_start3A_301 = arith.constant 0 : i32
      %dma_start3A_302 = tpu.memref_slice %arg2[%dma_start3A_300, %dma_start3A_301] : memref<10000x128xf32, #tpu.memory_space<hbm>> -> memref<10000x128xf32, #tpu.memory_space<hbm>>
      tpu.enqueue_indirect_dma source(%dma_start3A_302 : memref<10000x128xf32, #tpu.memory_space<hbm>>) target(%arg7 : memref<128x128xf32, #tpu.memory_space<vmem>>) offsets(%arg13 : memref<128xi32, #tpu.memory_space<vmem>>) semaphore(%arg29 : memref<!tpu.dma_semaphore, #tpu.memory_space<semaphore_mem>>)
      %add3A_303 = arith.constant 1 : i32
      %add3A_304 = arith.addi %mul3A_252, %add3A_303 : i32
      %dma_wait3A_305 = arith.constant 0 : i32
      %dma_wait3A_306 = arith.constant 0 : i32
      %dma_wait3A_307 = tpu.memref_slice %arg2[%dma_wait3A_305, %dma_wait3A_306] : memref<10000x128xf32, #tpu.memory_space<hbm>> -> memref<10000x128xf32, #tpu.memory_space<hbm>>
      tpu.wait_indirect_dma semaphore(%arg28 : memref<!tpu.dma_semaphore, #tpu.memory_space<semaphore_mem>>) src(%dma_wait3A_307 : memref<10000x128xf32, #tpu.memory_space<hbm>>) dst(%arg6 : memref<128x128xf32, #tpu.memory_space<vmem>>)
      %parallel_loop3A_308 = arith.constant 0 : i32
      %parallel_loop3A_309 = arith.constant 128 : i32
      %parallel_loop3A_310 = arith.constant 1 : i32
      scf.for %parallel_loop3A_407 = %parallel_loop3A_308 to %parallel_loop3A_309 step %parallel_loop3A_310  : i32 {
        %parallel_loop3A_408 = vector.broadcast %parallel_loop3A_407 : i32 to vector<16xi32>
        %parallel_loop3A_409 = tpu.vector_load_idx %arg15[%parallel_loop3A_408] : memref<128xi32, #tpu.memory_space<vmem>>[vector<16xi32>], vector<16xi32>,
        %parallel_loop3A_410 = vector.bitcast %parallel_loop3A_409 : vector<16xi32> to vector<16xf32>
        %parallel_loop3A_411 = arith.index_cast %parallel_loop3A_407 : i32 to index
        %parallel_loop3A_412 = arith.constant 0 : index
        %parallel_loop3A_413 = tpu.vector_load %arg6[%parallel_loop3A_411, %parallel_loop3A_412] {strides = array<i32>} : memref<128x128xf32, #tpu.memory_space<vmem>>, vector<16xf32>,
        %parallel_loop3A_414 = arith.mulf %parallel_loop3A_413, %parallel_loop3A_410 : vector<16xf32>
        %parallel_loop3A_415 = arith.index_cast %parallel_loop3A_407 : i32 to index
        %parallel_loop3A_416 = arith.constant 0 : index
        %parallel_loop3A_417 = tpu.vector_load %arg6[%parallel_loop3A_415, %parallel_loop3A_416] {strides = array<i32>} : memref<128x128xf32, #tpu.memory_space<vmem>>, vector<16xf32>,
        tpu.vector_store %arg6[%parallel_loop3A_415, %parallel_loop3A_416], %parallel_loop3A_414 {strides = array<i32>} : memref<128x128xf32, #tpu.memory_space<vmem>>, vector<16xf32>,
        %parallel_loop3A_418 = arith.index_cast %parallel_loop3A_407 : i32 to index
        %parallel_loop3A_419 = arith.constant 16 : index
        %parallel_loop3A_420 = tpu.vector_load %arg6[%parallel_loop3A_418, %parallel_loop3A_419] {strides = array<i32>} : memref<128x128xf32, #tpu.memory_space<vmem>>, vector<16xf32>,
        %parallel_loop3A_421 = arith.mulf %parallel_loop3A_420, %parallel_loop3A_410 : vector<16xf32>
        %parallel_loop3A_422 = arith.index_cast %parallel_loop3A_407 : i32 to index
        %parallel_loop3A_423 = arith.constant 16 : index
        %parallel_loop3A_424 = tpu.vector_load %arg6[%parallel_loop3A_422, %parallel_loop3A_423] {strides = array<i32>} : memref<128x128xf32, #tpu.memory_space<vmem>>, vector<16xf32>,
        tpu.vector_store %arg6[%parallel_loop3A_422, %parallel_loop3A_423], %parallel_loop3A_421 {strides = array<i32>} : memref<128x128xf32, #tpu.memory_space<vmem>>, vector<16xf32>,
        %parallel_loop3A_425 = arith.index_cast %parallel_loop3A_407 : i32 to index
        %parallel_loop3A_426 = arith.constant 32 : index
        %parallel_loop3A_427 = tpu.vector_load %arg6[%parallel_loop3A_425, %parallel_loop3A_426] {strides = array<i32>} : memref<128x128xf32, #tpu.memory_space<vmem>>, vector<16xf32>,
        %parallel_loop3A_428 = arith.mulf %parallel_loop3A_427, %parallel_loop3A_410 : vector<16xf32>
        %parallel_loop3A_429 = arith.index_cast %parallel_loop3A_407 : i32 to index
        %parallel_loop3A_430 = arith.constant 32 : index
        %parallel_loop3A_431 = tpu.vector_load %arg6[%parallel_loop3A_429, %parallel_loop3A_430] {strides = array<i32>} : memref<128x128xf32, #tpu.memory_space<vmem>>, vector<16xf32>,
        tpu.vector_store %arg6[%parallel_loop3A_429, %parallel_loop3A_430], %parallel_loop3A_428 {strides = array<i32>} : memref<128x128xf32, #tpu.memory_space<vmem>>, vector<16xf32>,
        %parallel_loop3A_432 = arith.index_cast %parallel_loop3A_407 : i32 to index
        %parallel_loop3A_433 = arith.constant 48 : index
        %parallel_loop3A_434 = tpu.vector_load %arg6[%parallel_loop3A_432, %parallel_loop3A_433] {strides = array<i32>} : memref<128x128xf32, #tpu.memory_space<vmem>>, vector<16xf32>,
        %parallel_loop3A_435 = arith.mulf %parallel_loop3A_434, %parallel_loop3A_410 : vector<16xf32>
        %parallel_loop3A_436 = arith.index_cast %parallel_loop3A_407 : i32 to index
        %parallel_loop3A_437 = arith.constant 48 : index
        %parallel_loop3A_438 = tpu.vector_load %arg6[%parallel_loop3A_436, %parallel_loop3A_437] {strides = array<i32>} : memref<128x128xf32, #tpu.memory_space<vmem>>, vector<16xf32>,
        tpu.vector_store %arg6[%parallel_loop3A_436, %parallel_loop3A_437], %parallel_loop3A_435 {strides = array<i32>} : memref<128x128xf32, #tpu.memory_space<vmem>>, vector<16xf32>,
        %parallel_loop3A_439 = arith.index_cast %parallel_loop3A_407 : i32 to index
        %parallel_loop3A_440 = arith.constant 64 : index
        %parallel_loop3A_441 = tpu.vector_load %arg6[%parallel_loop3A_439, %parallel_loop3A_440] {strides = array<i32>} : memref<128x128xf32, #tpu.memory_space<vmem>>, vector<16xf32>,
        %parallel_loop3A_442 = arith.mulf %parallel_loop3A_441, %parallel_loop3A_410 : vector<16xf32>
        %parallel_loop3A_443 = arith.index_cast %parallel_loop3A_407 : i32 to index
        %parallel_loop3A_444 = arith.constant 64 : index
        %parallel_loop3A_445 = tpu.vector_load %arg6[%parallel_loop3A_443, %parallel_loop3A_444] {strides = array<i32>} : memref<128x128xf32, #tpu.memory_space<vmem>>, vector<16xf32>,
        tpu.vector_store %arg6[%parallel_loop3A_443, %parallel_loop3A_444], %parallel_loop3A_442 {strides = array<i32>} : memref<128x128xf32, #tpu.memory_space<vmem>>, vector<16xf32>,
        %parallel_loop3A_446 = arith.index_cast %parallel_loop3A_407 : i32 to index
        %parallel_loop3A_447 = arith.constant 80 : index
        %parallel_loop3A_448 = tpu.vector_load %arg6[%parallel_loop3A_446, %parallel_loop3A_447] {strides = array<i32>} : memref<128x128xf32, #tpu.memory_space<vmem>>, vector<16xf32>,
        %parallel_loop3A_449 = arith.mulf %parallel_loop3A_448, %parallel_loop3A_410 : vector<16xf32>
        %parallel_loop3A_450 = arith.index_cast %parallel_loop3A_407 : i32 to index
        %parallel_loop3A_451 = arith.constant 80 : index
        %parallel_loop3A_452 = tpu.vector_load %arg6[%parallel_loop3A_450, %parallel_loop3A_451] {strides = array<i32>} : memref<128x128xf32, #tpu.memory_space<vmem>>, vector<16xf32>,
        tpu.vector_store %arg6[%parallel_loop3A_450, %parallel_loop3A_451], %parallel_loop3A_449 {strides = array<i32>} : memref<128x128xf32, #tpu.memory_space<vmem>>, vector<16xf32>,
        %parallel_loop3A_453 = arith.index_cast %parallel_loop3A_407 : i32 to index
        %parallel_loop3A_454 = arith.constant 96 : index
        %parallel_loop3A_455 = tpu.vector_load %arg6[%parallel_loop3A_453, %parallel_loop3A_454] {strides = array<i32>} : memref<128x128xf32, #tpu.memory_space<vmem>>, vector<16xf32>,
        %parallel_loop3A_456 = arith.mulf %parallel_loop3A_455, %parallel_loop3A_410 : vector<16xf32>
        %parallel_loop3A_457 = arith.index_cast %parallel_loop3A_407 : i32 to index
        %parallel_loop3A_458 = arith.constant 96 : index
        %parallel_loop3A_459 = tpu.vector_load %arg6[%parallel_loop3A_457, %parallel_loop3A_458] {strides = array<i32>} : memref<128x128xf32, #tpu.memory_space<vmem>>, vector<16xf32>,
        tpu.vector_store %arg6[%parallel_loop3A_457, %parallel_loop3A_458], %parallel_loop3A_456 {strides = array<i32>} : memref<128x128xf32, #tpu.memory_space<vmem>>, vector<16xf32>,
        %parallel_loop3A_460 = arith.index_cast %parallel_loop3A_407 : i32 to index
        %parallel_loop3A_461 = arith.constant 112 : index
        %parallel_loop3A_462 = tpu.vector_load %arg6[%parallel_loop3A_460, %parallel_loop3A_461] {strides = array<i32>} : memref<128x128xf32, #tpu.memory_space<vmem>>, vector<16xf32>,
        %parallel_loop3A_463 = arith.mulf %parallel_loop3A_462, %parallel_loop3A_410 : vector<16xf32>
        %parallel_loop3A_464 = arith.index_cast %parallel_loop3A_407 : i32 to index
        %parallel_loop3A_465 = arith.constant 112 : index
        %parallel_loop3A_466 = tpu.vector_load %arg6[%parallel_loop3A_464, %parallel_loop3A_465] {strides = array<i32>} : memref<128x128xf32, #tpu.memory_space<vmem>>, vector<16xf32>,
        tpu.vector_store %arg6[%parallel_loop3A_464, %parallel_loop3A_465], %parallel_loop3A_463 {strides = array<i32>} : memref<128x128xf32, #tpu.memory_space<vmem>>, vector<16xf32>,
      } {sc.loop_unroll_factor = 4 : i64, sc.parallel_access}
      "tpu.region"() ({
        %run_scoped3A = tpu.sem_alloc : memref<!tpu.dma_semaphore, #tpu.memory_space<semaphore_mem>>
        %dma_start3A_407 = arith.constant 0 : i32
        %dma_start3A_408 = arith.constant 0 : i32
        %dma_start3A_409 = tpu.memref_slice %arg17[%dma_start3A_407, %dma_start3A_408] : memref<10000x128xf32, #tpu.memory_space<vmem_shared>> -> memref<10000x128xf32, #tpu.memory_space<vmem_shared>>
        tpu.enqueue_indirect_dma source(%arg6 : memref<128x128xf32, #tpu.memory_space<vmem>>) target(%dma_start3A_409 : memref<10000x128xf32, #tpu.memory_space<vmem_shared>>) offsets(%arg9 : memref<128xi32, #tpu.memory_space<vmem>>) semaphore(%run_scoped3A : memref<!tpu.dma_semaphore, #tpu.memory_space<semaphore_mem>>) {add = true}
        %dma_wait3A_410 = arith.constant 0 : i32
        %dma_wait3A_411 = arith.constant 0 : i32
        %dma_wait3A_412 = tpu.memref_slice %arg17[%dma_wait3A_410, %dma_wait3A_411] : memref<10000x128xf32, #tpu.memory_space<vmem_shared>> -> memref<10000x128xf32, #tpu.memory_space<vmem_shared>>
        tpu.wait_indirect_dma semaphore(%run_scoped3A : memref<!tpu.dma_semaphore, #tpu.memory_space<semaphore_mem>>) src(%arg6 : memref<128x128xf32, #tpu.memory_space<vmem>>) dst(%dma_wait3A_412 : memref<10000x128xf32, #tpu.memory_space<vmem_shared>>)
        tpu.yield
      }) : () -> ()
      %add3A_311 = arith.constant 3 : i32
      %add3A_312 = arith.addi %add3A_304, %add3A_311 : i32
      %mul3A_313 = arith.constant 3 : i32
      %mul3A_314 = arith.muli %add3A_312, %mul3A_313 : i32
      %mul3A_315 = arith.constant 128 : i32
      %mul3A_316 = arith.muli %mul3A_314, %mul3A_315 : i32
      %multiple_of3A_317 = tpu.assume_multiple %mul3A_316, 8 : i32
      %dma_start3A_318 = tpu.memref_slice %arg3[%add3A, %multiple_of3A_317] : memref<32x31104xi32, #tpu.memory_space<hbm>> -> memref<1x128xi32, #tpu.memory_space<hbm>>
      %dma_start3A_319 = tpu.memref_squeeze %dma_start3A_318 : memref<1x128xi32, #tpu.memory_space<hbm>> -> memref<128xi32, #tpu.memory_space<hbm>>
      %dma_start3A_320 = tpu.memref_slice %arg3[%add3A, %multiple_of3A_317] : memref<32x31104xi32, #tpu.memory_space<hbm>> -> memref<1x128xi32, #tpu.memory_space<hbm>>
      %dma_start3A_321 = tpu.memref_squeeze %dma_start3A_320 : memref<1x128xi32, #tpu.memory_space<hbm>> -> memref<128xi32, #tpu.memory_space<hbm>>
      tpu.enqueue_dma source(%dma_start3A_321 : memref<128xi32, #tpu.memory_space<hbm>>) target(%arg9 : memref<128xi32, #tpu.memory_space<vmem>>) target_semaphore(%arg19 : memref<!tpu.dma_semaphore, #tpu.memory_space<semaphore_mem>>)
      %add3A_322 = arith.constant 128 : i32
      %add3A_323 = arith.addi %multiple_of3A_317, %add3A_322 : i32
      %dma_start3A_324 = tpu.memref_slice %arg3[%add3A, %add3A_323] : memref<32x31104xi32, #tpu.memory_space<hbm>> -> memref<1x128xi32, #tpu.memory_space<hbm>>
      %dma_start3A_325 = tpu.memref_squeeze %dma_start3A_324 : memref<1x128xi32, #tpu.memory_space<hbm>> -> memref<128xi32, #tpu.memory_space<hbm>>
      %dma_start3A_326 = tpu.memref_slice %arg3[%add3A, %add3A_323] : memref<32x31104xi32, #tpu.memory_space<hbm>> -> memref<1x128xi32, #tpu.memory_space<hbm>>
      %dma_start3A_327 = tpu.memref_squeeze %dma_start3A_326 : memref<1x128xi32, #tpu.memory_space<hbm>> -> memref<128xi32, #tpu.memory_space<hbm>>
      tpu.enqueue_dma source(%dma_start3A_327 : memref<128xi32, #tpu.memory_space<hbm>>) target(%arg12 : memref<128xi32, #tpu.memory_space<vmem>>) target_semaphore(%arg22 : memref<!tpu.dma_semaphore, #tpu.memory_space<semaphore_mem>>)
      %add3A_328 = arith.constant 256 : i32
      %add3A_329 = arith.addi %multiple_of3A_317, %add3A_328 : i32
      %dma_start3A_330 = tpu.memref_slice %arg3[%add3A, %add3A_329] : memref<32x31104xi32, #tpu.memory_space<hbm>> -> memref<1x128xi32, #tpu.memory_space<hbm>>
      %dma_start3A_331 = tpu.memref_squeeze %dma_start3A_330 : memref<1x128xi32, #tpu.memory_space<hbm>> -> memref<128xi32, #tpu.memory_space<hbm>>
      %dma_start3A_332 = tpu.memref_slice %arg3[%add3A, %add3A_329] : memref<32x31104xi32, #tpu.memory_space<hbm>> -> memref<1x128xi32, #tpu.memory_space<hbm>>
      %dma_start3A_333 = tpu.memref_squeeze %dma_start3A_332 : memref<1x128xi32, #tpu.memory_space<hbm>> -> memref<128xi32, #tpu.memory_space<hbm>>
      tpu.enqueue_dma source(%dma_start3A_333 : memref<128xi32, #tpu.memory_space<hbm>>) target(%arg15 : memref<128xi32, #tpu.memory_space<vmem>>) target_semaphore(%arg25 : memref<!tpu.dma_semaphore, #tpu.memory_space<semaphore_mem>>)
      %dma_wait3A_334 = arith.constant 0 : i32
      %dma_wait3A_335 = tpu.memref_slice %arg3[%add3A, %dma_wait3A_334] : memref<32x31104xi32, #tpu.memory_space<hbm>> -> memref<1x128xi32, #tpu.memory_space<hbm>>
      %dma_wait3A_336 = tpu.memref_squeeze %dma_wait3A_335 : memref<1x128xi32, #tpu.memory_space<hbm>> -> memref<128xi32, #tpu.memory_space<hbm>>
      %dma_wait3A_337 = arith.constant 0 : i32
      %dma_wait3A_338 = tpu.memref_slice %arg3[%add3A, %dma_wait3A_337] : memref<32x31104xi32, #tpu.memory_space<hbm>> -> memref<1x128xi32, #tpu.memory_space<hbm>>
      %dma_wait3A_339 = tpu.memref_squeeze %dma_wait3A_338 : memref<1x128xi32, #tpu.memory_space<hbm>> -> memref<128xi32, #tpu.memory_space<hbm>>
      tpu.wait_dma2 semaphore(%arg18 : memref<!tpu.dma_semaphore, #tpu.memory_space<semaphore_mem>>) src(%dma_wait3A_339 : memref<128xi32, #tpu.memory_space<hbm>>) dst(%arg8 : memref<128xi32, #tpu.memory_space<vmem>>)
      %dma_wait3A_340 = arith.constant 0 : i32
      %dma_wait3A_341 = tpu.memref_slice %arg3[%add3A, %dma_wait3A_340] : memref<32x31104xi32, #tpu.memory_space<hbm>> -> memref<1x128xi32, #tpu.memory_space<hbm>>
      %dma_wait3A_342 = tpu.memref_squeeze %dma_wait3A_341 : memref<1x128xi32, #tpu.memory_space<hbm>> -> memref<128xi32, #tpu.memory_space<hbm>>
      %dma_wait3A_343 = arith.constant 0 : i32
      %dma_wait3A_344 = tpu.memref_slice %arg3[%add3A, %dma_wait3A_343] : memref<32x31104xi32, #tpu.memory_space<hbm>> -> memref<1x128xi32, #tpu.memory_space<hbm>>
      %dma_wait3A_345 = tpu.memref_squeeze %dma_wait3A_344 : memref<1x128xi32, #tpu.memory_space<hbm>> -> memref<128xi32, #tpu.memory_space<hbm>>
      tpu.wait_dma2 semaphore(%arg21 : memref<!tpu.dma_semaphore, #tpu.memory_space<semaphore_mem>>) src(%dma_wait3A_345 : memref<128xi32, #tpu.memory_space<hbm>>) dst(%arg11 : memref<128xi32, #tpu.memory_space<vmem>>)
      %dma_wait3A_346 = arith.constant 0 : i32
      %dma_wait3A_347 = tpu.memref_slice %arg3[%add3A, %dma_wait3A_346] : memref<32x31104xi32, #tpu.memory_space<hbm>> -> memref<1x128xi32, #tpu.memory_space<hbm>>
      %dma_wait3A_348 = tpu.memref_squeeze %dma_wait3A_347 : memref<1x128xi32, #tpu.memory_space<hbm>> -> memref<128xi32, #tpu.memory_space<hbm>>
      %dma_wait3A_349 = arith.constant 0 : i32
      %dma_wait3A_350 = tpu.memref_slice %arg3[%add3A, %dma_wait3A_349] : memref<32x31104xi32, #tpu.memory_space<hbm>> -> memref<1x128xi32, #tpu.memory_space<hbm>>
      %dma_wait3A_351 = tpu.memref_squeeze %dma_wait3A_350 : memref<1x128xi32, #tpu.memory_space<hbm>> -> memref<128xi32, #tpu.memory_space<hbm>>
      tpu.wait_dma2 semaphore(%arg24 : memref<!tpu.dma_semaphore, #tpu.memory_space<semaphore_mem>>) src(%dma_wait3A_351 : memref<128xi32, #tpu.memory_space<hbm>>) dst(%arg14 : memref<128xi32, #tpu.memory_space<vmem>>)
      %dma_start3A_352 = arith.constant 0 : i32
      %dma_start3A_353 = arith.constant 0 : i32
      %dma_start3A_354 = tpu.memref_slice %arg2[%dma_start3A_352, %dma_start3A_353] : memref<10000x128xf32, #tpu.memory_space<hbm>> -> memref<10000x128xf32, #tpu.memory_space<hbm>>
      tpu.enqueue_indirect_dma source(%dma_start3A_354 : memref<10000x128xf32, #tpu.memory_space<hbm>>) target(%arg5 : memref<128x128xf32, #tpu.memory_space<vmem>>) offsets(%arg11 : memref<128xi32, #tpu.memory_space<vmem>>) semaphore(%arg27 : memref<!tpu.dma_semaphore, #tpu.memory_space<semaphore_mem>>)
      %add3A_355 = arith.constant 2 : i32
      %add3A_356 = arith.addi %mul3A_252, %add3A_355 : i32
      %dma_wait3A_357 = arith.constant 0 : i32
      %dma_wait3A_358 = arith.constant 0 : i32
      %dma_wait3A_359 = tpu.memref_slice %arg2[%dma_wait3A_357, %dma_wait3A_358] : memref<10000x128xf32, #tpu.memory_space<hbm>> -> memref<10000x128xf32, #tpu.memory_space<hbm>>
      tpu.wait_indirect_dma semaphore(%arg29 : memref<!tpu.dma_semaphore, #tpu.memory_space<semaphore_mem>>) src(%dma_wait3A_359 : memref<10000x128xf32, #tpu.memory_space<hbm>>) dst(%arg7 : memref<128x128xf32, #tpu.memory_space<vmem>>)
      %parallel_loop3A_360 = arith.constant 0 : i32
      %parallel_loop3A_361 = arith.constant 128 : i32
      %parallel_loop3A_362 = arith.constant 1 : i32
      scf.for %parallel_loop3A_407 = %parallel_loop3A_360 to %parallel_loop3A_361 step %parallel_loop3A_362  : i32 {
        %parallel_loop3A_408 = vector.broadcast %parallel_loop3A_407 : i32 to vector<16xi32>
        %parallel_loop3A_409 = tpu.vector_load_idx %arg16[%parallel_loop3A_408] : memref<128xi32, #tpu.memory_space<vmem>>[vector<16xi32>], vector<16xi32>,
        %parallel_loop3A_410 = vector.bitcast %parallel_loop3A_409 : vector<16xi32> to vector<16xf32>
        %parallel_loop3A_411 = arith.index_cast %parallel_loop3A_407 : i32 to index
        %parallel_loop3A_412 = arith.constant 0 : index
        %parallel_loop3A_413 = tpu.vector_load %arg7[%parallel_loop3A_411, %parallel_loop3A_412] {strides = array<i32>} : memref<128x128xf32, #tpu.memory_space<vmem>>, vector<16xf32>,
        %parallel_loop3A_414 = arith.mulf %parallel_loop3A_413, %parallel_loop3A_410 : vector<16xf32>
        %parallel_loop3A_415 = arith.index_cast %parallel_loop3A_407 : i32 to index
        %parallel_loop3A_416 = arith.constant 0 : index
        %parallel_loop3A_417 = tpu.vector_load %arg7[%parallel_loop3A_415, %parallel_loop3A_416] {strides = array<i32>} : memref<128x128xf32, #tpu.memory_space<vmem>>, vector<16xf32>,
        tpu.vector_store %arg7[%parallel_loop3A_415, %parallel_loop3A_416], %parallel_loop3A_414 {strides = array<i32>} : memref<128x128xf32, #tpu.memory_space<vmem>>, vector<16xf32>,
        %parallel_loop3A_418 = arith.index_cast %parallel_loop3A_407 : i32 to index
        %parallel_loop3A_419 = arith.constant 16 : index
        %parallel_loop3A_420 = tpu.vector_load %arg7[%parallel_loop3A_418, %parallel_loop3A_419] {strides = array<i32>} : memref<128x128xf32, #tpu.memory_space<vmem>>, vector<16xf32>,
        %parallel_loop3A_421 = arith.mulf %parallel_loop3A_420, %parallel_loop3A_410 : vector<16xf32>
        %parallel_loop3A_422 = arith.index_cast %parallel_loop3A_407 : i32 to index
        %parallel_loop3A_423 = arith.constant 16 : index
        %parallel_loop3A_424 = tpu.vector_load %arg7[%parallel_loop3A_422, %parallel_loop3A_423] {strides = array<i32>} : memref<128x128xf32, #tpu.memory_space<vmem>>, vector<16xf32>,
        tpu.vector_store %arg7[%parallel_loop3A_422, %parallel_loop3A_423], %parallel_loop3A_421 {strides = array<i32>} : memref<128x128xf32, #tpu.memory_space<vmem>>, vector<16xf32>,
        %parallel_loop3A_425 = arith.index_cast %parallel_loop3A_407 : i32 to index
        %parallel_loop3A_426 = arith.constant 32 : index
        %parallel_loop3A_427 = tpu.vector_load %arg7[%parallel_loop3A_425, %parallel_loop3A_426] {strides = array<i32>} : memref<128x128xf32, #tpu.memory_space<vmem>>, vector<16xf32>,
        %parallel_loop3A_428 = arith.mulf %parallel_loop3A_427, %parallel_loop3A_410 : vector<16xf32>
        %parallel_loop3A_429 = arith.index_cast %parallel_loop3A_407 : i32 to index
        %parallel_loop3A_430 = arith.constant 32 : index
        %parallel_loop3A_431 = tpu.vector_load %arg7[%parallel_loop3A_429, %parallel_loop3A_430] {strides = array<i32>} : memref<128x128xf32, #tpu.memory_space<vmem>>, vector<16xf32>,
        tpu.vector_store %arg7[%parallel_loop3A_429, %parallel_loop3A_430], %parallel_loop3A_428 {strides = array<i32>} : memref<128x128xf32, #tpu.memory_space<vmem>>, vector<16xf32>,
        %parallel_loop3A_432 = arith.index_cast %parallel_loop3A_407 : i32 to index
        %parallel_loop3A_433 = arith.constant 48 : index
        %parallel_loop3A_434 = tpu.vector_load %arg7[%parallel_loop3A_432, %parallel_loop3A_433] {strides = array<i32>} : memref<128x128xf32, #tpu.memory_space<vmem>>, vector<16xf32>,
        %parallel_loop3A_435 = arith.mulf %parallel_loop3A_434, %parallel_loop3A_410 : vector<16xf32>
        %parallel_loop3A_436 = arith.index_cast %parallel_loop3A_407 : i32 to index
        %parallel_loop3A_437 = arith.constant 48 : index
        %parallel_loop3A_438 = tpu.vector_load %arg7[%parallel_loop3A_436, %parallel_loop3A_437] {strides = array<i32>} : memref<128x128xf32, #tpu.memory_space<vmem>>, vector<16xf32>,
        tpu.vector_store %arg7[%parallel_loop3A_436, %parallel_loop3A_437], %parallel_loop3A_435 {strides = array<i32>} : memref<128x128xf32, #tpu.memory_space<vmem>>, vector<16xf32>,
        %parallel_loop3A_439 = arith.index_cast %parallel_loop3A_407 : i32 to index
        %parallel_loop3A_440 = arith.constant 64 : index
        %parallel_loop3A_441 = tpu.vector_load %arg7[%parallel_loop3A_439, %parallel_loop3A_440] {strides = array<i32>} : memref<128x128xf32, #tpu.memory_space<vmem>>, vector<16xf32>,
        %parallel_loop3A_442 = arith.mulf %parallel_loop3A_441, %parallel_loop3A_410 : vector<16xf32>
        %parallel_loop3A_443 = arith.index_cast %parallel_loop3A_407 : i32 to index
        %parallel_loop3A_444 = arith.constant 64 : index
        %parallel_loop3A_445 = tpu.vector_load %arg7[%parallel_loop3A_443, %parallel_loop3A_444] {strides = array<i32>} : memref<128x128xf32, #tpu.memory_space<vmem>>, vector<16xf32>,
        tpu.vector_store %arg7[%parallel_loop3A_443, %parallel_loop3A_444], %parallel_loop3A_442 {strides = array<i32>} : memref<128x128xf32, #tpu.memory_space<vmem>>, vector<16xf32>,
        %parallel_loop3A_446 = arith.index_cast %parallel_loop3A_407 : i32 to index
        %parallel_loop3A_447 = arith.constant 80 : index
        %parallel_loop3A_448 = tpu.vector_load %arg7[%parallel_loop3A_446, %parallel_loop3A_447] {strides = array<i32>} : memref<128x128xf32, #tpu.memory_space<vmem>>, vector<16xf32>,
        %parallel_loop3A_449 = arith.mulf %parallel_loop3A_448, %parallel_loop3A_410 : vector<16xf32>
        %parallel_loop3A_450 = arith.index_cast %parallel_loop3A_407 : i32 to index
        %parallel_loop3A_451 = arith.constant 80 : index
        %parallel_loop3A_452 = tpu.vector_load %arg7[%parallel_loop3A_450, %parallel_loop3A_451] {strides = array<i32>} : memref<128x128xf32, #tpu.memory_space<vmem>>, vector<16xf32>,
        tpu.vector_store %arg7[%parallel_loop3A_450, %parallel_loop3A_451], %parallel_loop3A_449 {strides = array<i32>} : memref<128x128xf32, #tpu.memory_space<vmem>>, vector<16xf32>,
        %parallel_loop3A_453 = arith.index_cast %parallel_loop3A_407 : i32 to index
        %parallel_loop3A_454 = arith.constant 96 : index
        %parallel_loop3A_455 = tpu.vector_load %arg7[%parallel_loop3A_453, %parallel_loop3A_454] {strides = array<i32>} : memref<128x128xf32, #tpu.memory_space<vmem>>, vector<16xf32>,
        %parallel_loop3A_456 = arith.mulf %parallel_loop3A_455, %parallel_loop3A_410 : vector<16xf32>
        %parallel_loop3A_457 = arith.index_cast %parallel_loop3A_407 : i32 to index
        %parallel_loop3A_458 = arith.constant 96 : index
        %parallel_loop3A_459 = tpu.vector_load %arg7[%parallel_loop3A_457, %parallel_loop3A_458] {strides = array<i32>} : memref<128x128xf32, #tpu.memory_space<vmem>>, vector<16xf32>,
        tpu.vector_store %arg7[%parallel_loop3A_457, %parallel_loop3A_458], %parallel_loop3A_456 {strides = array<i32>} : memref<128x128xf32, #tpu.memory_space<vmem>>, vector<16xf32>,
        %parallel_loop3A_460 = arith.index_cast %parallel_loop3A_407 : i32 to index
        %parallel_loop3A_461 = arith.constant 112 : index
        %parallel_loop3A_462 = tpu.vector_load %arg7[%parallel_loop3A_460, %parallel_loop3A_461] {strides = array<i32>} : memref<128x128xf32, #tpu.memory_space<vmem>>, vector<16xf32>,
        %parallel_loop3A_463 = arith.mulf %parallel_loop3A_462, %parallel_loop3A_410 : vector<16xf32>
        %parallel_loop3A_464 = arith.index_cast %parallel_loop3A_407 : i32 to index
        %parallel_loop3A_465 = arith.constant 112 : index
        %parallel_loop3A_466 = tpu.vector_load %arg7[%parallel_loop3A_464, %parallel_loop3A_465] {strides = array<i32>} : memref<128x128xf32, #tpu.memory_space<vmem>>, vector<16xf32>,
        tpu.vector_store %arg7[%parallel_loop3A_464, %parallel_loop3A_465], %parallel_loop3A_463 {strides = array<i32>} : memref<128x128xf32, #tpu.memory_space<vmem>>, vector<16xf32>,
      } {sc.loop_unroll_factor = 4 : i64, sc.parallel_access}
      "tpu.region"() ({
        %run_scoped3A = tpu.sem_alloc : memref<!tpu.dma_semaphore, #tpu.memory_space<semaphore_mem>>
        %dma_start3A_407 = arith.constant 0 : i32
        %dma_start3A_408 = arith.constant 0 : i32
        %dma_start3A_409 = tpu.memref_slice %arg17[%dma_start3A_407, %dma_start3A_408] : memref<10000x128xf32, #tpu.memory_space<vmem_shared>> -> memref<10000x128xf32, #tpu.memory_space<vmem_shared>>
        tpu.enqueue_indirect_dma source(%arg7 : memref<128x128xf32, #tpu.memory_space<vmem>>) target(%dma_start3A_409 : memref<10000x128xf32, #tpu.memory_space<vmem_shared>>) offsets(%arg10 : memref<128xi32, #tpu.memory_space<vmem>>) semaphore(%run_scoped3A : memref<!tpu.dma_semaphore, #tpu.memory_space<semaphore_mem>>) {add = true}
        %dma_wait3A_410 = arith.constant 0 : i32
        %dma_wait3A_411 = arith.constant 0 : i32
        %dma_wait3A_412 = tpu.memref_slice %arg17[%dma_wait3A_410, %dma_wait3A_411] : memref<10000x128xf32, #tpu.memory_space<vmem_shared>> -> memref<10000x128xf32, #tpu.memory_space<vmem_shared>>
        tpu.wait_indirect_dma semaphore(%run_scoped3A : memref<!tpu.dma_semaphore, #tpu.memory_space<semaphore_mem>>) src(%arg7 : memref<128x128xf32, #tpu.memory_space<vmem>>) dst(%dma_wait3A_412 : memref<10000x128xf32, #tpu.memory_space<vmem_shared>>)
        tpu.yield
      }) : () -> ()
      %add3A_363 = arith.constant 3 : i32
      %add3A_364 = arith.addi %add3A_356, %add3A_363 : i32
      %mul3A_365 = arith.constant 3 : i32
      %mul3A_366 = arith.muli %add3A_364, %mul3A_365 : i32
      %mul3A_367 = arith.constant 128 : i32
      %mul3A_368 = arith.muli %mul3A_366, %mul3A_367 : i32
      %multiple_of3A_369 = tpu.assume_multiple %mul3A_368, 8 : i32
      %dma_start3A_370 = tpu.memref_slice %arg3[%add3A, %multiple_of3A_369] : memref<32x31104xi32, #tpu.memory_space<hbm>> -> memref<1x128xi32, #tpu.memory_space<hbm>>
      %dma_start3A_371 = tpu.memref_squeeze %dma_start3A_370 : memref<1x128xi32, #tpu.memory_space<hbm>> -> memref<128xi32, #tpu.memory_space<hbm>>
      %dma_start3A_372 = tpu.memref_slice %arg3[%add3A, %multiple_of3A_369] : memref<32x31104xi32, #tpu.memory_space<hbm>> -> memref<1x128xi32, #tpu.memory_space<hbm>>
      %dma_start3A_373 = tpu.memref_squeeze %dma_start3A_372 : memref<1x128xi32, #tpu.memory_space<hbm>> -> memref<128xi32, #tpu.memory_space<hbm>>
      tpu.enqueue_dma source(%dma_start3A_373 : memref<128xi32, #tpu.memory_space<hbm>>) target(%arg10 : memref<128xi32, #tpu.memory_space<vmem>>) target_semaphore(%arg20 : memref<!tpu.dma_semaphore, #tpu.memory_space<semaphore_mem>>)
      %add3A_374 = arith.constant 128 : i32
      %add3A_375 = arith.addi %multiple_of3A_369, %add3A_374 : i32
      %dma_start3A_376 = tpu.memref_slice %arg3[%add3A, %add3A_375] : memref<32x31104xi32, #tpu.memory_space<hbm>> -> memref<1x128xi32, #tpu.memory_space<hbm>>
      %dma_start3A_377 = tpu.memref_squeeze %dma_start3A_376 : memref<1x128xi32, #tpu.memory_space<hbm>> -> memref<128xi32, #tpu.memory_space<hbm>>
      %dma_start3A_378 = tpu.memref_slice %arg3[%add3A, %add3A_375] : memref<32x31104xi32, #tpu.memory_space<hbm>> -> memref<1x128xi32, #tpu.memory_space<hbm>>
      %dma_start3A_379 = tpu.memref_squeeze %dma_start3A_378 : memref<1x128xi32, #tpu.memory_space<hbm>> -> memref<128xi32, #tpu.memory_space<hbm>>
      tpu.enqueue_dma source(%dma_start3A_379 : memref<128xi32, #tpu.memory_space<hbm>>) target(%arg13 : memref<128xi32, #tpu.memory_space<vmem>>) target_semaphore(%arg23 : memref<!tpu.dma_semaphore, #tpu.memory_space<semaphore_mem>>)
      %add3A_380 = arith.constant 256 : i32
      %add3A_381 = arith.addi %multiple_of3A_369, %add3A_380 : i32
      %dma_start3A_382 = tpu.memref_slice %arg3[%add3A, %add3A_381] : memref<32x31104xi32, #tpu.memory_space<hbm>> -> memref<1x128xi32, #tpu.memory_space<hbm>>
      %dma_start3A_383 = tpu.memref_squeeze %dma_start3A_382 : memref<1x128xi32, #tpu.memory_space<hbm>> -> memref<128xi32, #tpu.memory_space<hbm>>
      %dma_start3A_384 = tpu.memref_slice %arg3[%add3A, %add3A_381] : memref<32x31104xi32, #tpu.memory_space<hbm>> -> memref<1x128xi32, #tpu.memory_space<hbm>>
      %dma_start3A_385 = tpu.memref_squeeze %dma_start3A_384 : memref<1x128xi32, #tpu.memory_space<hbm>> -> memref<128xi32, #tpu.memory_space<hbm>>
      tpu.enqueue_dma source(%dma_start3A_385 : memref<128xi32, #tpu.memory_space<hbm>>) target(%arg16 : memref<128xi32, #tpu.memory_space<vmem>>) target_semaphore(%arg26 : memref<!tpu.dma_semaphore, #tpu.memory_space<semaphore_mem>>)
      %dma_wait3A_386 = arith.constant 0 : i32
      %dma_wait3A_387 = tpu.memref_slice %arg3[%add3A, %dma_wait3A_386] : memref<32x31104xi32, #tpu.memory_space<hbm>> -> memref<1x128xi32, #tpu.memory_space<hbm>>
      %dma_wait3A_388 = tpu.memref_squeeze %dma_wait3A_387 : memref<1x128xi32, #tpu.memory_space<hbm>> -> memref<128xi32, #tpu.memory_space<hbm>>
      %dma_wait3A_389 = arith.constant 0 : i32
      %dma_wait3A_390 = tpu.memref_slice %arg3[%add3A, %dma_wait3A_389] : memref<32x31104xi32, #tpu.memory_space<hbm>> -> memref<1x128xi32, #tpu.memory_space<hbm>>
      %dma_wait3A_391 = tpu.memref_squeeze %dma_wait3A_390 : memref<1x128xi32, #tpu.memory_space<hbm>> -> memref<128xi32, #tpu.memory_space<hbm>>
      tpu.wait_dma2 semaphore(%arg19 : memref<!tpu.dma_semaphore, #tpu.memory_space<semaphore_mem>>) src(%dma_wait3A_391 : memref<128xi32, #tpu.memory_space<hbm>>) dst(%arg9 : memref<128xi32, #tpu.memory_space<vmem>>)
      %dma_wait3A_392 = arith.constant 0 : i32
      %dma_wait3A_393 = tpu.memref_slice %arg3[%add3A, %dma_wait3A_392] : memref<32x31104xi32, #tpu.memory_space<hbm>> -> memref<1x128xi32, #tpu.memory_space<hbm>>
      %dma_wait3A_394 = tpu.memref_squeeze %dma_wait3A_393 : memref<1x128xi32, #tpu.memory_space<hbm>> -> memref<128xi32, #tpu.memory_space<hbm>>
      %dma_wait3A_395 = arith.constant 0 : i32
      %dma_wait3A_396 = tpu.memref_slice %arg3[%add3A, %dma_wait3A_395] : memref<32x31104xi32, #tpu.memory_space<hbm>> -> memref<1x128xi32, #tpu.memory_space<hbm>>
      %dma_wait3A_397 = tpu.memref_squeeze %dma_wait3A_396 : memref<1x128xi32, #tpu.memory_space<hbm>> -> memref<128xi32, #tpu.memory_space<hbm>>
      tpu.wait_dma2 semaphore(%arg22 : memref<!tpu.dma_semaphore, #tpu.memory_space<semaphore_mem>>) src(%dma_wait3A_397 : memref<128xi32, #tpu.memory_space<hbm>>) dst(%arg12 : memref<128xi32, #tpu.memory_space<vmem>>)
      %dma_wait3A_398 = arith.constant 0 : i32
      %dma_wait3A_399 = tpu.memref_slice %arg3[%add3A, %dma_wait3A_398] : memref<32x31104xi32, #tpu.memory_space<hbm>> -> memref<1x128xi32, #tpu.memory_space<hbm>>
      %dma_wait3A_400 = tpu.memref_squeeze %dma_wait3A_399 : memref<1x128xi32, #tpu.memory_space<hbm>> -> memref<128xi32, #tpu.memory_space<hbm>>
      %dma_wait3A_401 = arith.constant 0 : i32
      %dma_wait3A_402 = tpu.memref_slice %arg3[%add3A, %dma_wait3A_401] : memref<32x31104xi32, #tpu.memory_space<hbm>> -> memref<1x128xi32, #tpu.memory_space<hbm>>
      %dma_wait3A_403 = tpu.memref_squeeze %dma_wait3A_402 : memref<1x128xi32, #tpu.memory_space<hbm>> -> memref<128xi32, #tpu.memory_space<hbm>>
      tpu.wait_dma2 semaphore(%arg25 : memref<!tpu.dma_semaphore, #tpu.memory_space<semaphore_mem>>) src(%dma_wait3A_403 : memref<128xi32, #tpu.memory_space<hbm>>) dst(%arg15 : memref<128xi32, #tpu.memory_space<vmem>>)
      %dma_start3A_404 = arith.constant 0 : i32
      %dma_start3A_405 = arith.constant 0 : i32
      %dma_start3A_406 = tpu.memref_slice %arg2[%dma_start3A_404, %dma_start3A_405] : memref<10000x128xf32, #tpu.memory_space<hbm>> -> memref<10000x128xf32, #tpu.memory_space<hbm>>
      tpu.enqueue_indirect_dma source(%dma_start3A_406 : memref<10000x128xf32, #tpu.memory_space<hbm>>) target(%arg6 : memref<128x128xf32, #tpu.memory_space<vmem>>) offsets(%arg12 : memref<128xi32, #tpu.memory_space<vmem>>) semaphore(%arg28 : memref<!tpu.dma_semaphore, #tpu.memory_space<semaphore_mem>>)
    }
    %scan3A_153 = arith.constant 26 : i32
    %dma_wait3A_154 = arith.constant 0 : i32
    %dma_wait3A_155 = arith.constant 0 : i32
    %dma_wait3A_156 = tpu.memref_slice %arg2[%dma_wait3A_154, %dma_wait3A_155] : memref<10000x128xf32, #tpu.memory_space<hbm>> -> memref<10000x128xf32, #tpu.memory_space<hbm>>
    tpu.wait_indirect_dma semaphore(%arg27 : memref<!tpu.dma_semaphore, #tpu.memory_space<semaphore_mem>>) src(%dma_wait3A_156 : memref<10000x128xf32, #tpu.memory_space<hbm>>) dst(%arg5 : memref<128x128xf32, #tpu.memory_space<vmem>>)
    %parallel_loop3A_157 = arith.constant 0 : i32
    %parallel_loop3A_158 = arith.constant 128 : i32
    %parallel_loop3A_159 = arith.constant 1 : i32
    scf.for %parallel_loop3A_250 = %parallel_loop3A_157 to %parallel_loop3A_158 step %parallel_loop3A_159  : i32 {
      %parallel_loop3A_251 = vector.broadcast %parallel_loop3A_250 : i32 to vector<16xi32>
      %parallel_loop3A_252 = tpu.vector_load_idx %arg14[%parallel_loop3A_251] : memref<128xi32, #tpu.memory_space<vmem>>[vector<16xi32>], vector<16xi32>,
      %parallel_loop3A_253 = vector.bitcast %parallel_loop3A_252 : vector<16xi32> to vector<16xf32>
      %parallel_loop3A_254 = arith.index_cast %parallel_loop3A_250 : i32 to index
      %parallel_loop3A_255 = arith.constant 0 : index
      %parallel_loop3A_256 = tpu.vector_load %arg5[%parallel_loop3A_254, %parallel_loop3A_255] {strides = array<i32>} : memref<128x128xf32, #tpu.memory_space<vmem>>, vector<16xf32>,
      %parallel_loop3A_257 = arith.mulf %parallel_loop3A_256, %parallel_loop3A_253 : vector<16xf32>
      %parallel_loop3A_258 = arith.index_cast %parallel_loop3A_250 : i32 to index
      %parallel_loop3A_259 = arith.constant 0 : index
      %parallel_loop3A_260 = tpu.vector_load %arg5[%parallel_loop3A_258, %parallel_loop3A_259] {strides = array<i32>} : memref<128x128xf32, #tpu.memory_space<vmem>>, vector<16xf32>,
      tpu.vector_store %arg5[%parallel_loop3A_258, %parallel_loop3A_259], %parallel_loop3A_257 {strides = array<i32>} : memref<128x128xf32, #tpu.memory_space<vmem>>, vector<16xf32>,
      %parallel_loop3A_261 = arith.index_cast %parallel_loop3A_250 : i32 to index
      %parallel_loop3A_262 = arith.constant 16 : index
      %parallel_loop3A_263 = tpu.vector_load %arg5[%parallel_loop3A_261, %parallel_loop3A_262] {strides = array<i32>} : memref<128x128xf32, #tpu.memory_space<vmem>>, vector<16xf32>,
      %parallel_loop3A_264 = arith.mulf %parallel_loop3A_263, %parallel_loop3A_253 : vector<16xf32>
      %parallel_loop3A_265 = arith.index_cast %parallel_loop3A_250 : i32 to index
      %parallel_loop3A_266 = arith.constant 16 : index
      %parallel_loop3A_267 = tpu.vector_load %arg5[%parallel_loop3A_265, %parallel_loop3A_266] {strides = array<i32>} : memref<128x128xf32, #tpu.memory_space<vmem>>, vector<16xf32>,
      tpu.vector_store %arg5[%parallel_loop3A_265, %parallel_loop3A_266], %parallel_loop3A_264 {strides = array<i32>} : memref<128x128xf32, #tpu.memory_space<vmem>>, vector<16xf32>,
      %parallel_loop3A_268 = arith.index_cast %parallel_loop3A_250 : i32 to index
      %parallel_loop3A_269 = arith.constant 32 : index
      %parallel_loop3A_270 = tpu.vector_load %arg5[%parallel_loop3A_268, %parallel_loop3A_269] {strides = array<i32>} : memref<128x128xf32, #tpu.memory_space<vmem>>, vector<16xf32>,
      %parallel_loop3A_271 = arith.mulf %parallel_loop3A_270, %parallel_loop3A_253 : vector<16xf32>
      %parallel_loop3A_272 = arith.index_cast %parallel_loop3A_250 : i32 to index
      %parallel_loop3A_273 = arith.constant 32 : index
      %parallel_loop3A_274 = tpu.vector_load %arg5[%parallel_loop3A_272, %parallel_loop3A_273] {strides = array<i32>} : memref<128x128xf32, #tpu.memory_space<vmem>>, vector<16xf32>,
      tpu.vector_store %arg5[%parallel_loop3A_272, %parallel_loop3A_273], %parallel_loop3A_271 {strides = array<i32>} : memref<128x128xf32, #tpu.memory_space<vmem>>, vector<16xf32>,
      %parallel_loop3A_275 = arith.index_cast %parallel_loop3A_250 : i32 to index
      %parallel_loop3A_276 = arith.constant 48 : index
      %parallel_loop3A_277 = tpu.vector_load %arg5[%parallel_loop3A_275, %parallel_loop3A_276] {strides = array<i32>} : memref<128x128xf32, #tpu.memory_space<vmem>>, vector<16xf32>,
      %parallel_loop3A_278 = arith.mulf %parallel_loop3A_277, %parallel_loop3A_253 : vector<16xf32>
      %parallel_loop3A_279 = arith.index_cast %parallel_loop3A_250 : i32 to index
      %parallel_loop3A_280 = arith.constant 48 : index
      %parallel_loop3A_281 = tpu.vector_load %arg5[%parallel_loop3A_279, %parallel_loop3A_280] {strides = array<i32>} : memref<128x128xf32, #tpu.memory_space<vmem>>, vector<16xf32>,
      tpu.vector_store %arg5[%parallel_loop3A_279, %parallel_loop3A_280], %parallel_loop3A_278 {strides = array<i32>} : memref<128x128xf32, #tpu.memory_space<vmem>>, vector<16xf32>,
      %parallel_loop3A_282 = arith.index_cast %parallel_loop3A_250 : i32 to index
      %parallel_loop3A_283 = arith.constant 64 : index
      %parallel_loop3A_284 = tpu.vector_load %arg5[%parallel_loop3A_282, %parallel_loop3A_283] {strides = array<i32>} : memref<128x128xf32, #tpu.memory_space<vmem>>, vector<16xf32>,
      %parallel_loop3A_285 = arith.mulf %parallel_loop3A_284, %parallel_loop3A_253 : vector<16xf32>
      %parallel_loop3A_286 = arith.index_cast %parallel_loop3A_250 : i32 to index
      %parallel_loop3A_287 = arith.constant 64 : index
      %parallel_loop3A_288 = tpu.vector_load %arg5[%parallel_loop3A_286, %parallel_loop3A_287] {strides = array<i32>} : memref<128x128xf32, #tpu.memory_space<vmem>>, vector<16xf32>,
      tpu.vector_store %arg5[%parallel_loop3A_286, %parallel_loop3A_287], %parallel_loop3A_285 {strides = array<i32>} : memref<128x128xf32, #tpu.memory_space<vmem>>, vector<16xf32>,
      %parallel_loop3A_289 = arith.index_cast %parallel_loop3A_250 : i32 to index
      %parallel_loop3A_290 = arith.constant 80 : index
      %parallel_loop3A_291 = tpu.vector_load %arg5[%parallel_loop3A_289, %parallel_loop3A_290] {strides = array<i32>} : memref<128x128xf32, #tpu.memory_space<vmem>>, vector<16xf32>,
      %parallel_loop3A_292 = arith.mulf %parallel_loop3A_291, %parallel_loop3A_253 : vector<16xf32>
      %parallel_loop3A_293 = arith.index_cast %parallel_loop3A_250 : i32 to index
      %parallel_loop3A_294 = arith.constant 80 : index
      %parallel_loop3A_295 = tpu.vector_load %arg5[%parallel_loop3A_293, %parallel_loop3A_294] {strides = array<i32>} : memref<128x128xf32, #tpu.memory_space<vmem>>, vector<16xf32>,
      tpu.vector_store %arg5[%parallel_loop3A_293, %parallel_loop3A_294], %parallel_loop3A_292 {strides = array<i32>} : memref<128x128xf32, #tpu.memory_space<vmem>>, vector<16xf32>,
      %parallel_loop3A_296 = arith.index_cast %parallel_loop3A_250 : i32 to index
      %parallel_loop3A_297 = arith.constant 96 : index
      %parallel_loop3A_298 = tpu.vector_load %arg5[%parallel_loop3A_296, %parallel_loop3A_297] {strides = array<i32>} : memref<128x128xf32, #tpu.memory_space<vmem>>, vector<16xf32>,
      %parallel_loop3A_299 = arith.mulf %parallel_loop3A_298, %parallel_loop3A_253 : vector<16xf32>
      %parallel_loop3A_300 = arith.index_cast %parallel_loop3A_250 : i32 to index
      %parallel_loop3A_301 = arith.constant 96 : index
      %parallel_loop3A_302 = tpu.vector_load %arg5[%parallel_loop3A_300, %parallel_loop3A_301] {strides = array<i32>} : memref<128x128xf32, #tpu.memory_space<vmem>>, vector<16xf32>,
      tpu.vector_store %arg5[%parallel_loop3A_300, %parallel_loop3A_301], %parallel_loop3A_299 {strides = array<i32>} : memref<128x128xf32, #tpu.memory_space<vmem>>, vector<16xf32>,
      %parallel_loop3A_303 = arith.index_cast %parallel_loop3A_250 : i32 to index
      %parallel_loop3A_304 = arith.constant 112 : index
      %parallel_loop3A_305 = tpu.vector_load %arg5[%parallel_loop3A_303, %parallel_loop3A_304] {strides = array<i32>} : memref<128x128xf32, #tpu.memory_space<vmem>>, vector<16xf32>,
      %parallel_loop3A_306 = arith.mulf %parallel_loop3A_305, %parallel_loop3A_253 : vector<16xf32>
      %parallel_loop3A_307 = arith.index_cast %parallel_loop3A_250 : i32 to index
      %parallel_loop3A_308 = arith.constant 112 : index
      %parallel_loop3A_309 = tpu.vector_load %arg5[%parallel_loop3A_307, %parallel_loop3A_308] {strides = array<i32>} : memref<128x128xf32, #tpu.memory_space<vmem>>, vector<16xf32>,
      tpu.vector_store %arg5[%parallel_loop3A_307, %parallel_loop3A_308], %parallel_loop3A_306 {strides = array<i32>} : memref<128x128xf32, #tpu.memory_space<vmem>>, vector<16xf32>,
    } {sc.loop_unroll_factor = 4 : i64, sc.parallel_access}
    "tpu.region"() ({
      %run_scoped3A = tpu.sem_alloc : memref<!tpu.dma_semaphore, #tpu.memory_space<semaphore_mem>>
      %dma_start3A_250 = arith.constant 0 : i32
      %dma_start3A_251 = arith.constant 0 : i32
      %dma_start3A_252 = tpu.memref_slice %arg17[%dma_start3A_250, %dma_start3A_251] : memref<10000x128xf32, #tpu.memory_space<vmem_shared>> -> memref<10000x128xf32, #tpu.memory_space<vmem_shared>>
      tpu.enqueue_indirect_dma source(%arg5 : memref<128x128xf32, #tpu.memory_space<vmem>>) target(%dma_start3A_252 : memref<10000x128xf32, #tpu.memory_space<vmem_shared>>) offsets(%arg8 : memref<128xi32, #tpu.memory_space<vmem>>) semaphore(%run_scoped3A : memref<!tpu.dma_semaphore, #tpu.memory_space<semaphore_mem>>) {add = true}
      %dma_wait3A_253 = arith.constant 0 : i32
      %dma_wait3A_254 = arith.constant 0 : i32
      %dma_wait3A_255 = tpu.memref_slice %arg17[%dma_wait3A_253, %dma_wait3A_254] : memref<10000x128xf32, #tpu.memory_space<vmem_shared>> -> memref<10000x128xf32, #tpu.memory_space<vmem_shared>>
      tpu.wait_indirect_dma semaphore(%run_scoped3A : memref<!tpu.dma_semaphore, #tpu.memory_space<semaphore_mem>>) src(%arg5 : memref<128x128xf32, #tpu.memory_space<vmem>>) dst(%dma_wait3A_255 : memref<10000x128xf32, #tpu.memory_space<vmem_shared>>)
      tpu.yield
    }) : () -> ()
    %dma_wait3A_160 = arith.constant 0 : i32
    %dma_wait3A_161 = tpu.memref_slice %arg3[%add3A, %dma_wait3A_160] : memref<32x31104xi32, #tpu.memory_space<hbm>> -> memref<1x128xi32, #tpu.memory_space<hbm>>
    %dma_wait3A_162 = tpu.memref_squeeze %dma_wait3A_161 : memref<1x128xi32, #tpu.memory_space<hbm>> -> memref<128xi32, #tpu.memory_space<hbm>>
    %dma_wait3A_163 = arith.constant 0 : i32
    %dma_wait3A_164 = tpu.memref_slice %arg3[%add3A, %dma_wait3A_163] : memref<32x31104xi32, #tpu.memory_space<hbm>> -> memref<1x128xi32, #tpu.memory_space<hbm>>
    %dma_wait3A_165 = tpu.memref_squeeze %dma_wait3A_164 : memref<1x128xi32, #tpu.memory_space<hbm>> -> memref<128xi32, #tpu.memory_space<hbm>>
    tpu.wait_dma2 semaphore(%arg20 : memref<!tpu.dma_semaphore, #tpu.memory_space<semaphore_mem>>) src(%dma_wait3A_165 : memref<128xi32, #tpu.memory_space<hbm>>) dst(%arg10 : memref<128xi32, #tpu.memory_space<vmem>>)
    %dma_wait3A_166 = arith.constant 0 : i32
    %dma_wait3A_167 = tpu.memref_slice %arg3[%add3A, %dma_wait3A_166] : memref<32x31104xi32, #tpu.memory_space<hbm>> -> memref<1x128xi32, #tpu.memory_space<hbm>>
    %dma_wait3A_168 = tpu.memref_squeeze %dma_wait3A_167 : memref<1x128xi32, #tpu.memory_space<hbm>> -> memref<128xi32, #tpu.memory_space<hbm>>
    %dma_wait3A_169 = arith.constant 0 : i32
    %dma_wait3A_170 = tpu.memref_slice %arg3[%add3A, %dma_wait3A_169] : memref<32x31104xi32, #tpu.memory_space<hbm>> -> memref<1x128xi32, #tpu.memory_space<hbm>>
    %dma_wait3A_171 = tpu.memref_squeeze %dma_wait3A_170 : memref<1x128xi32, #tpu.memory_space<hbm>> -> memref<128xi32, #tpu.memory_space<hbm>>
    tpu.wait_dma2 semaphore(%arg23 : memref<!tpu.dma_semaphore, #tpu.memory_space<semaphore_mem>>) src(%dma_wait3A_171 : memref<128xi32, #tpu.memory_space<hbm>>) dst(%arg13 : memref<128xi32, #tpu.memory_space<vmem>>)
    %dma_wait3A_172 = arith.constant 0 : i32
    %dma_wait3A_173 = tpu.memref_slice %arg3[%add3A, %dma_wait3A_172] : memref<32x31104xi32, #tpu.memory_space<hbm>> -> memref<1x128xi32, #tpu.memory_space<hbm>>
    %dma_wait3A_174 = tpu.memref_squeeze %dma_wait3A_173 : memref<1x128xi32, #tpu.memory_space<hbm>> -> memref<128xi32, #tpu.memory_space<hbm>>
    %dma_wait3A_175 = arith.constant 0 : i32
    %dma_wait3A_176 = tpu.memref_slice %arg3[%add3A, %dma_wait3A_175] : memref<32x31104xi32, #tpu.memory_space<hbm>> -> memref<1x128xi32, #tpu.memory_space<hbm>>
    %dma_wait3A_177 = tpu.memref_squeeze %dma_wait3A_176 : memref<1x128xi32, #tpu.memory_space<hbm>> -> memref<128xi32, #tpu.memory_space<hbm>>
    tpu.wait_dma2 semaphore(%arg26 : memref<!tpu.dma_semaphore, #tpu.memory_space<semaphore_mem>>) src(%dma_wait3A_177 : memref<128xi32, #tpu.memory_space<hbm>>) dst(%arg16 : memref<128xi32, #tpu.memory_space<vmem>>)
    %dma_start3A_178 = arith.constant 0 : i32
    %dma_start3A_179 = arith.constant 0 : i32
    %dma_start3A_180 = tpu.memref_slice %arg2[%dma_start3A_178, %dma_start3A_179] : memref<10000x128xf32, #tpu.memory_space<hbm>> -> memref<10000x128xf32, #tpu.memory_space<hbm>>
    tpu.enqueue_indirect_dma source(%dma_start3A_180 : memref<10000x128xf32, #tpu.memory_space<hbm>>) target(%arg7 : memref<128x128xf32, #tpu.memory_space<vmem>>) offsets(%arg13 : memref<128xi32, #tpu.memory_space<vmem>>) semaphore(%arg29 : memref<!tpu.dma_semaphore, #tpu.memory_space<semaphore_mem>>)
    %dma_wait3A_181 = arith.constant 0 : i32
    %dma_wait3A_182 = arith.constant 0 : i32
    %dma_wait3A_183 = tpu.memref_slice %arg2[%dma_wait3A_181, %dma_wait3A_182] : memref<10000x128xf32, #tpu.memory_space<hbm>> -> memref<10000x128xf32, #tpu.memory_space<hbm>>
    tpu.wait_indirect_dma semaphore(%arg28 : memref<!tpu.dma_semaphore, #tpu.memory_space<semaphore_mem>>) src(%dma_wait3A_183 : memref<10000x128xf32, #tpu.memory_space<hbm>>) dst(%arg6 : memref<128x128xf32, #tpu.memory_space<vmem>>)
    %parallel_loop3A_184 = arith.constant 0 : i32
    %parallel_loop3A_185 = arith.constant 128 : i32
    %parallel_loop3A_186 = arith.constant 1 : i32
    scf.for %parallel_loop3A_250 = %parallel_loop3A_184 to %parallel_loop3A_185 step %parallel_loop3A_186  : i32 {
      %parallel_loop3A_251 = vector.broadcast %parallel_loop3A_250 : i32 to vector<16xi32>
      %parallel_loop3A_252 = tpu.vector_load_idx %arg15[%parallel_loop3A_251] : memref<128xi32, #tpu.memory_space<vmem>>[vector<16xi32>], vector<16xi32>,
      %parallel_loop3A_253 = vector.bitcast %parallel_loop3A_252 : vector<16xi32> to vector<16xf32>
      %parallel_loop3A_254 = arith.index_cast %parallel_loop3A_250 : i32 to index
      %parallel_loop3A_255 = arith.constant 0 : index
      %parallel_loop3A_256 = tpu.vector_load %arg6[%parallel_loop3A_254, %parallel_loop3A_255] {strides = array<i32>} : memref<128x128xf32, #tpu.memory_space<vmem>>, vector<16xf32>,
      %parallel_loop3A_257 = arith.mulf %parallel_loop3A_256, %parallel_loop3A_253 : vector<16xf32>
      %parallel_loop3A_258 = arith.index_cast %parallel_loop3A_250 : i32 to index
      %parallel_loop3A_259 = arith.constant 0 : index
      %parallel_loop3A_260 = tpu.vector_load %arg6[%parallel_loop3A_258, %parallel_loop3A_259] {strides = array<i32>} : memref<128x128xf32, #tpu.memory_space<vmem>>, vector<16xf32>,
      tpu.vector_store %arg6[%parallel_loop3A_258, %parallel_loop3A_259], %parallel_loop3A_257 {strides = array<i32>} : memref<128x128xf32, #tpu.memory_space<vmem>>, vector<16xf32>,
      %parallel_loop3A_261 = arith.index_cast %parallel_loop3A_250 : i32 to index
      %parallel_loop3A_262 = arith.constant 16 : index
      %parallel_loop3A_263 = tpu.vector_load %arg6[%parallel_loop3A_261, %parallel_loop3A_262] {strides = array<i32>} : memref<128x128xf32, #tpu.memory_space<vmem>>, vector<16xf32>,
      %parallel_loop3A_264 = arith.mulf %parallel_loop3A_263, %parallel_loop3A_253 : vector<16xf32>
      %parallel_loop3A_265 = arith.index_cast %parallel_loop3A_250 : i32 to index
      %parallel_loop3A_266 = arith.constant 16 : index
      %parallel_loop3A_267 = tpu.vector_load %arg6[%parallel_loop3A_265, %parallel_loop3A_266] {strides = array<i32>} : memref<128x128xf32, #tpu.memory_space<vmem>>, vector<16xf32>,
      tpu.vector_store %arg6[%parallel_loop3A_265, %parallel_loop3A_266], %parallel_loop3A_264 {strides = array<i32>} : memref<128x128xf32, #tpu.memory_space<vmem>>, vector<16xf32>,
      %parallel_loop3A_268 = arith.index_cast %parallel_loop3A_250 : i32 to index
      %parallel_loop3A_269 = arith.constant 32 : index
      %parallel_loop3A_270 = tpu.vector_load %arg6[%parallel_loop3A_268, %parallel_loop3A_269] {strides = array<i32>} : memref<128x128xf32, #tpu.memory_space<vmem>>, vector<16xf32>,
      %parallel_loop3A_271 = arith.mulf %parallel_loop3A_270, %parallel_loop3A_253 : vector<16xf32>
      %parallel_loop3A_272 = arith.index_cast %parallel_loop3A_250 : i32 to index
      %parallel_loop3A_273 = arith.constant 32 : index
      %parallel_loop3A_274 = tpu.vector_load %arg6[%parallel_loop3A_272, %parallel_loop3A_273] {strides = array<i32>} : memref<128x128xf32, #tpu.memory_space<vmem>>, vector<16xf32>,
      tpu.vector_store %arg6[%parallel_loop3A_272, %parallel_loop3A_273], %parallel_loop3A_271 {strides = array<i32>} : memref<128x128xf32, #tpu.memory_space<vmem>>, vector<16xf32>,
      %parallel_loop3A_275 = arith.index_cast %parallel_loop3A_250 : i32 to index
      %parallel_loop3A_276 = arith.constant 48 : index
      %parallel_loop3A_277 = tpu.vector_load %arg6[%parallel_loop3A_275, %parallel_loop3A_276] {strides = array<i32>} : memref<128x128xf32, #tpu.memory_space<vmem>>, vector<16xf32>,
      %parallel_loop3A_278 = arith.mulf %parallel_loop3A_277, %parallel_loop3A_253 : vector<16xf32>
      %parallel_loop3A_279 = arith.index_cast %parallel_loop3A_250 : i32 to index
      %parallel_loop3A_280 = arith.constant 48 : index
      %parallel_loop3A_281 = tpu.vector_load %arg6[%parallel_loop3A_279, %parallel_loop3A_280] {strides = array<i32>} : memref<128x128xf32, #tpu.memory_space<vmem>>, vector<16xf32>,
      tpu.vector_store %arg6[%parallel_loop3A_279, %parallel_loop3A_280], %parallel_loop3A_278 {strides = array<i32>} : memref<128x128xf32, #tpu.memory_space<vmem>>, vector<16xf32>,
      %parallel_loop3A_282 = arith.index_cast %parallel_loop3A_250 : i32 to index
      %parallel_loop3A_283 = arith.constant 64 : index
      %parallel_loop3A_284 = tpu.vector_load %arg6[%parallel_loop3A_282, %parallel_loop3A_283] {strides = array<i32>} : memref<128x128xf32, #tpu.memory_space<vmem>>, vector<16xf32>,
      %parallel_loop3A_285 = arith.mulf %parallel_loop3A_284, %parallel_loop3A_253 : vector<16xf32>
      %parallel_loop3A_286 = arith.index_cast %parallel_loop3A_250 : i32 to index
      %parallel_loop3A_287 = arith.constant 64 : index
      %parallel_loop3A_288 = tpu.vector_load %arg6[%parallel_loop3A_286, %parallel_loop3A_287] {strides = array<i32>} : memref<128x128xf32, #tpu.memory_space<vmem>>, vector<16xf32>,
      tpu.vector_store %arg6[%parallel_loop3A_286, %parallel_loop3A_287], %parallel_loop3A_285 {strides = array<i32>} : memref<128x128xf32, #tpu.memory_space<vmem>>, vector<16xf32>,
      %parallel_loop3A_289 = arith.index_cast %parallel_loop3A_250 : i32 to index
      %parallel_loop3A_290 = arith.constant 80 : index
      %parallel_loop3A_291 = tpu.vector_load %arg6[%parallel_loop3A_289, %parallel_loop3A_290] {strides = array<i32>} : memref<128x128xf32, #tpu.memory_space<vmem>>, vector<16xf32>,
      %parallel_loop3A_292 = arith.mulf %parallel_loop3A_291, %parallel_loop3A_253 : vector<16xf32>
      %parallel_loop3A_293 = arith.index_cast %parallel_loop3A_250 : i32 to index
      %parallel_loop3A_294 = arith.constant 80 : index
      %parallel_loop3A_295 = tpu.vector_load %arg6[%parallel_loop3A_293, %parallel_loop3A_294] {strides = array<i32>} : memref<128x128xf32, #tpu.memory_space<vmem>>, vector<16xf32>,
      tpu.vector_store %arg6[%parallel_loop3A_293, %parallel_loop3A_294], %parallel_loop3A_292 {strides = array<i32>} : memref<128x128xf32, #tpu.memory_space<vmem>>, vector<16xf32>,
      %parallel_loop3A_296 = arith.index_cast %parallel_loop3A_250 : i32 to index
      %parallel_loop3A_297 = arith.constant 96 : index
      %parallel_loop3A_298 = tpu.vector_load %arg6[%parallel_loop3A_296, %parallel_loop3A_297] {strides = array<i32>} : memref<128x128xf32, #tpu.memory_space<vmem>>, vector<16xf32>,
      %parallel_loop3A_299 = arith.mulf %parallel_loop3A_298, %parallel_loop3A_253 : vector<16xf32>
      %parallel_loop3A_300 = arith.index_cast %parallel_loop3A_250 : i32 to index
      %parallel_loop3A_301 = arith.constant 96 : index
      %parallel_loop3A_302 = tpu.vector_load %arg6[%parallel_loop3A_300, %parallel_loop3A_301] {strides = array<i32>} : memref<128x128xf32, #tpu.memory_space<vmem>>, vector<16xf32>,
      tpu.vector_store %arg6[%parallel_loop3A_300, %parallel_loop3A_301], %parallel_loop3A_299 {strides = array<i32>} : memref<128x128xf32, #tpu.memory_space<vmem>>, vector<16xf32>,
      %parallel_loop3A_303 = arith.index_cast %parallel_loop3A_250 : i32 to index
      %parallel_loop3A_304 = arith.constant 112 : index
      %parallel_loop3A_305 = tpu.vector_load %arg6[%parallel_loop3A_303, %parallel_loop3A_304] {strides = array<i32>} : memref<128x128xf32, #tpu.memory_space<vmem>>, vector<16xf32>,
      %parallel_loop3A_306 = arith.mulf %parallel_loop3A_305, %parallel_loop3A_253 : vector<16xf32>
      %parallel_loop3A_307 = arith.index_cast %parallel_loop3A_250 : i32 to index
      %parallel_loop3A_308 = arith.constant 112 : index
      %parallel_loop3A_309 = tpu.vector_load %arg6[%parallel_loop3A_307, %parallel_loop3A_308] {strides = array<i32>} : memref<128x128xf32, #tpu.memory_space<vmem>>, vector<16xf32>,
      tpu.vector_store %arg6[%parallel_loop3A_307, %parallel_loop3A_308], %parallel_loop3A_306 {strides = array<i32>} : memref<128x128xf32, #tpu.memory_space<vmem>>, vector<16xf32>,
    } {sc.loop_unroll_factor = 4 : i64, sc.parallel_access}
    "tpu.region"() ({
      %run_scoped3A = tpu.sem_alloc : memref<!tpu.dma_semaphore, #tpu.memory_space<semaphore_mem>>
      %dma_start3A_250 = arith.constant 0 : i32
      %dma_start3A_251 = arith.constant 0 : i32
      %dma_start3A_252 = tpu.memref_slice %arg17[%dma_start3A_250, %dma_start3A_251] : memref<10000x128xf32, #tpu.memory_space<vmem_shared>> -> memref<10000x128xf32, #tpu.memory_space<vmem_shared>>
      tpu.enqueue_indirect_dma source(%arg6 : memref<128x128xf32, #tpu.memory_space<vmem>>) target(%dma_start3A_252 : memref<10000x128xf32, #tpu.memory_space<vmem_shared>>) offsets(%arg9 : memref<128xi32, #tpu.memory_space<vmem>>) semaphore(%run_scoped3A : memref<!tpu.dma_semaphore, #tpu.memory_space<semaphore_mem>>) {add = true}
      %dma_wait3A_253 = arith.constant 0 : i32
      %dma_wait3A_254 = arith.constant 0 : i32
      %dma_wait3A_255 = tpu.memref_slice %arg17[%dma_wait3A_253, %dma_wait3A_254] : memref<10000x128xf32, #tpu.memory_space<vmem_shared>> -> memref<10000x128xf32, #tpu.memory_space<vmem_shared>>
      tpu.wait_indirect_dma semaphore(%run_scoped3A : memref<!tpu.dma_semaphore, #tpu.memory_space<semaphore_mem>>) src(%arg6 : memref<128x128xf32, #tpu.memory_space<vmem>>) dst(%dma_wait3A_255 : memref<10000x128xf32, #tpu.memory_space<vmem_shared>>)
      tpu.yield
    }) : () -> ()
    %dma_wait3A_187 = arith.constant 0 : i32
    %dma_wait3A_188 = arith.constant 0 : i32
    %dma_wait3A_189 = tpu.memref_slice %arg2[%dma_wait3A_187, %dma_wait3A_188] : memref<10000x128xf32, #tpu.memory_space<hbm>> -> memref<10000x128xf32, #tpu.memory_space<hbm>>
    tpu.wait_indirect_dma semaphore(%arg29 : memref<!tpu.dma_semaphore, #tpu.memory_space<semaphore_mem>>) src(%dma_wait3A_189 : memref<10000x128xf32, #tpu.memory_space<hbm>>) dst(%arg7 : memref<128x128xf32, #tpu.memory_space<vmem>>)
    %parallel_loop3A_190 = arith.constant 0 : i32
    %parallel_loop3A_191 = arith.constant 128 : i32
    %parallel_loop3A_192 = arith.constant 1 : i32
    scf.for %parallel_loop3A_250 = %parallel_loop3A_190 to %parallel_loop3A_191 step %parallel_loop3A_192  : i32 {
      %parallel_loop3A_251 = vector.broadcast %parallel_loop3A_250 : i32 to vector<16xi32>
      %parallel_loop3A_252 = tpu.vector_load_idx %arg16[%parallel_loop3A_251] : memref<128xi32, #tpu.memory_space<vmem>>[vector<16xi32>], vector<16xi32>,
      %parallel_loop3A_253 = vector.bitcast %parallel_loop3A_252 : vector<16xi32> to vector<16xf32>
      %parallel_loop3A_254 = arith.index_cast %parallel_loop3A_250 : i32 to index
      %parallel_loop3A_255 = arith.constant 0 : index
      %parallel_loop3A_256 = tpu.vector_load %arg7[%parallel_loop3A_254, %parallel_loop3A_255] {strides = array<i32>} : memref<128x128xf32, #tpu.memory_space<vmem>>, vector<16xf32>,
      %parallel_loop3A_257 = arith.mulf %parallel_loop3A_256, %parallel_loop3A_253 : vector<16xf32>
      %parallel_loop3A_258 = arith.index_cast %parallel_loop3A_250 : i32 to index
      %parallel_loop3A_259 = arith.constant 0 : index
      %parallel_loop3A_260 = tpu.vector_load %arg7[%parallel_loop3A_258, %parallel_loop3A_259] {strides = array<i32>} : memref<128x128xf32, #tpu.memory_space<vmem>>, vector<16xf32>,
      tpu.vector_store %arg7[%parallel_loop3A_258, %parallel_loop3A_259], %parallel_loop3A_257 {strides = array<i32>} : memref<128x128xf32, #tpu.memory_space<vmem>>, vector<16xf32>,
      %parallel_loop3A_261 = arith.index_cast %parallel_loop3A_250 : i32 to index
      %parallel_loop3A_262 = arith.constant 16 : index
      %parallel_loop3A_263 = tpu.vector_load %arg7[%parallel_loop3A_261, %parallel_loop3A_262] {strides = array<i32>} : memref<128x128xf32, #tpu.memory_space<vmem>>, vector<16xf32>,
      %parallel_loop3A_264 = arith.mulf %parallel_loop3A_263, %parallel_loop3A_253 : vector<16xf32>
      %parallel_loop3A_265 = arith.index_cast %parallel_loop3A_250 : i32 to index
      %parallel_loop3A_266 = arith.constant 16 : index
      %parallel_loop3A_267 = tpu.vector_load %arg7[%parallel_loop3A_265, %parallel_loop3A_266] {strides = array<i32>} : memref<128x128xf32, #tpu.memory_space<vmem>>, vector<16xf32>,
      tpu.vector_store %arg7[%parallel_loop3A_265, %parallel_loop3A_266], %parallel_loop3A_264 {strides = array<i32>} : memref<128x128xf32, #tpu.memory_space<vmem>>, vector<16xf32>,
      %parallel_loop3A_268 = arith.index_cast %parallel_loop3A_250 : i32 to index
      %parallel_loop3A_269 = arith.constant 32 : index
      %parallel_loop3A_270 = tpu.vector_load %arg7[%parallel_loop3A_268, %parallel_loop3A_269] {strides = array<i32>} : memref<128x128xf32, #tpu.memory_space<vmem>>, vector<16xf32>,
      %parallel_loop3A_271 = arith.mulf %parallel_loop3A_270, %parallel_loop3A_253 : vector<16xf32>
      %parallel_loop3A_272 = arith.index_cast %parallel_loop3A_250 : i32 to index
      %parallel_loop3A_273 = arith.constant 32 : index
      %parallel_loop3A_274 = tpu.vector_load %arg7[%parallel_loop3A_272, %parallel_loop3A_273] {strides = array<i32>} : memref<128x128xf32, #tpu.memory_space<vmem>>, vector<16xf32>,
      tpu.vector_store %arg7[%parallel_loop3A_272, %parallel_loop3A_273], %parallel_loop3A_271 {strides = array<i32>} : memref<128x128xf32, #tpu.memory_space<vmem>>, vector<16xf32>,
      %parallel_loop3A_275 = arith.index_cast %parallel_loop3A_250 : i32 to index
      %parallel_loop3A_276 = arith.constant 48 : index
      %parallel_loop3A_277 = tpu.vector_load %arg7[%parallel_loop3A_275, %parallel_loop3A_276] {strides = array<i32>} : memref<128x128xf32, #tpu.memory_space<vmem>>, vector<16xf32>,
      %parallel_loop3A_278 = arith.mulf %parallel_loop3A_277, %parallel_loop3A_253 : vector<16xf32>
      %parallel_loop3A_279 = arith.index_cast %parallel_loop3A_250 : i32 to index
      %parallel_loop3A_280 = arith.constant 48 : index
      %parallel_loop3A_281 = tpu.vector_load %arg7[%parallel_loop3A_279, %parallel_loop3A_280] {strides = array<i32>} : memref<128x128xf32, #tpu.memory_space<vmem>>, vector<16xf32>,
      tpu.vector_store %arg7[%parallel_loop3A_279, %parallel_loop3A_280], %parallel_loop3A_278 {strides = array<i32>} : memref<128x128xf32, #tpu.memory_space<vmem>>, vector<16xf32>,
      %parallel_loop3A_282 = arith.index_cast %parallel_loop3A_250 : i32 to index
      %parallel_loop3A_283 = arith.constant 64 : index
      %parallel_loop3A_284 = tpu.vector_load %arg7[%parallel_loop3A_282, %parallel_loop3A_283] {strides = array<i32>} : memref<128x128xf32, #tpu.memory_space<vmem>>, vector<16xf32>,
      %parallel_loop3A_285 = arith.mulf %parallel_loop3A_284, %parallel_loop3A_253 : vector<16xf32>
      %parallel_loop3A_286 = arith.index_cast %parallel_loop3A_250 : i32 to index
      %parallel_loop3A_287 = arith.constant 64 : index
      %parallel_loop3A_288 = tpu.vector_load %arg7[%parallel_loop3A_286, %parallel_loop3A_287] {strides = array<i32>} : memref<128x128xf32, #tpu.memory_space<vmem>>, vector<16xf32>,
      tpu.vector_store %arg7[%parallel_loop3A_286, %parallel_loop3A_287], %parallel_loop3A_285 {strides = array<i32>} : memref<128x128xf32, #tpu.memory_space<vmem>>, vector<16xf32>,
      %parallel_loop3A_289 = arith.index_cast %parallel_loop3A_250 : i32 to index
      %parallel_loop3A_290 = arith.constant 80 : index
      %parallel_loop3A_291 = tpu.vector_load %arg7[%parallel_loop3A_289, %parallel_loop3A_290] {strides = array<i32>} : memref<128x128xf32, #tpu.memory_space<vmem>>, vector<16xf32>,
      %parallel_loop3A_292 = arith.mulf %parallel_loop3A_291, %parallel_loop3A_253 : vector<16xf32>
      %parallel_loop3A_293 = arith.index_cast %parallel_loop3A_250 : i32 to index
      %parallel_loop3A_294 = arith.constant 80 : index
      %parallel_loop3A_295 = tpu.vector_load %arg7[%parallel_loop3A_293, %parallel_loop3A_294] {strides = array<i32>} : memref<128x128xf32, #tpu.memory_space<vmem>>, vector<16xf32>,
      tpu.vector_store %arg7[%parallel_loop3A_293, %parallel_loop3A_294], %parallel_loop3A_292 {strides = array<i32>} : memref<128x128xf32, #tpu.memory_space<vmem>>, vector<16xf32>,
      %parallel_loop3A_296 = arith.index_cast %parallel_loop3A_250 : i32 to index
      %parallel_loop3A_297 = arith.constant 96 : index
      %parallel_loop3A_298 = tpu.vector_load %arg7[%parallel_loop3A_296, %parallel_loop3A_297] {strides = array<i32>} : memref<128x128xf32, #tpu.memory_space<vmem>>, vector<16xf32>,
      %parallel_loop3A_299 = arith.mulf %parallel_loop3A_298, %parallel_loop3A_253 : vector<16xf32>
      %parallel_loop3A_300 = arith.index_cast %parallel_loop3A_250 : i32 to index
      %parallel_loop3A_301 = arith.constant 96 : index
      %parallel_loop3A_302 = tpu.vector_load %arg7[%parallel_loop3A_300, %parallel_loop3A_301] {strides = array<i32>} : memref<128x128xf32, #tpu.memory_space<vmem>>, vector<16xf32>,
      tpu.vector_store %arg7[%parallel_loop3A_300, %parallel_loop3A_301], %parallel_loop3A_299 {strides = array<i32>} : memref<128x128xf32, #tpu.memory_space<vmem>>, vector<16xf32>,
      %parallel_loop3A_303 = arith.index_cast %parallel_loop3A_250 : i32 to index
      %parallel_loop3A_304 = arith.constant 112 : index
      %parallel_loop3A_305 = tpu.vector_load %arg7[%parallel_loop3A_303, %parallel_loop3A_304] {strides = array<i32>} : memref<128x128xf32, #tpu.memory_space<vmem>>, vector<16xf32>,
      %parallel_loop3A_306 = arith.mulf %parallel_loop3A_305, %parallel_loop3A_253 : vector<16xf32>
      %parallel_loop3A_307 = arith.index_cast %parallel_loop3A_250 : i32 to index
      %parallel_loop3A_308 = arith.constant 112 : index
      %parallel_loop3A_309 = tpu.vector_load %arg7[%parallel_loop3A_307, %parallel_loop3A_308] {strides = array<i32>} : memref<128x128xf32, #tpu.memory_space<vmem>>, vector<16xf32>,
      tpu.vector_store %arg7[%parallel_loop3A_307, %parallel_loop3A_308], %parallel_loop3A_306 {strides = array<i32>} : memref<128x128xf32, #tpu.memory_space<vmem>>, vector<16xf32>,
    } {sc.loop_unroll_factor = 4 : i64, sc.parallel_access}
    "tpu.region"() ({
      %run_scoped3A = tpu.sem_alloc : memref<!tpu.dma_semaphore, #tpu.memory_space<semaphore_mem>>
      %dma_start3A_250 = arith.constant 0 : i32
      %dma_start3A_251 = arith.constant 0 : i32
      %dma_start3A_252 = tpu.memref_slice %arg17[%dma_start3A_250, %dma_start3A_251] : memref<10000x128xf32, #tpu.memory_space<vmem_shared>> -> memref<10000x128xf32, #tpu.memory_space<vmem_shared>>
      tpu.enqueue_indirect_dma source(%arg7 : memref<128x128xf32, #tpu.memory_space<vmem>>) target(%dma_start3A_252 : memref<10000x128xf32, #tpu.memory_space<vmem_shared>>) offsets(%arg10 : memref<128xi32, #tpu.memory_space<vmem>>) semaphore(%run_scoped3A : memref<!tpu.dma_semaphore, #tpu.memory_space<semaphore_mem>>) {add = true}
      %dma_wait3A_253 = arith.constant 0 : i32
      %dma_wait3A_254 = arith.constant 0 : i32
      %dma_wait3A_255 = tpu.memref_slice %arg17[%dma_wait3A_253, %dma_wait3A_254] : memref<10000x128xf32, #tpu.memory_space<vmem_shared>> -> memref<10000x128xf32, #tpu.memory_space<vmem_shared>>
      tpu.wait_indirect_dma semaphore(%run_scoped3A : memref<!tpu.dma_semaphore, #tpu.memory_space<semaphore_mem>>) src(%arg7 : memref<128x128xf32, #tpu.memory_space<vmem>>) dst(%dma_wait3A_255 : memref<10000x128xf32, #tpu.memory_space<vmem_shared>>)
      tpu.yield
    }) : () -> ()
    %barrier3A_193 = arith.constant 0 : index
    tpu.barrier barrier_id(%barrier3A_193)
    %add3A_194 = arith.constant 0 : i32
    %add3A_195 = arith.addi %arg1, %add3A_194 : i32
    %lt3A_196 = arith.constant 125 : i32
    %lt3A_197 = arith.cmpi slt, %add3A_195, %lt3A_196 : i32
    %convert_element_type3A_198 = arith.extui %lt3A_197 : i1 to i32
    %cond3A_199 = arith.constant 0 : i32
    %cond3A_200 = arith.cmpi ne, %convert_element_type3A_198, %cond3A_199 : i32
    scf.if %cond3A_200 {
      %mul3A_250 = arith.constant 80 : i32
      %mul3A_251 = arith.muli %add3A_195, %mul3A_250 : i32
      %multiple_of3A_252 = tpu.assume_multiple %mul3A_251, 8 : i32
      "tpu.region"() ({
        %run_scoped3A = tpu.sem_alloc : memref<!tpu.dma_semaphore, #tpu.memory_space<semaphore_mem>>
        %dma_start3A_253 = arith.constant 0 : i32
        %dma_start3A_254 = tpu.memref_slice %arg4[%arg0, %multiple_of3A_252, %dma_start3A_253] : memref<2x10000x128xf32, #tpu.memory_space<hbm>> -> memref<1x80x128xf32, #tpu.memory_space<hbm>>
        %dma_start3A_255 = tpu.memref_squeeze %dma_start3A_254 : memref<1x80x128xf32, #tpu.memory_space<hbm>> -> memref<80x128xf32, #tpu.memory_space<hbm>>
        %dma_start3A_256 = arith.constant 0 : i32
        %dma_start3A_257 = tpu.memref_slice %arg17[%multiple_of3A_252, %dma_start3A_256] : memref<10000x128xf32, #tpu.memory_space<vmem_shared>> -> memref<80x128xf32, #tpu.memory_space<vmem_shared>>
        tpu.enqueue_dma source(%dma_start3A_257 : memref<80x128xf32, #tpu.memory_space<vmem_shared>>) target(%dma_start3A_255 : memref<80x128xf32, #tpu.memory_space<hbm>>) target_semaphore(%run_scoped3A : memref<!tpu.dma_semaphore, #tpu.memory_space<semaphore_mem>>)
        %dma_wait3A_258 = arith.constant 0 : i32
        %dma_wait3A_259 = tpu.memref_slice %arg4[%arg0, %multiple_of3A_252, %dma_wait3A_258] : memref<2x10000x128xf32, #tpu.memory_space<hbm>> -> memref<1x80x128xf32, #tpu.memory_space<hbm>>
        %dma_wait3A_260 = tpu.memref_squeeze %dma_wait3A_259 : memref<1x80x128xf32, #tpu.memory_space<hbm>> -> memref<80x128xf32, #tpu.memory_space<hbm>>
        %dma_wait3A_261 = arith.constant 0 : i32
        %dma_wait3A_262 = tpu.memref_slice %arg17[%multiple_of3A_252, %dma_wait3A_261] : memref<10000x128xf32, #tpu.memory_space<vmem_shared>> -> memref<80x128xf32, #tpu.memory_space<vmem_shared>>
        tpu.wait_dma2 semaphore(%run_scoped3A : memref<!tpu.dma_semaphore, #tpu.memory_space<semaphore_mem>>) src(%dma_wait3A_262 : memref<80x128xf32, #tpu.memory_space<vmem_shared>>) dst(%dma_wait3A_260 : memref<80x128xf32, #tpu.memory_space<hbm>>)
        tpu.yield
      }) : () -> ()
    } else {
    }
    %add3A_201 = arith.constant 16 : i32
    %add3A_202 = arith.addi %arg1, %add3A_201 : i32
    %lt3A_203 = arith.constant 125 : i32
    %lt3A_204 = arith.cmpi slt, %add3A_202, %lt3A_203 : i32
    %convert_element_type3A_205 = arith.extui %lt3A_204 : i1 to i32
    %cond3A_206 = arith.constant 0 : i32
    %cond3A_207 = arith.cmpi ne, %convert_element_type3A_205, %cond3A_206 : i32
    scf.if %cond3A_207 {
      %mul3A_250 = arith.constant 80 : i32
      %mul3A_251 = arith.muli %add3A_202, %mul3A_250 : i32
      %multiple_of3A_252 = tpu.assume_multiple %mul3A_251, 8 : i32
      "tpu.region"() ({
        %run_scoped3A = tpu.sem_alloc : memref<!tpu.dma_semaphore, #tpu.memory_space<semaphore_mem>>
        %dma_start3A_253 = arith.constant 0 : i32
        %dma_start3A_254 = tpu.memref_slice %arg4[%arg0, %multiple_of3A_252, %dma_start3A_253] : memref<2x10000x128xf32, #tpu.memory_space<hbm>> -> memref<1x80x128xf32, #tpu.memory_space<hbm>>
        %dma_start3A_255 = tpu.memref_squeeze %dma_start3A_254 : memref<1x80x128xf32, #tpu.memory_space<hbm>> -> memref<80x128xf32, #tpu.memory_space<hbm>>
        %dma_start3A_256 = arith.constant 0 : i32
        %dma_start3A_257 = tpu.memref_slice %arg17[%multiple_of3A_252, %dma_start3A_256] : memref<10000x128xf32, #tpu.memory_space<vmem_shared>> -> memref<80x128xf32, #tpu.memory_space<vmem_shared>>
        tpu.enqueue_dma source(%dma_start3A_257 : memref<80x128xf32, #tpu.memory_space<vmem_shared>>) target(%dma_start3A_255 : memref<80x128xf32, #tpu.memory_space<hbm>>) target_semaphore(%run_scoped3A : memref<!tpu.dma_semaphore, #tpu.memory_space<semaphore_mem>>)
        %dma_wait3A_258 = arith.constant 0 : i32
        %dma_wait3A_259 = tpu.memref_slice %arg4[%arg0, %multiple_of3A_252, %dma_wait3A_258] : memref<2x10000x128xf32, #tpu.memory_space<hbm>> -> memref<1x80x128xf32, #tpu.memory_space<hbm>>
        %dma_wait3A_260 = tpu.memref_squeeze %dma_wait3A_259 : memref<1x80x128xf32, #tpu.memory_space<hbm>> -> memref<80x128xf32, #tpu.memory_space<hbm>>
        %dma_wait3A_261 = arith.constant 0 : i32
        %dma_wait3A_262 = tpu.memref_slice %arg17[%multiple_of3A_252, %dma_wait3A_261] : memref<10000x128xf32, #tpu.memory_space<vmem_shared>> -> memref<80x128xf32, #tpu.memory_space<vmem_shared>>
        tpu.wait_dma2 semaphore(%run_scoped3A : memref<!tpu.dma_semaphore, #tpu.memory_space<semaphore_mem>>) src(%dma_wait3A_262 : memref<80x128xf32, #tpu.memory_space<vmem_shared>>) dst(%dma_wait3A_260 : memref<80x128xf32, #tpu.memory_space<hbm>>)
        tpu.yield
      }) : () -> ()
    } else {
    }
    %add3A_208 = arith.constant 32 : i32
    %add3A_209 = arith.addi %arg1, %add3A_208 : i32
    %lt3A_210 = arith.constant 125 : i32
    %lt3A_211 = arith.cmpi slt, %add3A_209, %lt3A_210 : i32
    %convert_element_type3A_212 = arith.extui %lt3A_211 : i1 to i32
    %cond3A_213 = arith.constant 0 : i32
    %cond3A_214 = arith.cmpi ne, %convert_element_type3A_212, %cond3A_213 : i32
    scf.if %cond3A_214 {
      %mul3A_250 = arith.constant 80 : i32
      %mul3A_251 = arith.muli %add3A_209, %mul3A_250 : i32
      %multiple_of3A_252 = tpu.assume_multiple %mul3A_251, 8 : i32
      "tpu.region"() ({
        %run_scoped3A = tpu.sem_alloc : memref<!tpu.dma_semaphore, #tpu.memory_space<semaphore_mem>>
        %dma_start3A_253 = arith.constant 0 : i32
        %dma_start3A_254 = tpu.memref_slice %arg4[%arg0, %multiple_of3A_252, %dma_start3A_253] : memref<2x10000x128xf32, #tpu.memory_space<hbm>> -> memref<1x80x128xf32, #tpu.memory_space<hbm>>
        %dma_start3A_255 = tpu.memref_squeeze %dma_start3A_254 : memref<1x80x128xf32, #tpu.memory_space<hbm>> -> memref<80x128xf32, #tpu.memory_space<hbm>>
        %dma_start3A_256 = arith.constant 0 : i32
        %dma_start3A_257 = tpu.memref_slice %arg17[%multiple_of3A_252, %dma_start3A_256] : memref<10000x128xf32, #tpu.memory_space<vmem_shared>> -> memref<80x128xf32, #tpu.memory_space<vmem_shared>>
        tpu.enqueue_dma source(%dma_start3A_257 : memref<80x128xf32, #tpu.memory_space<vmem_shared>>) target(%dma_start3A_255 : memref<80x128xf32, #tpu.memory_space<hbm>>) target_semaphore(%run_scoped3A : memref<!tpu.dma_semaphore, #tpu.memory_space<semaphore_mem>>)
        %dma_wait3A_258 = arith.constant 0 : i32
        %dma_wait3A_259 = tpu.memref_slice %arg4[%arg0, %multiple_of3A_252, %dma_wait3A_258] : memref<2x10000x128xf32, #tpu.memory_space<hbm>> -> memref<1x80x128xf32, #tpu.memory_space<hbm>>
        %dma_wait3A_260 = tpu.memref_squeeze %dma_wait3A_259 : memref<1x80x128xf32, #tpu.memory_space<hbm>> -> memref<80x128xf32, #tpu.memory_space<hbm>>
        %dma_wait3A_261 = arith.constant 0 : i32
        %dma_wait3A_262 = tpu.memref_slice %arg17[%multiple_of3A_252, %dma_wait3A_261] : memref<10000x128xf32, #tpu.memory_space<vmem_shared>> -> memref<80x128xf32, #tpu.memory_space<vmem_shared>>
        tpu.wait_dma2 semaphore(%run_scoped3A : memref<!tpu.dma_semaphore, #tpu.memory_space<semaphore_mem>>) src(%dma_wait3A_262 : memref<80x128xf32, #tpu.memory_space<vmem_shared>>) dst(%dma_wait3A_260 : memref<80x128xf32, #tpu.memory_space<hbm>>)
        tpu.yield
      }) : () -> ()
    } else {
    }
    %add3A_215 = arith.constant 48 : i32
    %add3A_216 = arith.addi %arg1, %add3A_215 : i32
    %lt3A_217 = arith.constant 125 : i32
    %lt3A_218 = arith.cmpi slt, %add3A_216, %lt3A_217 : i32
    %convert_element_type3A_219 = arith.extui %lt3A_218 : i1 to i32
    %cond3A_220 = arith.constant 0 : i32
    %cond3A_221 = arith.cmpi ne, %convert_element_type3A_219, %cond3A_220 : i32
    scf.if %cond3A_221 {
      %mul3A_250 = arith.constant 80 : i32
      %mul3A_251 = arith.muli %add3A_216, %mul3A_250 : i32
      %multiple_of3A_252 = tpu.assume_multiple %mul3A_251, 8 : i32
      "tpu.region"() ({
        %run_scoped3A = tpu.sem_alloc : memref<!tpu.dma_semaphore, #tpu.memory_space<semaphore_mem>>
        %dma_start3A_253 = arith.constant 0 : i32
        %dma_start3A_254 = tpu.memref_slice %arg4[%arg0, %multiple_of3A_252, %dma_start3A_253] : memref<2x10000x128xf32, #tpu.memory_space<hbm>> -> memref<1x80x128xf32, #tpu.memory_space<hbm>>
        %dma_start3A_255 = tpu.memref_squeeze %dma_start3A_254 : memref<1x80x128xf32, #tpu.memory_space<hbm>> -> memref<80x128xf32, #tpu.memory_space<hbm>>
        %dma_start3A_256 = arith.constant 0 : i32
        %dma_start3A_257 = tpu.memref_slice %arg17[%multiple_of3A_252, %dma_start3A_256] : memref<10000x128xf32, #tpu.memory_space<vmem_shared>> -> memref<80x128xf32, #tpu.memory_space<vmem_shared>>
        tpu.enqueue_dma source(%dma_start3A_257 : memref<80x128xf32, #tpu.memory_space<vmem_shared>>) target(%dma_start3A_255 : memref<80x128xf32, #tpu.memory_space<hbm>>) target_semaphore(%run_scoped3A : memref<!tpu.dma_semaphore, #tpu.memory_space<semaphore_mem>>)
        %dma_wait3A_258 = arith.constant 0 : i32
        %dma_wait3A_259 = tpu.memref_slice %arg4[%arg0, %multiple_of3A_252, %dma_wait3A_258] : memref<2x10000x128xf32, #tpu.memory_space<hbm>> -> memref<1x80x128xf32, #tpu.memory_space<hbm>>
        %dma_wait3A_260 = tpu.memref_squeeze %dma_wait3A_259 : memref<1x80x128xf32, #tpu.memory_space<hbm>> -> memref<80x128xf32, #tpu.memory_space<hbm>>
        %dma_wait3A_261 = arith.constant 0 : i32
        %dma_wait3A_262 = tpu.memref_slice %arg17[%multiple_of3A_252, %dma_wait3A_261] : memref<10000x128xf32, #tpu.memory_space<vmem_shared>> -> memref<80x128xf32, #tpu.memory_space<vmem_shared>>
        tpu.wait_dma2 semaphore(%run_scoped3A : memref<!tpu.dma_semaphore, #tpu.memory_space<semaphore_mem>>) src(%dma_wait3A_262 : memref<80x128xf32, #tpu.memory_space<vmem_shared>>) dst(%dma_wait3A_260 : memref<80x128xf32, #tpu.memory_space<hbm>>)
        tpu.yield
      }) : () -> ()
    } else {
    }
    %add3A_222 = arith.constant 64 : i32
    %add3A_223 = arith.addi %arg1, %add3A_222 : i32
    %lt3A_224 = arith.constant 125 : i32
    %lt3A_225 = arith.cmpi slt, %add3A_223, %lt3A_224 : i32
    %convert_element_type3A_226 = arith.extui %lt3A_225 : i1 to i32
    %cond3A_227 = arith.constant 0 : i32
    %cond3A_228 = arith.cmpi ne, %convert_element_type3A_226, %cond3A_227 : i32
    scf.if %cond3A_228 {
      %mul3A_250 = arith.constant 80 : i32
      %mul3A_251 = arith.muli %add3A_223, %mul3A_250 : i32
      %multiple_of3A_252 = tpu.assume_multiple %mul3A_251, 8 : i32
      "tpu.region"() ({
        %run_scoped3A = tpu.sem_alloc : memref<!tpu.dma_semaphore, #tpu.memory_space<semaphore_mem>>
        %dma_start3A_253 = arith.constant 0 : i32
        %dma_start3A_254 = tpu.memref_slice %arg4[%arg0, %multiple_of3A_252, %dma_start3A_253] : memref<2x10000x128xf32, #tpu.memory_space<hbm>> -> memref<1x80x128xf32, #tpu.memory_space<hbm>>
        %dma_start3A_255 = tpu.memref_squeeze %dma_start3A_254 : memref<1x80x128xf32, #tpu.memory_space<hbm>> -> memref<80x128xf32, #tpu.memory_space<hbm>>
        %dma_start3A_256 = arith.constant 0 : i32
        %dma_start3A_257 = tpu.memref_slice %arg17[%multiple_of3A_252, %dma_start3A_256] : memref<10000x128xf32, #tpu.memory_space<vmem_shared>> -> memref<80x128xf32, #tpu.memory_space<vmem_shared>>
        tpu.enqueue_dma source(%dma_start3A_257 : memref<80x128xf32, #tpu.memory_space<vmem_shared>>) target(%dma_start3A_255 : memref<80x128xf32, #tpu.memory_space<hbm>>) target_semaphore(%run_scoped3A : memref<!tpu.dma_semaphore, #tpu.memory_space<semaphore_mem>>)
        %dma_wait3A_258 = arith.constant 0 : i32
        %dma_wait3A_259 = tpu.memref_slice %arg4[%arg0, %multiple_of3A_252, %dma_wait3A_258] : memref<2x10000x128xf32, #tpu.memory_space<hbm>> -> memref<1x80x128xf32, #tpu.memory_space<hbm>>
        %dma_wait3A_260 = tpu.memref_squeeze %dma_wait3A_259 : memref<1x80x128xf32, #tpu.memory_space<hbm>> -> memref<80x128xf32, #tpu.memory_space<hbm>>
        %dma_wait3A_261 = arith.constant 0 : i32
        %dma_wait3A_262 = tpu.memref_slice %arg17[%multiple_of3A_252, %dma_wait3A_261] : memref<10000x128xf32, #tpu.memory_space<vmem_shared>> -> memref<80x128xf32, #tpu.memory_space<vmem_shared>>
        tpu.wait_dma2 semaphore(%run_scoped3A : memref<!tpu.dma_semaphore, #tpu.memory_space<semaphore_mem>>) src(%dma_wait3A_262 : memref<80x128xf32, #tpu.memory_space<vmem_shared>>) dst(%dma_wait3A_260 : memref<80x128xf32, #tpu.memory_space<hbm>>)
        tpu.yield
      }) : () -> ()
    } else {
    }
    %add3A_229 = arith.constant 80 : i32
    %add3A_230 = arith.addi %arg1, %add3A_229 : i32
    %lt3A_231 = arith.constant 125 : i32
    %lt3A_232 = arith.cmpi slt, %add3A_230, %lt3A_231 : i32
    %convert_element_type3A_233 = arith.extui %lt3A_232 : i1 to i32
    %cond3A_234 = arith.constant 0 : i32
    %cond3A_235 = arith.cmpi ne, %convert_element_type3A_233, %cond3A_234 : i32
    scf.if %cond3A_235 {
      %mul3A_250 = arith.constant 80 : i32
      %mul3A_251 = arith.muli %add3A_230, %mul3A_250 : i32
      %multiple_of3A_252 = tpu.assume_multiple %mul3A_251, 8 : i32
      "tpu.region"() ({
        %run_scoped3A = tpu.sem_alloc : memref<!tpu.dma_semaphore, #tpu.memory_space<semaphore_mem>>
        %dma_start3A_253 = arith.constant 0 : i32
        %dma_start3A_254 = tpu.memref_slice %arg4[%arg0, %multiple_of3A_252, %dma_start3A_253] : memref<2x10000x128xf32, #tpu.memory_space<hbm>> -> memref<1x80x128xf32, #tpu.memory_space<hbm>>
        %dma_start3A_255 = tpu.memref_squeeze %dma_start3A_254 : memref<1x80x128xf32, #tpu.memory_space<hbm>> -> memref<80x128xf32, #tpu.memory_space<hbm>>
        %dma_start3A_256 = arith.constant 0 : i32
        %dma_start3A_257 = tpu.memref_slice %arg17[%multiple_of3A_252, %dma_start3A_256] : memref<10000x128xf32, #tpu.memory_space<vmem_shared>> -> memref<80x128xf32, #tpu.memory_space<vmem_shared>>
        tpu.enqueue_dma source(%dma_start3A_257 : memref<80x128xf32, #tpu.memory_space<vmem_shared>>) target(%dma_start3A_255 : memref<80x128xf32, #tpu.memory_space<hbm>>) target_semaphore(%run_scoped3A : memref<!tpu.dma_semaphore, #tpu.memory_space<semaphore_mem>>)
        %dma_wait3A_258 = arith.constant 0 : i32
        %dma_wait3A_259 = tpu.memref_slice %arg4[%arg0, %multiple_of3A_252, %dma_wait3A_258] : memref<2x10000x128xf32, #tpu.memory_space<hbm>> -> memref<1x80x128xf32, #tpu.memory_space<hbm>>
        %dma_wait3A_260 = tpu.memref_squeeze %dma_wait3A_259 : memref<1x80x128xf32, #tpu.memory_space<hbm>> -> memref<80x128xf32, #tpu.memory_space<hbm>>
        %dma_wait3A_261 = arith.constant 0 : i32
        %dma_wait3A_262 = tpu.memref_slice %arg17[%multiple_of3A_252, %dma_wait3A_261] : memref<10000x128xf32, #tpu.memory_space<vmem_shared>> -> memref<80x128xf32, #tpu.memory_space<vmem_shared>>
        tpu.wait_dma2 semaphore(%run_scoped3A : memref<!tpu.dma_semaphore, #tpu.memory_space<semaphore_mem>>) src(%dma_wait3A_262 : memref<80x128xf32, #tpu.memory_space<vmem_shared>>) dst(%dma_wait3A_260 : memref<80x128xf32, #tpu.memory_space<hbm>>)
        tpu.yield
      }) : () -> ()
    } else {
    }
    %add3A_236 = arith.constant 96 : i32
    %add3A_237 = arith.addi %arg1, %add3A_236 : i32
    %lt3A_238 = arith.constant 125 : i32
    %lt3A_239 = arith.cmpi slt, %add3A_237, %lt3A_238 : i32
    %convert_element_type3A_240 = arith.extui %lt3A_239 : i1 to i32
    %cond3A_241 = arith.constant 0 : i32
    %cond3A_242 = arith.cmpi ne, %convert_element_type3A_240, %cond3A_241 : i32
    scf.if %cond3A_242 {
      %mul3A_250 = arith.constant 80 : i32
      %mul3A_251 = arith.muli %add3A_237, %mul3A_250 : i32
      %multiple_of3A_252 = tpu.assume_multiple %mul3A_251, 8 : i32
      "tpu.region"() ({
        %run_scoped3A = tpu.sem_alloc : memref<!tpu.dma_semaphore, #tpu.memory_space<semaphore_mem>>
        %dma_start3A_253 = arith.constant 0 : i32
        %dma_start3A_254 = tpu.memref_slice %arg4[%arg0, %multiple_of3A_252, %dma_start3A_253] : memref<2x10000x128xf32, #tpu.memory_space<hbm>> -> memref<1x80x128xf32, #tpu.memory_space<hbm>>
        %dma_start3A_255 = tpu.memref_squeeze %dma_start3A_254 : memref<1x80x128xf32, #tpu.memory_space<hbm>> -> memref<80x128xf32, #tpu.memory_space<hbm>>
        %dma_start3A_256 = arith.constant 0 : i32
        %dma_start3A_257 = tpu.memref_slice %arg17[%multiple_of3A_252, %dma_start3A_256] : memref<10000x128xf32, #tpu.memory_space<vmem_shared>> -> memref<80x128xf32, #tpu.memory_space<vmem_shared>>
        tpu.enqueue_dma source(%dma_start3A_257 : memref<80x128xf32, #tpu.memory_space<vmem_shared>>) target(%dma_start3A_255 : memref<80x128xf32, #tpu.memory_space<hbm>>) target_semaphore(%run_scoped3A : memref<!tpu.dma_semaphore, #tpu.memory_space<semaphore_mem>>)
        %dma_wait3A_258 = arith.constant 0 : i32
        %dma_wait3A_259 = tpu.memref_slice %arg4[%arg0, %multiple_of3A_252, %dma_wait3A_258] : memref<2x10000x128xf32, #tpu.memory_space<hbm>> -> memref<1x80x128xf32, #tpu.memory_space<hbm>>
        %dma_wait3A_260 = tpu.memref_squeeze %dma_wait3A_259 : memref<1x80x128xf32, #tpu.memory_space<hbm>> -> memref<80x128xf32, #tpu.memory_space<hbm>>
        %dma_wait3A_261 = arith.constant 0 : i32
        %dma_wait3A_262 = tpu.memref_slice %arg17[%multiple_of3A_252, %dma_wait3A_261] : memref<10000x128xf32, #tpu.memory_space<vmem_shared>> -> memref<80x128xf32, #tpu.memory_space<vmem_shared>>
        tpu.wait_dma2 semaphore(%run_scoped3A : memref<!tpu.dma_semaphore, #tpu.memory_space<semaphore_mem>>) src(%dma_wait3A_262 : memref<80x128xf32, #tpu.memory_space<vmem_shared>>) dst(%dma_wait3A_260 : memref<80x128xf32, #tpu.memory_space<hbm>>)
        tpu.yield
      }) : () -> ()
    } else {
    }
    %add3A_243 = arith.constant 112 : i32
    %add3A_244 = arith.addi %arg1, %add3A_243 : i32
    %lt3A_245 = arith.constant 125 : i32
    %lt3A_246 = arith.cmpi slt, %add3A_244, %lt3A_245 : i32
    %convert_element_type3A_247 = arith.extui %lt3A_246 : i1 to i32
    %cond3A_248 = arith.constant 0 : i32
    %cond3A_249 = arith.cmpi ne, %convert_element_type3A_247, %cond3A_248 : i32
    scf.if %cond3A_249 {
      %mul3A_250 = arith.constant 80 : i32
      %mul3A_251 = arith.muli %add3A_244, %mul3A_250 : i32
      %multiple_of3A_252 = tpu.assume_multiple %mul3A_251, 8 : i32
      "tpu.region"() ({
        %run_scoped3A = tpu.sem_alloc : memref<!tpu.dma_semaphore, #tpu.memory_space<semaphore_mem>>
        %dma_start3A_253 = arith.constant 0 : i32
        %dma_start3A_254 = tpu.memref_slice %arg4[%arg0, %multiple_of3A_252, %dma_start3A_253] : memref<2x10000x128xf32, #tpu.memory_space<hbm>> -> memref<1x80x128xf32, #tpu.memory_space<hbm>>
        %dma_start3A_255 = tpu.memref_squeeze %dma_start3A_254 : memref<1x80x128xf32, #tpu.memory_space<hbm>> -> memref<80x128xf32, #tpu.memory_space<hbm>>
        %dma_start3A_256 = arith.constant 0 : i32
        %dma_start3A_257 = tpu.memref_slice %arg17[%multiple_of3A_252, %dma_start3A_256] : memref<10000x128xf32, #tpu.memory_space<vmem_shared>> -> memref<80x128xf32, #tpu.memory_space<vmem_shared>>
        tpu.enqueue_dma source(%dma_start3A_257 : memref<80x128xf32, #tpu.memory_space<vmem_shared>>) target(%dma_start3A_255 : memref<80x128xf32, #tpu.memory_space<hbm>>) target_semaphore(%run_scoped3A : memref<!tpu.dma_semaphore, #tpu.memory_space<semaphore_mem>>)
        %dma_wait3A_258 = arith.constant 0 : i32
        %dma_wait3A_259 = tpu.memref_slice %arg4[%arg0, %multiple_of3A_252, %dma_wait3A_258] : memref<2x10000x128xf32, #tpu.memory_space<hbm>> -> memref<1x80x128xf32, #tpu.memory_space<hbm>>
        %dma_wait3A_260 = tpu.memref_squeeze %dma_wait3A_259 : memref<1x80x128xf32, #tpu.memory_space<hbm>> -> memref<80x128xf32, #tpu.memory_space<hbm>>
        %dma_wait3A_261 = arith.constant 0 : i32
        %dma_wait3A_262 = tpu.memref_slice %arg17[%multiple_of3A_252, %dma_wait3A_261] : memref<10000x128xf32, #tpu.memory_space<vmem_shared>> -> memref<80x128xf32, #tpu.memory_space<vmem_shared>>
        tpu.wait_dma2 semaphore(%run_scoped3A : memref<!tpu.dma_semaphore, #tpu.memory_space<semaphore_mem>>) src(%dma_wait3A_262 : memref<80x128xf32, #tpu.memory_space<vmem_shared>>) dst(%dma_wait3A_260 : memref<80x128xf32, #tpu.memory_space<hbm>>)
        tpu.yield
      }) : () -> ()
    } else {
    }
    return
  }
}

module attributes {stable_mosaic.version = 14 : i64} {
  func.func @_mm_body(%arg0: i32, %arg1: memref<1000x128xf32, #tpu.memory_space<vmem>>, %arg2: memref<128x128xf32, #tpu.memory_space<vmem>>, %arg3: memref<1x128xf32, #tpu.memory_space<vmem>>, %arg4: memref<1000x128xf32, #tpu.memory_space<vmem>>) attributes {dimension_semantics = [#tpu.dimension_semantics<arbitrary>], iteration_bounds = array<i64: 10>, scalar_prefetch = 0 : i64, scratch_operands = 0 : i64, tpu.core_type = #tpu.core_type<tc>, window_params = [{transform_indices = @transform_0, window_bounds = array<i64: 1000, 128>}, {pipeline_mode = #tpu.pipeline_mode<synchronous>, transform_indices = @transform_1, window_bounds = array<i64: 128, 128>}, {pipeline_mode = #tpu.pipeline_mode<synchronous>, transform_indices = @transform_2, window_bounds = array<i64: 1, 128>}, {transform_indices = @transform_3, window_bounds = array<i64: 1000, 128>}]} {
    %get3A = arith.constant 0 : index
    %get3A_0 = arith.constant 0 : index
    %get3A_1 = vector.load %arg1[%get3A, %get3A_0] : memref<1000x128xf32, #tpu.memory_space<vmem>>, vector<1000x128xf32>
    %get3A_2 = arith.constant 0 : index
    %get3A_3 = arith.constant 0 : index
    %get3A_4 = vector.load %arg2[%get3A_2, %get3A_3] : memref<128x128xf32, #tpu.memory_space<vmem>>, vector<128x128xf32>
    %dot_general3A = arith.constant dense<0.000000e+00> : vector<1000x128xf32>
    %dot_general3A_5 = tpu.matmul %get3A_1, %get3A_4, %dot_general3A {dimension_numbers = #tpu.dot_dimension_numbers<[1], [0], [0], [1], [0, 0, 1, 1], [], []>, transpose_lhs_hint = false} : vector<1000x128xf32>, vector<128x128xf32>, vector<1000x128xf32> -> vector<1000x128xf32>
    %get3A_6 = arith.constant 0 : index
    %get3A_7 = arith.constant 0 : index
    %get3A_8 = vector.load %arg3[%get3A_6, %get3A_7] : memref<1x128xf32, #tpu.memory_space<vmem>>, vector<1x128xf32>
    %add3A = vector.broadcast %get3A_8 : vector<1x128xf32> to vector<1000x128xf32>
    %add3A_9 = arith.addf %dot_general3A_5, %add3A : vector<1000x128xf32>
    %swap3A = arith.constant 0 : index
    %swap3A_10 = arith.constant 0 : index
    %swap3A_11 = vector.load %arg4[%swap3A, %swap3A_10] : memref<1000x128xf32, #tpu.memory_space<vmem>>, vector<1000x128xf32>
    tpu.vector_store %arg4[%swap3A, %swap3A_10], %add3A_9 {strides = array<i32>} : memref<1000x128xf32, #tpu.memory_space<vmem>>, vector<1000x128xf32>,
    return
  }
  func.func @transform_0(%arg0: i32) -> (i32, i32) {
    %c0_i32 = arith.constant 0 : i32
    %c0_i32_0 = arith.constant 0 : i32
    return %arg0, %c0_i32 : i32, i32
  }
  func.func @transform_1(%arg0: i32) -> (i32, i32) {
    %c0_i32 = arith.constant 0 : i32
    %c0_i32_0 = arith.constant 0 : i32
    %c0_i32_1 = arith.constant 0 : i32
    return %c0_i32, %c0_i32_0 : i32, i32
  }
  func.func @transform_2(%arg0: i32) -> (i32, i32) {
    %c0_i32 = arith.constant 0 : i32
    %c0_i32_0 = arith.constant 0 : i32
    %c0_i32_1 = arith.constant 0 : i32
    return %c0_i32, %c0_i32_0 : i32, i32
  }
  func.func @transform_3(%arg0: i32) -> (i32, i32) {
    %c0_i32 = arith.constant 0 : i32
    %c0_i32_0 = arith.constant 0 : i32
    return %arg0, %c0_i32 : i32, i32
  }
}

module attributes {stable_mosaic.version = 14 : i64} {
  func.func @_add_body(%arg0: i32, %arg1: memref<1000x128xf32, #tpu.memory_space<vmem>>, %arg2: memref<1000x128xf32, #tpu.memory_space<vmem>>, %arg3: memref<1000x128xf32, #tpu.memory_space<vmem>>) attributes {dimension_semantics = [#tpu.dimension_semantics<arbitrary>], iteration_bounds = array<i64: 10>, scalar_prefetch = 0 : i64, scratch_operands = 0 : i64, tpu.core_type = #tpu.core_type<tc>, window_params = [{transform_indices = @transform_0, window_bounds = array<i64: 1000, 128>}, {transform_indices = @transform_1, window_bounds = array<i64: 1000, 128>}, {transform_indices = @transform_2, window_bounds = array<i64: 1000, 128>}]} {
    %get3A = arith.constant 0 : index
    %get3A_0 = arith.constant 0 : index
    %get3A_1 = vector.load %arg1[%get3A, %get3A_0] : memref<1000x128xf32, #tpu.memory_space<vmem>>, vector<1000x128xf32>
    %get3A_2 = arith.constant 0 : index
    %get3A_3 = arith.constant 0 : index
    %get3A_4 = vector.load %arg2[%get3A_2, %get3A_3] : memref<1000x128xf32, #tpu.memory_space<vmem>>, vector<1000x128xf32>
    %add3A = arith.addf %get3A_1, %get3A_4 : vector<1000x128xf32>
    %swap3A = arith.constant 0 : index
    %swap3A_5 = arith.constant 0 : index
    %swap3A_6 = vector.load %arg3[%swap3A, %swap3A_5] : memref<1000x128xf32, #tpu.memory_space<vmem>>, vector<1000x128xf32>
    tpu.vector_store %arg3[%swap3A, %swap3A_5], %add3A {strides = array<i32>} : memref<1000x128xf32, #tpu.memory_space<vmem>>, vector<1000x128xf32>,
    return
  }
  func.func @transform_0(%arg0: i32) -> (i32, i32) {
    %c0_i32 = arith.constant 0 : i32
    %c0_i32_0 = arith.constant 0 : i32
    return %arg0, %c0_i32 : i32, i32
  }
  func.func @transform_1(%arg0: i32) -> (i32, i32) {
    %c0_i32 = arith.constant 0 : i32
    %c0_i32_0 = arith.constant 0 : i32
    return %arg0, %c0_i32 : i32, i32
  }
  func.func @transform_2(%arg0: i32) -> (i32, i32) {
    %c0_i32 = arith.constant 0 : i32
    %c0_i32_0 = arith.constant 0 : i32
    return %arg0, %c0_i32 : i32, i32
  }
}

</mosaic_0001>

<sc_bundles>
// kernel: kernel.5.cloned.1.call-start
scs
__scs_entry_jumppad:
0x0: {  	(pc) =	sbr.rel $0x88, $3  }
0x1: {  	(tag) =	ssettag $0x0;
	lr =	simm.s32 $0x1  }
0x2: {  	[smem:$0x3F9C] =	sst lr;
	_ =	strace $0xD0000000  }
0x3: {  	_ = 	snop  }
0x4: {  	_ = 	snop  }
0x5: {  	_ = 	snop  }
0x6: {  	_ = 	snop  }
0x7: {  	_ = 	snop  }
__scs_overlays_trampoline_lowered:
0x8: {  	[smem:$0x3FAB] =	sst s0  }
0x9: {  	[smem:$0x3FAC] =	sst s1  }
0xa: {  	[smem:$0x3FAD] =	sst s2  }
0xb: {  	[smem:$0x3FAE] =	sst s3  }
0xc: {  	[smem:$0x3FAF] =	sst s4  }
0xd: {  	[smem:$0x3FB0] =	sst s5  }
0xe: {  	[smem:$0x3FB1] =	sst s6  }
0xf: {  	[smem:$0x3FB2] =	sst s7  }
0x10: {  	[smem:$0x3FB3] =	sst s8  }
0x11: {  	[smem:$0x3FB4] =	sst s9;
	s0 =	simm.s32 @!p0 $0x0  }
0x12: {  	s1 =	sld [smem:$0x3F9A];
	s0 =	simm.s32 @p0 $0x1  }
0x13: {  	[smem:$0x3FB5] =	sst s0;
	s0 =	simm.s32 @!p1 $0x0  }
0x14: {  	s2 =	sld [smem:$0x3F99];
	s0 =	simm.s32 @p1 $0x1  }
0x15: {  	[smem:$0x3FB6] =	sst s0;
	s0 =	simm.s32 @!p2 $0x0  }
0x16: {  	s3 =	sld [smem:$0x3FDB];
	s0 =	simm.s32 @p2 $0x1  }
0x17: {  	s4 =	simm.s32 $0x1BF5;
	[smem:$0x3FB8] =	sst s0  }
0x18: {  	s0 =	sld [smem:$0x3F9B];
	_ =	swait.ge [sflag:s4], $0x0  }
0x19: {  	s7 =	sld [smem:$0x3F9C]  }
0x1a: {  	s8 =	sadd.s32 $0xFFFFE003, lr  }
0x1b: {  	s9 =	sadd.s32 $0xFFFFFEF7, lr;
	s5 =	simm.s32 $0xFFFFFFFF;
	p2 =	slt.u32 s8, $0xFFFFF086  }
0x1c: {  	p1 =	slt.u32 s9, $0xF7A;
	s5 =	simm.s32 @!p2 $0x0  }
0x1d: {  	s5 =	simm.s32 @p1 $0x1;
	p0 =	seq.s32 s7, s2  }
0x1e: {  	s7 =	smul.u32 @!p0 $0xF7A, s2;
	p2 =	seq.s32 @!p0 s5, $0x0  }
0x1f: {  	s9 =	smul.u32 $0xF7A, s1;
	s8 =	simm.s32 @!p0 $0x1BF5;
	p2 =	por !p2, p0  }
0x20: {  	[sflag:s8] =	ssyncset.s32 @!p0 $0xFFFFF086;
	s6 =	sadd.s32 @!p0 s3, s7;
	s7 =	simm.s32 @!p0 $0x108  }
0x21: {  	s3 =	sadd.s32 s3, s9;
	s6 =	sadd.s32 @!p0 $0x88, s6;
	s7 =	simm.s32 @p2 $0x1082  }
0x22: {  	[simem:s7], [sflag:s8] =	dma.local @!p0 [hbm:s6], $0xF7A  }
0x23: {  	s9 =	sor.u32 $0xD0000000, s2;
	s6 =	simm.s32 $0x108;
	_ =	swait.ge @!p0 [sflag:s8], $0x0  }
0x24: {  	s3 =	sadd.s32 $0x88, s3;
	s6 =	simm.s32 @!p1 $0x1082;
	[sflag:s4] =	ssyncset.s32 $0xFFFFF086  }
0x25: {  	[simem:s6], [sflag:s4] =	dma.local [hbm:s3], $0xF7A  }
0x26: {  	[smem:$0x3F9C] =	sst s1;
	(tag) =	ssettag s2;
	_ =	strace s9  }
0x27: {  	s1 =	sld [smem:$0x3FAC]  }
0x28: {  	s2 =	sld [smem:$0x3FAD]  }
0x29: {  	s4 =	sld [smem:$0x3FAF]  }
0x2a: {  	p0 =	seq.s32 s5, $0x0;
	s5 =	sld [smem:$0x3FB0]  }
0x2b: {  	s6 =	sld [smem:$0x3FB1]  }
0x2c: {  	s7 =	sld [smem:$0x3FB2]  }
0x2d: {  	s3 =	simm.s32 $0x108;
	s8 =	sld [smem:$0x3FB3]  }
0x2e: {  	s3 =	simm.s32 @!p0 $0x1082;
	s9 =	sld [smem:$0x3FB4]  }
0x2f: {  	lr =	sadd.s32 s0, s3;
	s0 =	sld [smem:$0x3FAB]  }
0x30: {  	s3 =	sld [smem:$0x3FAE]  }
0x31: {  	[smem:$0x3FB7] =	sst s10  }
0x32: {  	s10 =	sld [smem:$0x3FB5];
	_ =	sdelay $0x3  }
0x33: {  	p0 =	seq.s32 s10, $0x1;
	s10 =	sld [smem:$0x3FB7];
	_ =	sdelay $0x3  }
0x34: {  	[smem:$0x3FB7] =	sst s10  }
0x35: {  	s10 =	sld [smem:$0x3FB6];
	_ =	sdelay $0x3  }
0x36: {  	p1 =	seq.s32 s10, $0x1;
	s10 =	sld [smem:$0x3FB7];
	_ =	sdelay $0x3  }
0x37: {  	[smem:$0x3FB7] =	sst s10  }
0x38: {  	s10 =	sld [smem:$0x3FB8]  }
0x39: {  	_ = 	snop;
	(pc) =	sbr.ind lr, $3  }
0x3a: {  	_ = 	snop  }
0x3b: {  	_ = 	snop  }
0x3c: {  	p2 =	seq.s32 s10, $0x1;
	s10 =	sld [smem:$0x3FB7]  }
0x3d: {  	_ =	shalt  }
0x3e: {  	_ =	shalt  }
0x3f: {  	_ =	shalt  }
0x40: {  	_ =	shalt  }
0x41: {  	_ =	shalt  }
0x42: {  	_ =	shalt  }
0x43: {  	_ =	shalt  }
0x44: {  	_ =	shalt  }
0x45: {  	_ =	shalt  }
0x46: {  	_ =	shalt  }
0x47: {  	_ =	shalt  }
0x48: {  	_ =	shalt  }
0x49: {  	_ =	shalt  }
0x4a: {  	_ =	shalt  }
0x4b: {  	_ =	shalt  }
0x4c: {  	_ =	shalt  }
0x4d: {  	_ =	shalt  }
0x4e: {  	_ =	shalt  }
0x4f: {  	_ =	shalt  }
0x50: {  	_ =	shalt  }
0x51: {  	_ =	shalt  }
0x52: {  	_ =	shalt  }
0x53: {  	_ =	shalt  }
0x54: {  	_ =	shalt  }
0x55: {  	_ =	shalt  }
0x56: {  	_ =	shalt  }
0x57: {  	_ =	shalt  }
0x58: {  	_ =	shalt  }
0x59: {  	_ =	shalt  }
0x5a: {  	_ =	shalt  }
0x5b: {  	_ =	shalt  }
0x5c: {  	_ =	shalt  }
0x5d: {  	_ =	shalt  }
0x5e: {  	_ =	shalt  }
0x5f: {  	_ =	shalt  }
0x60: {  	_ =	shalt  }
0x61: {  	_ =	shalt  }
0x62: {  	_ =	shalt  }
0x63: {  	_ =	shalt  }
0x64: {  	_ =	shalt  }
0x65: {  	_ =	shalt  }
0x66: {  	_ =	shalt  }
0x67: {  	_ =	shalt  }
0x68: {  	_ =	shalt  }
0x69: {  	_ =	shalt  }
0x6a: {  	_ =	shalt  }
0x6b: {  	_ =	shalt  }
0x6c: {  	_ =	shalt  }
0x6d: {  	_ =	shalt  }
0x6e: {  	_ =	shalt  }
0x6f: {  	_ =	shalt  }
0x70: {  	_ =	shalt  }
0x71: {  	_ =	shalt  }
0x72: {  	_ =	shalt  }
0x73: {  	_ =	shalt  }
0x74: {  	_ =	shalt  }
0x75: {  	_ =	shalt  }
0x76: {  	_ =	shalt  }
0x77: {  	_ =	shalt  }
0x78: {  	_ =	shalt  }
0x79: {  	_ =	shalt  }
0x7a: {  	_ =	shalt  }
0x7b: {  	_ =	shalt  }
0x7c: {  	_ =	shalt  }
0x7d: {  	_ =	shalt  }
0x7e: {  	_ =	shalt  }
0x7f: {  	_ =	shalt  }
0x80: {  	_ =	shalt  }
0x81: {  	_ =	shalt  }
0x82: {  	_ =	shalt  }
0x83: {  	_ =	shalt  }
0x84: {  	_ =	shalt  }
0x85: {  	_ =	shalt  }
0x86: {  	_ =	shalt  }
0x87: {  	_ =	shalt  }
.Lfunc_end0:
.L_simem_size_0:
called_computation_lowered:
.L_overlay_start_0:
0x88: {  	s2 =	sld [smem:$0x3FD9]  }
0x89: {  	s3 =	sld [smem:$0x3FFE];
	_ =	sdelay $0x1  }
0x8a: {  	s1 =	srdreg.scid  }
0x8b: {  	s0 =	sand.u32 $0x1, s1  }
0x8c: {  	s17 =	sshll.u32 s0, $0xA;
	s2 =	sadd.s32 s3, s2  }
0x8d: {  	s2 =	sadd.s32 s2, s17  }
0x8e: {  	[smem:$0x3FC3] =	sst s2  }
0x8f: {  	_ = 	snop  }
0x90: {  	s2 =	sld [smem:$0x3FD0];
	(tm) =	ssettm $0x1  }
0x91: {  	s18 =	sld [smem:$0x3FFB];
	_ =	sdelay $0x3  }
0x92: {  	_ =	strace s18  }
0x93: {  	s3 =	sld [smem:$0x3FFC];
	_ =	sdelay $0x3  }
0x94: {  	_ =	strace s3  }
0x95: {  	s3 =	sld [smem:$0x3FFD];
	_ =	sdelay $0x3  }
0x96: {  	_ =	strace s3  }
0x97: {  	_ =	strace $0x8FFFFFFF  }
0x98: {  	s19 =	sld [smem:$0x3FDB];
	_ =	sdelay $0x1  }
0x99: {  	s4 =	simm.s32 $_scs_section_size  }
0x9a: {  	s5 =	simm.s32 $_size__tile_overlayer_lowered;
	s6 =	simm.s32 $_tile_overlayer_lowered  }
0x9b: {  	s22 =	simm.s32 $0x1BFF;
	s21 =	sshll.u32 s6, $0x1;
	s3 =	sadd.s32 s4, s19  }
0x9c: {  	s7 =	simm.s32 $0x0;
	s20 =	sshll.u32 s5, $0x1;
	s5 =	sadd.s32 s21, s3  }
0x9d: {  	[timem:s7], [sflag:s22] =	dma.local [hbm:s5], s20  }
0x9e: {  	_ =	swait.ge [sflag:s22], s20  }
0x9f: {  	s4 =	ssub.s32 $0x0, s20;
	[sflag:s22] =	ssyncset.done $0x0  }
0xa0: {  	[sflag:s22] =	ssyncadd.s32 s4;
	_ =	sdelay $0x1  }
0xa1: {  	s23 =	simm.s32 $0x1B8B  }
0xa2: {  	_ =	swait.ge [sflag:s23], $0x1  }
0xa3: {  	[sflag:s23] =	ssyncset.done $0x0  }
0xa4: {  	s25 =	simm.s32 $0x1B8E;
	s24 =	sld [smem:$0x3FFE];
	[sflag:s23] =	ssyncadd.s32 $0xFFFFFFFF  }
0xa5: {  	s26 =	simm.s32 $execute0_lowered;
	[smem:$0x3FD2] =	sst s25  }
0xa6: {  	s5 =	sshll.u32 s26, $0x1;
	_ =	strace $0x80000046;
	[dreg:$0x1] =	wrdreg $0xFFFFFFFF  }
0xa7: {  	s28 =	simm.s32 $_size_execute0_lowered;
	s3 =	sadd.s32 s3, s5;
	[dreg:$0x0] =	wrdreg $0x0  }
0xa8: {  	s5 =	sshll.u32 s28, $0x1;
	[dreg:$0x2] =	wrdreg s3  }
0xa9: {  	[dreg:$0x3] =	wrdreg s5  }
0xaa: {  	[dreg:$0x4] =	wrdreg $0xC0  }
0xab: {  	_ =	task [dreg:s7], $0x5FFFF  }
0xac: {  	[dreg:$0x1] =	wrdreg $0xFFFFFFFF  }
0xad: {  	[dreg:$0x0] =	wrdreg $0x60  }
0xae: {  	[dreg:$0x2] =	wrdreg s2  }
0xaf: {  	[dreg:$0x3] =	wrdreg s24  }
0xb0: {  	[dreg:$0x4] =	wrdreg $0xC4800  }
0xb1: {  	[dreg:$0x5] =	wrdreg $0x9  }
0xb2: {  	_ =	task.clear_ibuf [dreg:s7], $0x6FFFF;
	_ =	strace $0x90000046  }
0xb3: {  	s29 =	simm.s32 $0x9;
	_ =	strace $0x80000048  }
0xb4: {  	_ =	swait.ge [sflag:s29], $0x1  }
0xb5: {  	[sflag:s29] =	ssyncadd.s32 $0xFFFFFFFF  }
0xb6: {  	_ =	strace $0x90000048  }
0xb7: {  	_ =	sfence  }
0xb8: {  	s30 =	sld [smem:$0x0];
	_ =	sdelay $0x2  }
0xb9: {  	s31 =	sshll.u32 s1, $0xD;
	s1 =	sshrl.u32 s1, $0x2  }
0xba: {  	s3 =	sand.u32 $0x4000, s31;
	s1 =	sadd.s32 s1, s30  }
0xbb: {  	s0 =	sor.u32 s3, s0;
	s1 =	sshll.u32 s1, $0x11  }
0xbc: {  	s0 =	sor.u32 s1, s0  }
0xbd: {  	s0 =	sadd.s32 $0x8F2B, s0  }
0xbe: {  	[sflag:s0] =	ssyncadd.remote.s32 $0x1  }
0xbf: {  	_ =	sfence.sel $0xFFFF  }
0xc0: {  	[dreg:$0x0] =	wrdreg $0xFFFFFFFF;
	(pc) =	sbr.abs _section_cstart, $3  }
0xc1: {  	[dreg:$0x1] =	wrdreg $0xFFFFFFFF  }
0xc2: {  	_ =	task.clear_ibuf [dreg:s7], $0x2FFFF;
	_ =	strace $0x9FFFFFFF  }
0xc3: {  	(tm) =	ssettm $0x7FFFFFFF  }
tec
execute0_lowered:
.L_overlay_start_1:
0x0: {  	(tag) =	ssettag $0x1  }
0x1: {  	s1 =	rddreg [dreg:$0x0]  }
0x2: {  	s0 =	rddreg [dreg:$0x1]  }
0x3: {  	s2 =	rddreg [dreg:$0x2];
	s4 =	simm.s32 $0x0  }
0x4: {  	s3 =	srdreg.scid;
	s24 =	stileid.u32;
	s31 =	simm.s32 $0xC000  }
0x5: {  	s28 =	simm.s32 $0x2;
	s6 =	sshrl.u32 s24, $0x2;
	s15 =	smul.u32 $0x2800, s24  }
0x6: {  	s29 =	simm.s32 $0x5;
	s3 =	sand.u32 $0x1, s3;
	s9 =	smul.u32 $0x3CC00, s6  }
0x7: {  	s30 =	simm.s32 $0x8;
	s12 =	sor.u32 $0x10, s24;
	s14 =	smul.u32 $0x138800, s3  }
0x8: {  	[smem:$0x7FF] =	sst s4;
	s11 =	sor.u32 $0x20, s24;
	s16 =	smul.u32 $0x2800, s12  }
0x9: {  	s23 =	sshll.u32 s24, $0x8;
	s10 =	sor.u32 $0x70, s24;
	s17 =	smul.u32 $0x2800, s11  }
0xa: {  	s5 =	sadd.s32 $0xE00, s0;
	s8 =	sand.u32 $0x300, s23;
	s23 =	smul.u32 $0x2800, s10  }
0xb: {  	s13 =	sadd.s32 $0x1F400, s0;
	p0 =	sgt.u32 s24, $0xC;
	s12 =	smul.u32 $0xA000, s12  }
0xc: {  	_ =	strace $0x80000047;
	s7 =	ssub.s32 $0x2, s3;
	s11 =	smul.u32 $0xA000, s11  }
0xd: {  	s3 =	sshll.u32 s3, $0x7;
	s6 =	sor.u32 $0x30, s24;
	s10 =	smul.u32 $0xA000, s10  }
0xe: {  	s22 =	sshrl.u32 s7, $0x1;
	s18 =	smul.u32 $0x2800, s6;
	s3 =	sor.u32 s3, s8  }
0xf: {  	s8 =	sor.u32 $0x50, s24;
	s6 =	smul.u32 $0xA000, s6;
	s0 =	ssub.s32 s7, s22  }
0x10: {  	s7 =	sor.u32 $0x40, s24;
	s3 =	sor.u32 s9, s3;
	s9 =	sor.u32 $0x60, s24  }
0x11: {  	s20 =	smul.u32 $0x2800, s8;
	s15 =	sadd.s32 s15, s14;
	s16 =	sadd.s32 s14, s16  }
0x12: {  	s17 =	sadd.s32 s14, s17;
	s12 =	sshrl.u32 s12, $0x2;
	s8 =	smul.u32 $0xA000, s8  }
0x13: {  	s11 =	sshrl.u32 s11, $0x2;
	s19 =	smul.u32 $0x2800, s7;
	s21 =	sshrl.u32 s3, $0x3  }
0x14: {  	s22 =	smul.u32 $0x2800, s9;
	s18 =	sadd.s32 s14, s18;
	s15 =	sshrl.u32 s15, $0x3  }
0x15: {  	s16 =	sshrl.u32 s16, $0x3;
	s26 =	sshrl.u32 s17, $0x3;
	s7 =	smul.u32 $0xA000, s7  }
0x16: {  	s9 =	smul.u32 $0xA000, s9;
	s6 =	sshrl.u32 s6, $0x2;
	s0 =	smax.u32 s0, $0x1  }
0x17: {  	s20 =	sadd.s32 s14, s20;
	s15 =	sadd.s32 s13, s15;
	s25 =	sadd.s32 s13, s16  }
0x18: {  	s16 =	sshrl.u32 s18, $0x3;
	s8 =	sshrl.u32 s8, $0x2;
	[smem:$0x7FD] =	sst s0  }
0x19: {  	s0 =	simm.s32 $0xA;
	s19 =	sadd.s32 s14, s19;
	s22 =	sadd.s32 s14, s22  }
0x1a: {  	s14 =	sadd.s32 s14, s23;
	s23 =	sadd.s32 $0x400, s3;
	[dreg:$0x4] =	wrdreg s15  }
0x1b: {  	[dreg:$0x5] =	wrdreg s25;
	s15 =	sadd.s32 s13, s26;
	s25 =	sadd.s32 s5, s21  }
0x1c: {  	s21 =	sadd.s32 $0x1800, s3;
	s7 =	sshrl.u32 s7, $0x2;
	[dreg:$0x6] =	wrdreg s15  }
0x1d: {  	s17 =	sshrl.u32 s19, $0x3;
	s15 =	sadd.s32 s13, s16;
	s19 =	sshrl.u32 s20, $0x3  }
0x1e: {  	s20 =	sshrl.u32 s22, $0x3;
	s14 =	sshrl.u32 s14, $0x3;
	s22 =	sadd.s32 $0x800, s3  }
0x1f: {  	[dreg:$0xc] =	wrdreg s25;
	s26 =	sshrl.u32 s23, $0x3;
	s16 =	sadd.s32 $0x1000, s3  }
0x20: {  	s25 =	smul.u32 $0xA000, s24;
	s7 =	sadd.s32 s7, s2;
	[dreg:$0x7] =	wrdreg s15  }
0x21: {  	s24 =	simm.s32 $0x4;
	s18 =	sadd.s32 s13, s17;
	[dreg:$0x19] =	wrdreg s7  }
0x22: {  	s15 =	sadd.s32 s13, s19;
	s17 =	sadd.s32 $0x1400, s3;
	[dreg:$0x8] =	wrdreg s18  }
0x23: {  	s7 =	simm.s32 $0x9;
	[dreg:$0x9] =	wrdreg s15;
	s15 =	sadd.s32 s13, s20  }
0x24: {  	s13 =	sadd.s32 s13, s14;
	s14 =	sadd.s32 s5, s26;
	[dreg:$0xa] =	wrdreg s15  }
0x25: {  	s18 =	sshrl.u32 s16, $0x3;
	s19 =	sshrl.u32 s17, $0x3;
	[dreg:$0xb] =	wrdreg s13  }
0x26: {  	s26 =	sadd.s32 $0x2000, s3;
	s16 =	sadd.s32 $0x2800, s3;
	[dreg:$0xd] =	wrdreg s14  }
0x27: {  	s17 =	sadd.s32 s12, s2;
	s12 =	sshrl.u32 s10, $0x2;
	[dreg:$0x1e] =	wrdreg s16  }
0x28: {  	s13 =	sshrl.u32 s22, $0x3;
	s20 =	sadd.s32 s5, s19;
	[dreg:$0x16] =	wrdreg s17  }
0x29: {  	s15 =	sadd.s32 $0xC00, s3;
	s19 =	sadd.s32 $0x2C00, s3;
	[dreg:$0x11] =	wrdreg s20  }
0x2a: {  	s14 =	sshrl.u32 s25, $0x2;
	s25 =	sadd.s32 $0x3C00, s3;
	[dreg:$0x1f] =	wrdreg s19  }
0x2b: {  	s22 =	sadd.s32 $0x1C00, s3;
	s13 =	sadd.s32 s5, s13;
	[smem:$0x7FA] =	sst s25  }
0x2c: {  	s20 =	sadd.s32 s6, s2;
	s6 =	sadd.s32 s8, s2;
	[dreg:$0xe] =	wrdreg s13  }
0x2d: {  	s23 =	sshrl.u32 s22, $0x3;
	s22 =	sadd.s32 $0x3400, s3;
	[dreg:$0x1a] =	wrdreg s6  }
0x2e: {  	s10 =	simm.s32 $0xC;
	s13 =	sshrl.u32 s15, $0x3;
	[smem:$0x7F8] =	sst s22  }
0x2f: {  	s15 =	sadd.s32 s14, s2;
	s14 =	sadd.s32 $0x2400, s3;
	[dreg:$0x18] =	wrdreg s20  }
0x30: {  	s16 =	simm.s32 $0xC300;
	s8 =	simm.s32 $0xC080;
	[dreg:$0x1d] =	wrdreg s14  }
0x31: {  	s19 =	simm.s32 $0xC380;
	s13 =	sadd.s32 s5, s13;
	[dreg:$0x15] =	wrdreg s15  }
0x32: {  	s25 =	simm.s32 $0x7;
	[dreg:$0xf] =	wrdreg s13;
	s13 =	sadd.s32 s5, s18  }
0x33: {  	s18 =	sadd.s32 s11, s2;
	s11 =	sshrl.u32 s9, $0x2;
	[dreg:$0x10] =	wrdreg s13  }
0x34: {  	s22 =	simm.s32 $0xC400;
	s6 =	sadd.s32 s11, s2;
	[dreg:$0x17] =	wrdreg s18  }
0x35: {  	s13 =	sshrl.u32 s21, $0x3;
	s21 =	sadd.s32 $0x3000, s3;
	[dreg:$0x1b] =	wrdreg s6  }
0x36: {  	s14 =	simm.s32 $0x0;
	s13 =	sadd.s32 s5, s13;
	[smem:$0x7F7] =	sst s21  }
0x37: {  	s9 =	simm.s32 $0xB;
	[dreg:$0x12] =	wrdreg s13;
	s13 =	sadd.s32 s5, s23  }
0x38: {  	s21 =	simm.s32 $0xC100;
	s23 =	sadd.s32 $0x3800, s3;
	[dreg:$0x13] =	wrdreg s13  }
0x39: {  	s13 =	sshrl.u32 s26, $0x3;
	[smem:$0x7F9] =	sst s23;
	s26 =	sadd.s32 $0x4000, s3  }
0x3a: {  	s6 =	simm.s32 $0x6;
	s3 =	sadd.s32 $0x4400, s3;
	[smem:$0x7FB] =	sst s26  }
0x3b: {  	s23 =	simm.s32 $0x1;
	s13 =	sadd.s32 s5, s13;
	[smem:$0x7FC] =	sst s3  }
0x3c: {  	s26 =	simm.s32 $0x80;
	[dreg:$0x14] =	wrdreg s13;
	s13 =	sadd.s32 s12, s2  }
0x3d: {  	v0 =	vimm.f32 $0.0e+00;
	s3 =	simm.s32 $0x3;
	[dreg:$0x1c] =	wrdreg s13;
	s13 =	simm.s32 $0xD  }
.LBB2_1:
0x3e: {  	[smem:$0x7F6] =	sst s14  }
0x3f: {  	s11 =	rddreg [dreg:$0xc]  }
0x40: {  	[tilespmem:s31], [sflag:$0x1] =	stream.linear.gather [hbm4b:s11+s4], $0x80, $0x38;
	[tilespmem:$0x1FD00] =	vst v63  }
0x41: {  	s14 =	rddreg [dreg:$0xd];
	s12 =	simm.s32 $0xC180  }
0x42: {  	[tilespmem:s12], [sflag:$0x4] =	stream.linear.gather [hbm4b:s14+s4], $0x80, $0x38;
	[tilespmem:$0x1FD00] =	vst v63  }
0x43: {  	s31 =	rddreg [dreg:$0xe]  }
0x44: {  	[tilespmem:s16], [sflag:$0x7] =	stream.linear.gather [hbm4b:s31+s4], $0x80, $0x38;
	[tilespmem:$0x1FD00] =	vst v63  }
0x45: {  	s12 =	rddreg [dreg:$0xf]  }
0x46: {  	[tilespmem:s8], [sflag:$0x2] =	stream.linear.gather [hbm4b:s12+s4], $0x80, $0x38;
	[tilespmem:$0x1FD00] =	vst v63  }
0x47: {  	s14 =	rddreg [dreg:$0x10];
	s31 =	simm.s32 $0xC200  }
0x48: {  	[tilespmem:s31], [sflag:$0x5] =	stream.linear.gather [hbm4b:s14+s4], $0x80, $0x38;
	[tilespmem:$0x1FD00] =	vst v63  }
0x49: {  	s8 =	rddreg [dreg:$0x11]  }
0x4a: {  	[tilespmem:s19], [sflag:$0x8] =	stream.linear.gather [hbm4b:s8+s4], $0x80, $0x38;
	[tilespmem:$0x1FD00] =	vst v63  }
0x4b: {  	s12 =	rddreg [dreg:$0x12]  }
0x4c: {  	[tilespmem:s21], [sflag:$0x3] =	stream.linear.gather [hbm4b:s12+s4], $0x80, $0x38;
	[tilespmem:$0x1FD00] =	vst v63  }
0x4d: {  	s14 =	rddreg [dreg:$0x13];
	s21 =	simm.s32 $0xC280  }
0x4e: {  	[tilespmem:s21], [sflag:$0x6] =	stream.linear.gather [hbm4b:s14+s4], $0x80, $0x38;
	[tilespmem:$0x1FD00] =	vst v63  }
0x4f: {  	s11 =	simm.s32 $0x0;
	s31 =	rddreg [dreg:$0x14];
	s12 =	simm.s32 $0x200  }
0x50: {  	[tilespmem:s22], [sflag:$0x9] =	stream.linear.gather [hbm4b:s31+s4], $0x80, $0x38;
	[tilespmem:$0x1FD00] =	vst v63  }
.LBB2_2:
0x51: {  	p1 =	sne.s32 s12, $0x9E00;
	[tilespmem:s11+$0x70] =	vst v0  }
0x52: {  	[tilespmem:s11+$0x0] =	vst v0  }
0x53: {  	[tilespmem:s11+$0x10] =	vst v0  }
.Ltmp0:
0x54: {  	[tilespmem:s11+$0x20] =	vst v0;
	(pc) =	sbr.rel @p1 .LBB2_2-.Ltmp0, $4  }
0x55: {  	[tilespmem:s11+$0x30] =	vst v0  }
0x56: {  	[tilespmem:s11+$0x40] =	vst v0  }
0x57: {  	[tilespmem:s11+$0x50] =	vst v0  }
0x58: {  	[tilespmem:s11+$0x60] =	vst v0;
	s11 =	sshra.s32 s12, $0x2;
	s12 =	sadd.s32 $0x200, s12  }
0x59: {  	[tilespmem:s11+$0x70] =	vst v0  }
0x5a: {  	[tilespmem:s11+$0x0] =	vst v0  }
0x5b: {  	[tilespmem:s11+$0x10] =	vst v0  }
0x5c: {  	[tilespmem:s11+$0x20] =	vst v0  }
0x5d: {  	[tilespmem:s11+$0x30] =	vst v0  }
0x5e: {  	[tilespmem:s11+$0x40] =	vst v0  }
0x5f: {  	[tilespmem:s11+$0x50] =	vst v0  }
0x60: {  	[tilespmem:s11+$0x60] =	vst v0  }
0x61: {  	[spmem:s15] =	stream.linear.scatter [tilespmem:s4], [sflag:$0xD], $0x2800, $0x38;
	[tilespmem:$0x1FD00] =	vst v63  }
0x62: {  	_ =	swait.ge [sflag:s13], $0x2800  }
0x63: {  	[sflag:s13] =	ssyncset.done $0x0  }
0x64: {  	[sflag:s13] =	ssyncadd.s32 $0xFFFFD800  }
0x65: {  	[spmem:s17] =	stream.linear.scatter [tilespmem:s4], [sflag:$0xD], $0x2800, $0x38;
	[tilespmem:$0x1FD00] =	vst v63  }
0x66: {  	_ =	swait.ge [sflag:s13], $0x2800  }
0x67: {  	[sflag:s13] =	ssyncset.done $0x0  }
0x68: {  	[sflag:s13] =	ssyncadd.s32 $0xFFFFD800  }
0x69: {  	[spmem:s18] =	stream.linear.scatter [tilespmem:s4], [sflag:$0xD], $0x2800, $0x38;
	[tilespmem:$0x1FD00] =	vst v63  }
0x6a: {  	_ =	swait.ge [sflag:s13], $0x2800  }
0x6b: {  	[sflag:s13] =	ssyncset.done $0x0  }
0x6c: {  	[sflag:s13] =	ssyncadd.s32 $0xFFFFD800  }
0x6d: {  	[spmem:s20] =	stream.linear.scatter [tilespmem:s4], [sflag:$0xD], $0x2800, $0x38;
	[tilespmem:$0x1FD00] =	vst v63  }
0x6e: {  	_ =	swait.ge [sflag:s13], $0x2800  }
0x6f: {  	[sflag:s13] =	ssyncset.done $0x0  }
0x70: {  	s17 =	rddreg [dreg:$0x19];
	[sflag:s13] =	ssyncadd.s32 $0xFFFFD800  }
0x71: {  	[spmem:s17] =	stream.linear.scatter [tilespmem:s4], [sflag:$0xD], $0x2800, $0x38;
	[tilespmem:$0x1FD00] =	vst v63  }
0x72: {  	_ =	swait.ge [sflag:s13], $0x2800  }
0x73: {  	[sflag:s13] =	ssyncset.done $0x0  }
0x74: {  	s18 =	rddreg [dreg:$0x1a];
	[sflag:s13] =	ssyncadd.s32 $0xFFFFD800  }
0x75: {  	[spmem:s18] =	stream.linear.scatter [tilespmem:s4], [sflag:$0xD], $0x2800, $0x38;
	[tilespmem:$0x1FD00] =	vst v63  }
0x76: {  	_ =	swait.ge [sflag:s13], $0x2800  }
0x77: {  	[sflag:s13] =	ssyncset.done $0x0  }
0x78: {  	s20 =	rddreg [dreg:$0x1b];
	[sflag:s13] =	ssyncadd.s32 $0xFFFFD800  }
0x79: {  	[spmem:s20] =	stream.linear.scatter [tilespmem:s4], [sflag:$0xD], $0x2800, $0x38;
	[tilespmem:$0x1FD00] =	vst v63  }
0x7a: {  	_ =	swait.ge [sflag:s13], $0x2800  }
0x7b: {  	[sflag:s13] =	ssyncset.done $0x0  }
0x7c: {  	s11 =	simm.s32 @!p0 $0x0;
	s12 =	rddreg [dreg:$0x1c];
	[sflag:s13] =	ssyncadd.s32 $0xFFFFD800  }
0x7d: {  	[spmem:s12] =	stream.linear.scatter @!p0 [tilespmem:s11], [sflag:$0xD], $0x2800, $0x38;
	[tilespmem:$0x1FD00] =	vst v63  }
0x7e: {  	s11 =	simm.s32 @!p0 $0xD  }
0x7f: {  	_ =	swait.ge @!p0 [sflag:s11], $0x2800  }
0x80: {  	[sflag:s11] =	ssyncset.done @!p0 $0x0  }
0x81: {  	[sflag:s11] =	ssyncadd.s32 @!p0 $0xFFFFD800  }
0x82: {  	_ =	swait.ge [sflag:s23], $0x80  }
0x83: {  	[sflag:s23] =	ssyncset.done $0x0  }
0x84: {  	[sflag:s23] =	ssyncadd.s32 $0xFFFFFF80  }
0x85: {  	_ =	swait.ge [sflag:s24], $0x80  }
0x86: {  	[sflag:s24] =	ssyncset.done $0x0  }
0x87: {  	[sflag:s24] =	ssyncadd.s32 $0xFFFFFF80  }
0x88: {  	_ =	swait.ge [sflag:s25], $0x80  }
0x89: {  	[sflag:s25] =	ssyncset.done $0x0  }
0x8a: {  	s21 =	simm.s32 $0xC180;
	s11 =	simm.s32 $0x0;
	[sflag:s25] =	ssyncadd.s32 $0xFFFFFF80  }
0x8b: {  	[tilespmem:s11], [sflag:$0xA] =	stream.indirect.gather [hbm4b:s1+s26], $0x80, s21, s26, $0xb8;
	[tilespmem:$0x1FD00] =	vst v63  }
0x8c: {  	_ =	swait.ge [sflag:s28], $0x80  }
0x8d: {  	[sflag:s28] =	ssyncset.done $0x0  }
0x8e: {  	[sflag:s28] =	ssyncadd.s32 $0xFFFFFF80  }
0x8f: {  	_ =	swait.ge [sflag:s29], $0x80  }
0x90: {  	[sflag:s29] =	ssyncset.done $0x0  }
0x91: {  	[sflag:s29] =	ssyncadd.s32 $0xFFFFFF80  }
0x92: {  	_ =	swait.ge [sflag:s30], $0x80  }
0x93: {  	[sflag:s30] =	ssyncset.done $0x0  }
0x94: {  	s8 =	simm.s32 $0xC200;
	s31 =	simm.s32 $0x4000;
	[sflag:s30] =	ssyncadd.s32 $0xFFFFFF80  }
0x95: {  	[tilespmem:s31], [sflag:$0xB] =	stream.indirect.gather [hbm4b:s1+s26], $0x80, s8, s26, $0xb8;
	[tilespmem:$0x1FD00] =	vst v63  }
0x96: {  	s12 =	simm.s32 $0x0;
	[bflag:$0x0] =	sbarrier.arrive $0xFFFF  }
.LBB2_4:
0x97: {  	v1 =	vmov s11;
	s14 =	simm.s32 $0x2  }
0x98: {  	_ =	swait.ge [sflag:s0], $0x4000;
	v1 =	vand.u32 $0xFFFFFFFC, v1;
	v2 =	vmov s14  }
0x99: {  	[sflag:s0] =	ssyncset.done $0x0;
	v1 =	vbroadcast v1, $0x0;
	v2 =	vand.u32 $0xFFFFFFFE, v2  }
0x9a: {  	s14 =	simm.s32 $0x100;
	[sflag:s0] =	ssyncadd.s32 $0xFFFFC000;
	v2 =	vbroadcast v2, $0x0  }
0x9b: {  	v4 =	vld [tilespmem:s14+$0x70]  }
0x9c: {  	v5 =	vld [tilespmem:s14+$0xFFFFFF00]  }
0x9d: {  	s15 =	simm.s32 $0x1;
	v6 =	vld [tilespmem:s14+$0xFFFFFF10]  }
0x9e: {  	v3 =	vmov s15;
	v7 =	vld [tilespmem:s14+$0xFFFFFF20]  }
0x9f: {  	v3 =	vand.u32 $0xFFFFFFFD, v3;
	v1 =	vld.idx.msk [tilespmem:v1+s16+$0x0], $0xffff  }
0xa0: {  	v3 =	vbroadcast v3, $0x0;
	v2 =	vld.idx.msk [tilespmem:v2+s16+$0x0], $0xffff  }
0xa1: {  	v8 =	vld [tilespmem:s14+$0xFFFFFF30]  }
0xa2: {  	v9 =	vld [tilespmem:s14+$0xFFFFFF40]  }
0xa3: {  	v10 =	vld [tilespmem:s14+$0xFFFFFF50]  }
0xa4: {  	v11 =	vld [tilespmem:s14+$0xFFFFFF60];
	v5 =	vmul.f32 v1, v5  }
0xa5: {  	v13 =	vld [tilespmem:s14+$0x40];
	v4 =	vmul.f32 v2, v4  }
0xa6: {  	v3 =	vld.idx.msk [tilespmem:v3+s16+$0x0], $0xffff;
	[tilespmem:s14+$0xFFFFFF00] =	vst v5;
	v5 =	vmul.f32 v1, v6  }
0xa7: {  	v6 =	vld [tilespmem:s14+$0xFFFFFF70];
	[tilespmem:s14+$0x70] =	vst v4;
	v4 =	vmul.f32 v1, v7  }
0xa8: {  	v7 =	vld [tilespmem:s14+$0xFFFFFF80];
	[tilespmem:s14+$0xFFFFFF10] =	vst v5;
	v5 =	vmul.f32 v1, v8  }
0xa9: {  	v8 =	vld [tilespmem:s14+$0xFFFFFF90];
	[tilespmem:s14+$0xFFFFFF20] =	vst v4;
	v4 =	vmul.f32 v1, v9  }
0xaa: {  	v9 =	vld [tilespmem:s14+$0xFFFFFFA0];
	[tilespmem:s14+$0xFFFFFF30] =	vst v5;
	v5 =	vmul.f32 v1, v10  }
0xab: {  	v10 =	vld [tilespmem:s14+$0xFFFFFFB0];
	[tilespmem:s14+$0xFFFFFF40] =	vst v4;
	v4 =	vmul.f32 v1, v11  }
0xac: {  	v11 =	vld [tilespmem:s14+$0xFFFFFFC0];
	v6 =	vmul.f32 v1, v6;
	[tilespmem:s14+$0xFFFFFF50] =	vst v5  }
0xad: {  	v5 =	vmul.f32 v3, v7;
	v7 =	vld [tilespmem:s14+$0xFFFFFFD0];
	[tilespmem:s14+$0xFFFFFF60] =	vst v4  }
0xae: {  	s20 =	simm.s32 $0x3;
	v4 =	vld [tilespmem:s14+$0xFFFFFFE0];
	v8 =	vmul.f32 v3, v8;
	[tilespmem:s14+$0xFFFFFF70] =	vst v6  }
0xaf: {  	v12 =	vmov s20;
	v6 =	vld [tilespmem:s14+$0xFFFFFFF0];
	[tilespmem:s14+$0xFFFFFF80] =	vst v5;
	v5 =	vmul.f32 v3, v9  }
0xb0: {  	v9 =	vld [tilespmem:s14+$0x0];
	[tilespmem:s14+$0xFFFFFF90] =	vst v8;
	v8 =	vmul.f32 v3, v10  }
0xb1: {  	v10 =	vld [tilespmem:s14+$0x10];
	[tilespmem:s14+$0xFFFFFFA0] =	vst v5;
	v5 =	vmul.f32 v3, v11  }
0xb2: {  	[tilespmem:s14+$0xFFFFFFB0] =	vst v8;
	v7 =	vmul.f32 v3, v7;
	v8 =	vld [tilespmem:s14+$0x20]  }
0xb3: {  	v11 =	vld [tilespmem:s14+$0x30];
	[tilespmem:s14+$0xFFFFFFC0] =	vst v5;
	v4 =	vmul.f32 v3, v4  }
0xb4: {  	v1 =	vld.idx.msk [tilespmem:v12+s16+$0x0], $0xffff;
	v3 =	vmul.f32 v3, v6;
	[tilespmem:s14+$0xFFFFFFD0] =	vst v7  }
0xb5: {  	v5 =	vmul.f32 v2, v9;
	[tilespmem:s14+$0xFFFFFFE0] =	vst v4;
	v4 =	vld [tilespmem:s14+$0x50]  }
0xb6: {  	s21 =	simm.s32 $0x4;
	[tilespmem:s14+$0xFFFFFFF0] =	vst v3;
	v6 =	vmul.f32 v2, v10;
	v3 =	vld [tilespmem:s14+$0x60]  }
0xb7: {  	s31 =	simm.s32 $0x7;
	v7 =	vmov s21;
	[tilespmem:s14+$0x0] =	vst v5;
	v9 =	vmul.f32 v2, v8;
	v8 =	vld [tilespmem:s14+$0x80]  }
0xb8: {  	s17 =	simm.s32 $0x5;
	v12 =	vand.u32 $0xFFFFFFFC, v7;
	v7 =	vld [tilespmem:s14+$0x90];
	v5 =	vmov s31;
	v10 =	vmul.f32 v2, v11;
	[tilespmem:s14+$0x10] =	vst v6  }
0xb9: {  	s18 =	simm.s32 $0x6;
	s15 =	simm.s32 $0x100;
	v11 =	vmul.f32 v2, v13;
	v6 =	vbroadcast v12, $0x0;
	v12 =	vmov s17;
	s17 =	simm.s32 $0x8;
	[tilespmem:s14+$0x20] =	vst v9;
	v9 =	vld [tilespmem:s14+$0xA0]  }
.LBB2_5:
0xba: {  	p1 =	slt.u32 s17, $0x7C;
	v12 =	vand.u32 $0xFFFFFFFD, v12;
	v13 =	vmov s18;
	[tilespmem:s14+$0x30] =	vst v10;
	v4 =	vmul.f32 v2, v4;
	v10 =	vld [tilespmem:s14+$0xB0]  }
0xbb: {  	v12 =	vbroadcast v12, $0x0;
	v13 =	vand.u32 $0xFFFFFFFE, v13;
	[tilespmem:s14+$0x40] =	vst v11;
	v2 =	vmul.f32 v2, v3;
	v3 =	vld [tilespmem:s14+$0xC0]  }
0xbc: {  	v11 =	vbroadcast v13, $0x0;
	[tilespmem:s14+$0x50] =	vst v4;
	v4 =	vmul.f32 v1, v8;
	v8 =	vld [tilespmem:s14+$0xD0]  }
0xbd: {  	[tilespmem:s14+$0x60] =	vst v2;
	v2 =	vmul.f32 v1, v7;
	v7 =	vld [tilespmem:s14+$0xE0]  }
0xbe: {  	[tilespmem:s14+$0x80] =	vst v4;
	v4 =	vmul.f32 v1, v9;
	v9 =	vld [tilespmem:s14+$0xF0]  }
0xbf: {  	v5 =	vld.idx.msk [tilespmem:v5+s16+$0x0], $0xffff;
	[tilespmem:s14+$0x90] =	vst v2;
	v2 =	vmul.f32 v1, v10  }
0xc0: {  	v6 =	vld.idx.msk [tilespmem:v6+s16+$0x0], $0xffff;
	[tilespmem:s14+$0xA0] =	vst v4;
	v3 =	vmul.f32 v1, v3  }
0xc1: {  	v4 =	vld.idx.msk [tilespmem:v12+s16+$0x0], $0xffff;
	[tilespmem:s14+$0xB0] =	vst v2;
	v8 =	vmul.f32 v1, v8  }
0xc2: {  	s14 =	sadd.s32 $0x200, s14;
	v2 =	vld.idx.msk [tilespmem:v11+s16+$0x0], $0xffff;
	[tilespmem:s15+$0xC0] =	vst v3;
	v3 =	vmul.f32 v1, v7  }
0xc3: {  	v7 =	vld [tilespmem:s14+$0x70];
	[tilespmem:s15+$0xD0] =	vst v8;
	v9 =	vmul.f32 v1, v9  }
0xc4: {  	v8 =	vld [tilespmem:s14+$0xFFFFFF00];
	[tilespmem:s15+$0xE0] =	vst v3  }
0xc5: {  	v1 =	vmov v5;
	v3 =	vld [tilespmem:s14+$0xFFFFFF10];
	[tilespmem:s15+$0xF0] =	vst v9;
	s15 =	smov.u32 s14  }
0xc6: {  	v5 =	vld [tilespmem:s14+$0xFFFFFF20]  }
0xc7: {  	v9 =	vld [tilespmem:s14+$0xFFFFFF30]  }
0xc8: {  	v10 =	vld [tilespmem:s14+$0xFFFFFF40];
	v7 =	vmul.f32 v2, v7  }
0xc9: {  	v8 =	vmul.f32 v6, v8;
	v11 =	vld [tilespmem:s14+$0xFFFFFF50]  }
0xca: {  	v3 =	vmul.f32 v6, v3;
	v12 =	vld [tilespmem:s14+$0xFFFFFF60];
	[tilespmem:s14+$0x70] =	vst v7  }
0xcb: {  	[tilespmem:s14+$0xFFFFFF00] =	vst v8;
	v5 =	vmul.f32 v6, v5;
	v7 =	vld [tilespmem:s14+$0xFFFFFF70]  }
0xcc: {  	[tilespmem:s14+$0xFFFFFF10] =	vst v3;
	v3 =	vmul.f32 v6, v9;
	v8 =	vld [tilespmem:s14+$0xFFFFFF80]  }
0xcd: {  	[tilespmem:s14+$0xFFFFFF20] =	vst v5;
	v5 =	vmul.f32 v6, v10;
	v9 =	vld [tilespmem:s14+$0xFFFFFF90]  }
0xce: {  	[tilespmem:s14+$0xFFFFFF30] =	vst v3;
	v3 =	vmul.f32 v6, v11;
	v10 =	vld [tilespmem:s14+$0xFFFFFFA0]  }
0xcf: {  	[tilespmem:s14+$0xFFFFFF40] =	vst v5;
	v5 =	vmul.f32 v6, v12;
	v11 =	vld [tilespmem:s14+$0xFFFFFFB0]  }
0xd0: {  	[tilespmem:s14+$0xFFFFFF50] =	vst v3;
	v3 =	vmul.f32 v6, v7;
	v6 =	vld [tilespmem:s14+$0xFFFFFFC0]  }
0xd1: {  	[tilespmem:s14+$0xFFFFFF60] =	vst v5;
	v5 =	vmul.f32 v4, v8;
	v7 =	vld [tilespmem:s14+$0xFFFFFFD0]  }
0xd2: {  	[tilespmem:s14+$0xFFFFFF70] =	vst v3;
	v3 =	vmul.f32 v4, v9;
	v8 =	vld [tilespmem:s14+$0xFFFFFFE0]  }
0xd3: {  	[tilespmem:s14+$0xFFFFFF80] =	vst v5;
	v5 =	vmul.f32 v4, v10;
	v9 =	vld [tilespmem:s14+$0xFFFFFFF0]  }
0xd4: {  	[tilespmem:s14+$0xFFFFFF90] =	vst v3;
	v3 =	vmul.f32 v4, v11;
	v10 =	vld [tilespmem:s14+$0x0]  }
0xd5: {  	[tilespmem:s14+$0xFFFFFFA0] =	vst v5;
	v5 =	vmul.f32 v4, v6;
	v6 =	vld [tilespmem:s14+$0x10]  }
0xd6: {  	[tilespmem:s14+$0xFFFFFFB0] =	vst v3;
	v3 =	vmul.f32 v4, v7;
	v7 =	vld [tilespmem:s14+$0x20]  }
0xd7: {  	[tilespmem:s14+$0xFFFFFFC0] =	vst v5;
	v5 =	vmul.f32 v4, v8;
	v11 =	vld [tilespmem:s14+$0x30]  }
0xd8: {  	[tilespmem:s14+$0xFFFFFFD0] =	vst v3;
	v3 =	vmul.f32 v4, v9;
	v9 =	vld [tilespmem:s14+$0x40]  }
.Ltmp1:
0xd9: {  	[tilespmem:s14+$0xFFFFFFE0] =	vst v5;
	v5 =	vmul.f32 v2, v10;
	v4 =	vld [tilespmem:s14+$0x50];
	(pc) =	sbr.rel @p1 .LBB2_5-.Ltmp1, $4  }
0xda: {  	[tilespmem:s14+$0xFFFFFFF0] =	vst v3;
	v6 =	vmul.f32 v2, v6;
	v3 =	vld [tilespmem:s14+$0x60]  }
0xdb: {  	s18 =	sadd.s32 $0x3, s17;
	v10 =	vmov s17;
	[tilespmem:s14+$0x0] =	vst v5;
	v13 =	vmul.f32 v2, v7;
	v8 =	vld [tilespmem:s14+$0x80]  }
0xdc: {  	s20 =	sadd.s32 $0x1, s17;
	v12 =	vand.u32 $0xFFFFFFFC, v10;
	v5 =	vmov s18;
	[tilespmem:s14+$0x10] =	vst v6;
	v10 =	vmul.f32 v2, v11;
	v7 =	vld [tilespmem:s14+$0x90]  }
0xdd: {  	s18 =	sadd.s32 $0x2, s17;
	s17 =	sadd.s32 $0x4, s17;
	v6 =	vbroadcast v12, $0x0;
	v12 =	vmov s20;
	[tilespmem:s14+$0x20] =	vst v13;
	v11 =	vmul.f32 v2, v9;
	v9 =	vld [tilespmem:s14+$0xA0]  }
0xde: {  	v13 =	vld [tilespmem:s14+$0xB0]  }
0xdf: {  	v15 =	vld [tilespmem:s14+$0xC0]  }
0xe0: {  	v14 =	vmov s18;
	v16 =	vld [tilespmem:s14+$0xD0]  }
0xe1: {  	v17 =	vld [tilespmem:s14+$0xE0];
	[tilespmem:s14+$0x30] =	vst v10;
	v4 =	vmul.f32 v2, v4;
	v14 =	vand.u32 $0xFFFFFFFE, v14  }
0xe2: {  	v12 =	vand.u32 $0xFFFFFFFD, v12;
	v5 =	vld.idx.msk [tilespmem:v5+s16+$0x0], $0xffff;
	[tilespmem:s14+$0x40] =	vst v11;
	v2 =	vmul.f32 v2, v3;
	v14 =	vbroadcast v14, $0x0  }
0xe3: {  	s17 =	sadd.s32 $0x200, s14;
	v12 =	vbroadcast v12, $0x0;
	v3 =	vld.idx.msk [tilespmem:v6+s16+$0x0], $0xffff;
	v8 =	vmul.f32 v1, v8;
	[tilespmem:s14+$0x50] =	vst v4  }
0xe4: {  	v10 =	vld [tilespmem:s17+$0xFFFFFF00];
	v4 =	vmul.f32 v1, v7;
	[tilespmem:s14+$0x60] =	vst v2  }
0xe5: {  	[tilespmem:s14+$0x80] =	vst v8;
	v8 =	vld [tilespmem:s14+$0xF0];
	v2 =	vmul.f32 v1, v9  }
0xe6: {  	v11 =	vld [tilespmem:s17+$0xFFFFFF10];
	[tilespmem:s14+$0x90] =	vst v4;
	v4 =	vmul.f32 v1, v13  }
0xe7: {  	v9 =	vld [tilespmem:s17+$0x70];
	[tilespmem:s14+$0xA0] =	vst v2;
	v2 =	vmul.f32 v1, v15  }
0xe8: {  	[tilespmem:s14+$0xB0] =	vst v4;
	v4 =	vmul.f32 v1, v16;
	v7 =	vld.idx.msk [tilespmem:v14+s16+$0x0], $0xffff  }
0xe9: {  	v6 =	vld.idx.msk [tilespmem:v12+s16+$0x0], $0xffff;
	[tilespmem:s15+$0xC0] =	vst v2;
	v2 =	vmul.f32 v1, v17  }
0xea: {  	v12 =	vld [tilespmem:s17+$0xFFFFFF20];
	[tilespmem:s15+$0xD0] =	vst v4;
	v1 =	vmul.f32 v1, v8  }
0xeb: {  	v4 =	vld [tilespmem:s17+$0xFFFFFF30];
	[tilespmem:s15+$0xE0] =	vst v2  }
0xec: {  	v2 =	vld [tilespmem:s17+$0xFFFFFF40];
	[tilespmem:s15+$0xF0] =	vst v1;
	v1 =	vmul.f32 v3, v10  }
0xed: {  	v8 =	vmul.f32 v7, v9;
	v9 =	vld [tilespmem:s17+$0xFFFFFF50]  }
0xee: {  	v10 =	vmul.f32 v3, v11;
	v11 =	vld [tilespmem:s17+$0xFFFFFF60];
	[tilespmem:s17+$0xFFFFFF00] =	vst v1  }
0xef: {  	v1 =	vmul.f32 v3, v12;
	[tilespmem:s17+$0x70] =	vst v8;
	v8 =	vld [tilespmem:s17+$0xFFFFFF70]  }
0xf0: {  	[tilespmem:s17+$0xFFFFFF10] =	vst v10;
	v10 =	vld [tilespmem:s17+$0xFFFFFF80];
	v4 =	vmul.f32 v3, v4  }
0xf1: {  	[tilespmem:s17+$0xFFFFFF20] =	vst v1;
	v1 =	vmul.f32 v3, v2;
	v2 =	vld [tilespmem:s17+$0xFFFFFF90]  }
0xf2: {  	[tilespmem:s17+$0xFFFFFF30] =	vst v4;
	v4 =	vmul.f32 v3, v9;
	v9 =	vld [tilespmem:s17+$0xFFFFFFA0]  }
0xf3: {  	[tilespmem:s17+$0xFFFFFF40] =	vst v1;
	v1 =	vmul.f32 v3, v11;
	v11 =	vld [tilespmem:s17+$0xFFFFFFB0]  }
0xf4: {  	[tilespmem:s17+$0xFFFFFF50] =	vst v4;
	v3 =	vmul.f32 v3, v8;
	v4 =	vld [tilespmem:s17+$0xFFFFFFC0]  }
0xf5: {  	[tilespmem:s17+$0xFFFFFF60] =	vst v1;
	v1 =	vmul.f32 v6, v10;
	v8 =	vld [tilespmem:s17+$0xFFFFFFD0]  }
0xf6: {  	v2 =	vmul.f32 v6, v2;
	[tilespmem:s17+$0xFFFFFF70] =	vst v3;
	v3 =	vld [tilespmem:s17+$0xFFFFFFE0]  }
0xf7: {  	[tilespmem:s17+$0xFFFFFF80] =	vst v1;
	v1 =	vmul.f32 v6, v9;
	v9 =	vld [tilespmem:s17+$0xFFFFFFF0]  }
0xf8: {  	v10 =	vld [tilespmem:s17+$0x0];
	[tilespmem:s17+$0xFFFFFF90] =	vst v2;
	v2 =	vmul.f32 v6, v11  }
0xf9: {  	[tilespmem:s17+$0xFFFFFFA0] =	vst v1;
	v1 =	vmul.f32 v6, v4;
	v4 =	vld [tilespmem:s17+$0x10]  }
0xfa: {  	[tilespmem:s17+$0xFFFFFFB0] =	vst v2;
	v2 =	vmul.f32 v6, v8;
	v8 =	vld [tilespmem:s17+$0x20]  }
0xfb: {  	[tilespmem:s17+$0xFFFFFFC0] =	vst v1;
	v1 =	vmul.f32 v6, v3;
	v3 =	vld [tilespmem:s17+$0x30]  }
0xfc: {  	[tilespmem:s17+$0xFFFFFFD0] =	vst v2;
	v2 =	vmul.f32 v6, v9;
	v6 =	vld [tilespmem:s17+$0x40]  }
0xfd: {  	v9 =	vld [tilespmem:s17+$0x50];
	[tilespmem:s17+$0xFFFFFFE0] =	vst v1;
	v1 =	vmul.f32 v7, v10  }
0xfe: {  	[tilespmem:s17+$0xFFFFFFF0] =	vst v2;
	v2 =	vmul.f32 v7, v4;
	v4 =	vld [tilespmem:s17+$0x60]  }
0xff: {  	[tilespmem:s17+$0x0] =	vst v1;
	v1 =	vmul.f32 v7, v8;
	v8 =	vld [tilespmem:s17+$0x80]  }
0x100: {  	[tilespmem:s17+$0x10] =	vst v2;
	v2 =	vmul.f32 v7, v3;
	v3 =	vld [tilespmem:s17+$0x90]  }
0x101: {  	[tilespmem:s17+$0x20] =	vst v1;
	v1 =	vmul.f32 v7, v6;
	v6 =	vld [tilespmem:s17+$0xA0]  }
0x102: {  	[tilespmem:s17+$0x30] =	vst v2;
	v2 =	vmul.f32 v7, v9;
	v9 =	vld [tilespmem:s17+$0xB0]  }
0x103: {  	[tilespmem:s17+$0x40] =	vst v1;
	v1 =	vmul.f32 v7, v4;
	v4 =	vld [tilespmem:s17+$0xC0]  }
0x104: {  	v7 =	vld [tilespmem:s17+$0xD0];
	[tilespmem:s17+$0x50] =	vst v2;
	v2 =	vmul.f32 v5, v8  }
0x105: {  	[tilespmem:s17+$0x60] =	vst v1;
	v1 =	vmul.f32 v5, v3;
	v3 =	vld [tilespmem:s17+$0xE0]  }
0x106: {  	[tilespmem:s17+$0x80] =	vst v2;
	v2 =	vmul.f32 v5, v6;
	v6 =	vld [tilespmem:s17+$0xF0]  }
0x107: {  	[tilespmem:s17+$0x90] =	vst v1;
	v1 =	vmul.f32 v5, v9  }
0x108: {  	[tilespmem:s17+$0xA0] =	vst v2;
	v2 =	vmul.f32 v5, v4  }
0x109: {  	[tilespmem:s17+$0xB0] =	vst v1;
	v1 =	vmul.f32 v5, v7  }
0x10a: {  	[tilespmem:s17+$0xC0] =	vst v2;
	v2 =	vmul.f32 v5, v3  }
0x10b: {  	[tilespmem:s17+$0xD0] =	vst v1;
	v1 =	vmul.f32 v5, v6  }
0x10c: {  	[tilespmem:s17+$0xE0] =	vst v2  }
0x10d: {  	s21 =	simm.s32 $0xC000;
	s15 =	simm.s32 $0x0;
	[tilespmem:s17+$0xF0] =	vst v1  }
0x10e: {  	[spmem:s2] =	stream.indirect.scatter.add.f32 [tilespmem:s15], [sflag:$0xD], $0x80, s21, s26, $0xb8;
	[tilespmem:$0x1FD00] =	vst v63  }
0x10f: {  	s14 =	smul.u32 $0x2400, s12;
	_ =	swait.ge [sflag:s13], $0x4000  }
0x110: {  	s8 =	rddreg [dreg:$0x1d]  }
0x111: {  	s17 =	sadd.s32 s14, s8  }
0x112: {  	[sflag:s13] =	ssyncset.done $0x0;
	s17 =	sshrl.u32 s17, $0x3  }
0x113: {  	s20 =	rddreg [dreg:$0x1e];
	[sflag:s13] =	ssyncadd.s32 $0xFFFFC000;
	s17 =	sadd.s32 s5, s17  }
0x114: {  	[tilespmem:s21], [sflag:$0x1] =	stream.linear.gather [hbm4b:s17+s15], $0x80, $0x38;
	[tilespmem:$0x1FD00] =	vst v63  }
0x115: {  	s17 =	sadd.s32 s14, s20  }
0x116: {  	s17 =	sshrl.u32 s17, $0x3  }
0x117: {  	s8 =	rddreg [dreg:$0x1f];
	s21 =	simm.s32 $0xC180;
	s17 =	sadd.s32 s5, s17  }
0x118: {  	[tilespmem:s21], [sflag:$0x4] =	stream.linear.gather [hbm4b:s17+s15], $0x80, $0x38;
	[tilespmem:$0x1FD00] =	vst v63  }
0x119: {  	s17 =	sadd.s32 s14, s8  }
0x11a: {  	s17 =	sshrl.u32 s17, $0x3  }
0x11b: {  	s17 =	sadd.s32 s5, s17  }
0x11c: {  	[tilespmem:s16], [sflag:$0x7] =	stream.linear.gather [hbm4b:s17+s15], $0x80, $0x38;
	[tilespmem:$0x1FD00] =	vst v63  }
0x11d: {  	_ =	swait.ge [sflag:s3], $0x80  }
0x11e: {  	[sflag:s3] =	ssyncset.done $0x0  }
0x11f: {  	[sflag:s3] =	ssyncadd.s32 $0xFFFFFF80  }
0x120: {  	_ =	swait.ge [sflag:s6], $0x80  }
0x121: {  	[sflag:s6] =	ssyncset.done $0x0  }
0x122: {  	s18 =	simm.s32 $0x2;
	v1 =	vmov s15;
	[sflag:s6] =	ssyncadd.s32 $0xFFFFFF80  }
0x123: {  	v2 =	vmov s18;
	v1 =	vand.u32 $0xFFFFFFFC, v1;
	_ =	swait.ge [sflag:s7], $0x80  }
0x124: {  	v2 =	vand.u32 $0xFFFFFFFE, v2;
	v1 =	vbroadcast v1, $0x0;
	[sflag:s7] =	ssyncset.done $0x0  }
0x125: {  	v2 =	vbroadcast v2, $0x0;
	s20 =	simm.s32 $0x8000;
	s8 =	simm.s32 $0xC280;
	[sflag:s7] =	ssyncadd.s32 $0xFFFFFF80  }
0x126: {  	[tilespmem:s20], [sflag:$0xC] =	stream.indirect.gather [hbm4b:s1+s26], $0x80, s8, s26, $0xb8;
	[tilespmem:$0x1FD00] =	vst v63  }
0x127: {  	_ =	swait.ge [sflag:s9], $0x4000  }
0x128: {  	[sflag:s9] =	ssyncset.done $0x0  }
0x129: {  	[sflag:s9] =	ssyncadd.s32 $0xFFFFC000  }
0x12a: {  	v1 =	vld.idx.msk [tilespmem:v1+s19+$0x0], $0xffff  }
0x12b: {  	s21 =	simm.s32 $0x1;
	s15 =	simm.s32 $0x4100;
	v2 =	vld.idx.msk [tilespmem:v2+s19+$0x0], $0xffff  }
0x12c: {  	v3 =	vmov s21;
	v4 =	vld [tilespmem:s15+$0x70]  }
0x12d: {  	v3 =	vand.u32 $0xFFFFFFFD, v3;
	v5 =	vld [tilespmem:s15+$0xFFFFFF00]  }
0x12e: {  	v3 =	vbroadcast v3, $0x0;
	v6 =	vld [tilespmem:s15+$0xFFFFFF10]  }
0x12f: {  	v7 =	vld [tilespmem:s15+$0xFFFFFF20]  }
0x130: {  	v8 =	vld [tilespmem:s15+$0xFFFFFF30]  }
0x131: {  	v9 =	vld [tilespmem:s15+$0xFFFFFF40]  }
0x132: {  	v10 =	vld [tilespmem:s15+$0xFFFFFF50]  }
0x133: {  	v11 =	vld [tilespmem:s15+$0xFFFFFF60];
	v5 =	vmul.f32 v1, v5  }
0x134: {  	v3 =	vld.idx.msk [tilespmem:v3+s19+$0x0], $0xffff;
	v4 =	vmul.f32 v2, v4  }
0x135: {  	v13 =	vld [tilespmem:s15+$0x40];
	[tilespmem:s15+$0xFFFFFF00] =	vst v5;
	v5 =	vmul.f32 v1, v6  }
0x136: {  	v6 =	vld [tilespmem:s15+$0xFFFFFF70];
	[tilespmem:s15+$0x70] =	vst v4;
	v4 =	vmul.f32 v1, v7  }
0x137: {  	v7 =	vld [tilespmem:s15+$0xFFFFFF80];
	[tilespmem:s15+$0xFFFFFF10] =	vst v5;
	v5 =	vmul.f32 v1, v8  }
0x138: {  	v8 =	vld [tilespmem:s15+$0xFFFFFF90];
	[tilespmem:s15+$0xFFFFFF20] =	vst v4;
	v4 =	vmul.f32 v1, v9  }
0x139: {  	v9 =	vld [tilespmem:s15+$0xFFFFFFA0];
	[tilespmem:s15+$0xFFFFFF30] =	vst v5;
	v5 =	vmul.f32 v1, v10  }
0x13a: {  	v10 =	vld [tilespmem:s15+$0xFFFFFFB0];
	[tilespmem:s15+$0xFFFFFF40] =	vst v4;
	v4 =	vmul.f32 v1, v11  }
0x13b: {  	v11 =	vld [tilespmem:s15+$0xFFFFFFC0];
	v6 =	vmul.f32 v1, v6;
	[tilespmem:s15+$0xFFFFFF50] =	vst v5  }
0x13c: {  	v5 =	vmul.f32 v3, v7;
	v7 =	vld [tilespmem:s15+$0xFFFFFFD0];
	[tilespmem:s15+$0xFFFFFF60] =	vst v4  }
0x13d: {  	s8 =	simm.s32 $0x3;
	v4 =	vld [tilespmem:s15+$0xFFFFFFE0];
	v8 =	vmul.f32 v3, v8;
	[tilespmem:s15+$0xFFFFFF70] =	vst v6  }
0x13e: {  	v12 =	vmov s8;
	v6 =	vld [tilespmem:s15+$0xFFFFFFF0];
	[tilespmem:s15+$0xFFFFFF80] =	vst v5;
	v5 =	vmul.f32 v3, v9  }
0x13f: {  	v9 =	vld [tilespmem:s15+$0x0];
	[tilespmem:s15+$0xFFFFFF90] =	vst v8;
	v8 =	vmul.f32 v3, v10  }
0x140: {  	v10 =	vld [tilespmem:s15+$0x10];
	[tilespmem:s15+$0xFFFFFFA0] =	vst v5;
	v5 =	vmul.f32 v3, v11  }
0x141: {  	[tilespmem:s15+$0xFFFFFFB0] =	vst v8;
	v7 =	vmul.f32 v3, v7;
	v8 =	vld [tilespmem:s15+$0x20]  }
0x142: {  	v11 =	vld [tilespmem:s15+$0x30];
	v4 =	vmul.f32 v3, v4;
	[tilespmem:s15+$0xFFFFFFC0] =	vst v5  }
0x143: {  	v1 =	vld.idx.msk [tilespmem:v12+s19+$0x0], $0xffff;
	v3 =	vmul.f32 v3, v6;
	[tilespmem:s15+$0xFFFFFFD0] =	vst v7  }
0x144: {  	[tilespmem:s15+$0xFFFFFFE0] =	vst v4;
	v5 =	vmul.f32 v2, v9;
	v4 =	vld [tilespmem:s15+$0x50]  }
0x145: {  	s18 =	simm.s32 $0x4;
	[tilespmem:s15+$0xFFFFFFF0] =	vst v3;
	v6 =	vmul.f32 v2, v10;
	v3 =	vld [tilespmem:s15+$0x60]  }
0x146: {  	s20 =	simm.s32 $0x7;
	v7 =	vmov s18;
	[tilespmem:s15+$0x0] =	vst v5;
	v9 =	vmul.f32 v2, v8;
	v8 =	vld [tilespmem:s15+$0x80]  }
0x147: {  	s31 =	simm.s32 $0xC000;
	s21 =	simm.s32 $0x5;
	v12 =	vand.u32 $0xFFFFFFFC, v7;
	v7 =	vld [tilespmem:s15+$0x90];
	v5 =	vmov s20;
	v10 =	vmul.f32 v2, v11;
	[tilespmem:s15+$0x10] =	vst v6  }
0x148: {  	s17 =	simm.s32 $0x4100;
	s18 =	simm.s32 $0x8;
	s20 =	simm.s32 $0x6;
	v11 =	vmul.f32 v2, v13;
	v6 =	vbroadcast v12, $0x0;
	v12 =	vmov s21;
	[tilespmem:s15+$0x20] =	vst v9;
	v9 =	vld [tilespmem:s15+$0xA0]  }
.LBB2_7:
0x149: {  	p1 =	slt.u32 s18, $0x7C;
	v12 =	vand.u32 $0xFFFFFFFD, v12;
	v13 =	vmov s20;
	[tilespmem:s15+$0x30] =	vst v10;
	v4 =	vmul.f32 v2, v4;
	v10 =	vld [tilespmem:s15+$0xB0]  }
0x14a: {  	v12 =	vbroadcast v12, $0x0;
	v13 =	vand.u32 $0xFFFFFFFE, v13;
	[tilespmem:s15+$0x40] =	vst v11;
	v2 =	vmul.f32 v2, v3;
	v3 =	vld [tilespmem:s15+$0xC0]  }
0x14b: {  	v11 =	vbroadcast v13, $0x0;
	[tilespmem:s15+$0x50] =	vst v4;
	v4 =	vmul.f32 v1, v8;
	v8 =	vld [tilespmem:s15+$0xD0]  }
0x14c: {  	[tilespmem:s15+$0x60] =	vst v2;
	v2 =	vmul.f32 v1, v7;
	v7 =	vld [tilespmem:s15+$0xE0]  }
0x14d: {  	[tilespmem:s15+$0x80] =	vst v4;
	v4 =	vmul.f32 v1, v9;
	v9 =	vld [tilespmem:s15+$0xF0]  }
0x14e: {  	v5 =	vld.idx.msk [tilespmem:v5+s19+$0x0], $0xffff;
	[tilespmem:s15+$0x90] =	vst v2;
	v2 =	vmul.f32 v1, v10  }
0x14f: {  	v6 =	vld.idx.msk [tilespmem:v6+s19+$0x0], $0xffff;
	[tilespmem:s15+$0xA0] =	vst v4;
	v3 =	vmul.f32 v1, v3  }
0x150: {  	v4 =	vld.idx.msk [tilespmem:v12+s19+$0x0], $0xffff;
	[tilespmem:s15+$0xB0] =	vst v2;
	v8 =	vmul.f32 v1, v8  }
0x151: {  	s15 =	sadd.s32 $0x200, s15;
	v2 =	vld.idx.msk [tilespmem:v11+s19+$0x0], $0xffff;
	[tilespmem:s17+$0xC0] =	vst v3;
	v3 =	vmul.f32 v1, v7  }
0x152: {  	v7 =	vld [tilespmem:s15+$0x70];
	[tilespmem:s17+$0xD0] =	vst v8;
	v9 =	vmul.f32 v1, v9  }
0x153: {  	v8 =	vld [tilespmem:s15+$0xFFFFFF00];
	[tilespmem:s17+$0xE0] =	vst v3  }
0x154: {  	v1 =	vmov v5;
	v3 =	vld [tilespmem:s15+$0xFFFFFF10];
	[tilespmem:s17+$0xF0] =	vst v9;
	s17 =	smov.u32 s15  }
0x155: {  	v5 =	vld [tilespmem:s15+$0xFFFFFF20]  }
0x156: {  	v9 =	vld [tilespmem:s15+$0xFFFFFF30]  }
0x157: {  	v10 =	vld [tilespmem:s15+$0xFFFFFF40];
	v7 =	vmul.f32 v2, v7  }
0x158: {  	v8 =	vmul.f32 v6, v8;
	v11 =	vld [tilespmem:s15+$0xFFFFFF50]  }
0x159: {  	v3 =	vmul.f32 v6, v3;
	v12 =	vld [tilespmem:s15+$0xFFFFFF60];
	[tilespmem:s15+$0x70] =	vst v7  }
0x15a: {  	[tilespmem:s15+$0xFFFFFF00] =	vst v8;
	v5 =	vmul.f32 v6, v5;
	v7 =	vld [tilespmem:s15+$0xFFFFFF70]  }
0x15b: {  	[tilespmem:s15+$0xFFFFFF10] =	vst v3;
	v3 =	vmul.f32 v6, v9;
	v8 =	vld [tilespmem:s15+$0xFFFFFF80]  }
0x15c: {  	[tilespmem:s15+$0xFFFFFF20] =	vst v5;
	v5 =	vmul.f32 v6, v10;
	v9 =	vld [tilespmem:s15+$0xFFFFFF90]  }
0x15d: {  	[tilespmem:s15+$0xFFFFFF30] =	vst v3;
	v3 =	vmul.f32 v6, v11;
	v10 =	vld [tilespmem:s15+$0xFFFFFFA0]  }
0x15e: {  	[tilespmem:s15+$0xFFFFFF40] =	vst v5;
	v5 =	vmul.f32 v6, v12;
	v11 =	vld [tilespmem:s15+$0xFFFFFFB0]  }
0x15f: {  	[tilespmem:s15+$0xFFFFFF50] =	vst v3;
	v3 =	vmul.f32 v6, v7;
	v6 =	vld [tilespmem:s15+$0xFFFFFFC0]  }
0x160: {  	[tilespmem:s15+$0xFFFFFF60] =	vst v5;
	v5 =	vmul.f32 v4, v8;
	v7 =	vld [tilespmem:s15+$0xFFFFFFD0]  }
0x161: {  	[tilespmem:s15+$0xFFFFFF70] =	vst v3;
	v3 =	vmul.f32 v4, v9;
	v8 =	vld [tilespmem:s15+$0xFFFFFFE0]  }
0x162: {  	[tilespmem:s15+$0xFFFFFF80] =	vst v5;
	v5 =	vmul.f32 v4, v10;
	v9 =	vld [tilespmem:s15+$0xFFFFFFF0]  }
0x163: {  	[tilespmem:s15+$0xFFFFFF90] =	vst v3;
	v3 =	vmul.f32 v4, v11;
	v10 =	vld [tilespmem:s15+$0x0]  }
0x164: {  	[tilespmem:s15+$0xFFFFFFA0] =	vst v5;
	v5 =	vmul.f32 v4, v6;
	v6 =	vld [tilespmem:s15+$0x10]  }
0x165: {  	[tilespmem:s15+$0xFFFFFFB0] =	vst v3;
	v3 =	vmul.f32 v4, v7;
	v7 =	vld [tilespmem:s15+$0x20]  }
0x166: {  	[tilespmem:s15+$0xFFFFFFC0] =	vst v5;
	v5 =	vmul.f32 v4, v8;
	v11 =	vld [tilespmem:s15+$0x30]  }
0x167: {  	[tilespmem:s15+$0xFFFFFFD0] =	vst v3;
	v3 =	vmul.f32 v4, v9;
	v9 =	vld [tilespmem:s15+$0x40]  }
.Ltmp2:
0x168: {  	[tilespmem:s15+$0xFFFFFFE0] =	vst v5;
	v5 =	vmul.f32 v2, v10;
	v4 =	vld [tilespmem:s15+$0x50];
	(pc) =	sbr.rel @p1 .LBB2_7-.Ltmp2, $4  }
0x169: {  	[tilespmem:s15+$0xFFFFFFF0] =	vst v3;
	v6 =	vmul.f32 v2, v6;
	v3 =	vld [tilespmem:s15+$0x60]  }
0x16a: {  	s20 =	sadd.s32 $0x3, s18;
	v10 =	vmov s18;
	[tilespmem:s15+$0x0] =	vst v5;
	v13 =	vmul.f32 v2, v7;
	v8 =	vld [tilespmem:s15+$0x80]  }
0x16b: {  	s21 =	sadd.s32 $0x1, s18;
	v12 =	vand.u32 $0xFFFFFFFC, v10;
	v5 =	vmov s20;
	[tilespmem:s15+$0x10] =	vst v6;
	v10 =	vmul.f32 v2, v11;
	v7 =	vld [tilespmem:s15+$0x90]  }
0x16c: {  	s20 =	sadd.s32 $0x2, s18;
	s18 =	sadd.s32 $0x4, s18;
	v6 =	vbroadcast v12, $0x0;
	v12 =	vmov s21;
	[tilespmem:s15+$0x20] =	vst v13;
	v11 =	vmul.f32 v2, v9;
	v9 =	vld [tilespmem:s15+$0xA0]  }
0x16d: {  	v13 =	vld [tilespmem:s15+$0xB0]  }
0x16e: {  	v15 =	vld [tilespmem:s15+$0xC0]  }
0x16f: {  	v14 =	vmov s20;
	v16 =	vld [tilespmem:s15+$0xD0]  }
0x170: {  	v17 =	vld [tilespmem:s15+$0xE0];
	[tilespmem:s15+$0x30] =	vst v10;
	v4 =	vmul.f32 v2, v4;
	v14 =	vand.u32 $0xFFFFFFFE, v14  }
0x171: {  	v12 =	vand.u32 $0xFFFFFFFD, v12;
	v5 =	vld.idx.msk [tilespmem:v5+s19+$0x0], $0xffff;
	[tilespmem:s15+$0x40] =	vst v11;
	v2 =	vmul.f32 v2, v3;
	v14 =	vbroadcast v14, $0x0  }
0x172: {  	s18 =	sadd.s32 $0x200, s15;
	v12 =	vbroadcast v12, $0x0;
	v3 =	vld.idx.msk [tilespmem:v6+s19+$0x0], $0xffff;
	v8 =	vmul.f32 v1, v8;
	[tilespmem:s15+$0x50] =	vst v4  }
0x173: {  	v10 =	vld [tilespmem:s18+$0xFFFFFF00];
	v4 =	vmul.f32 v1, v7;
	[tilespmem:s15+$0x60] =	vst v2  }
0x174: {  	[tilespmem:s15+$0x80] =	vst v8;
	v8 =	vld [tilespmem:s15+$0xF0];
	v2 =	vmul.f32 v1, v9  }
0x175: {  	v11 =	vld [tilespmem:s18+$0xFFFFFF10];
	[tilespmem:s15+$0x90] =	vst v4;
	v4 =	vmul.f32 v1, v13  }
0x176: {  	v9 =	vld [tilespmem:s18+$0x70];
	[tilespmem:s15+$0xA0] =	vst v2;
	v2 =	vmul.f32 v1, v15  }
0x177: {  	[tilespmem:s15+$0xB0] =	vst v4;
	v4 =	vmul.f32 v1, v16;
	v7 =	vld.idx.msk [tilespmem:v14+s19+$0x0], $0xffff  }
0x178: {  	v6 =	vld.idx.msk [tilespmem:v12+s19+$0x0], $0xffff;
	[tilespmem:s17+$0xC0] =	vst v2;
	v2 =	vmul.f32 v1, v17  }
0x179: {  	v12 =	vld [tilespmem:s18+$0xFFFFFF20];
	[tilespmem:s17+$0xD0] =	vst v4;
	v1 =	vmul.f32 v1, v8  }
0x17a: {  	v4 =	vld [tilespmem:s18+$0xFFFFFF30];
	[tilespmem:s17+$0xE0] =	vst v2  }
0x17b: {  	v2 =	vld [tilespmem:s18+$0xFFFFFF40];
	[tilespmem:s17+$0xF0] =	vst v1;
	v1 =	vmul.f32 v3, v10  }
0x17c: {  	v8 =	vmul.f32 v7, v9;
	v9 =	vld [tilespmem:s18+$0xFFFFFF50]  }
0x17d: {  	v10 =	vmul.f32 v3, v11;
	v11 =	vld [tilespmem:s18+$0xFFFFFF60];
	[tilespmem:s18+$0xFFFFFF00] =	vst v1  }
0x17e: {  	v1 =	vmul.f32 v3, v12;
	[tilespmem:s18+$0x70] =	vst v8;
	v8 =	vld [tilespmem:s18+$0xFFFFFF70]  }
0x17f: {  	[tilespmem:s18+$0xFFFFFF10] =	vst v10;
	v10 =	vld [tilespmem:s18+$0xFFFFFF80];
	v4 =	vmul.f32 v3, v4  }
0x180: {  	[tilespmem:s18+$0xFFFFFF20] =	vst v1;
	v1 =	vmul.f32 v3, v2;
	v2 =	vld [tilespmem:s18+$0xFFFFFF90]  }
0x181: {  	[tilespmem:s18+$0xFFFFFF30] =	vst v4;
	v4 =	vmul.f32 v3, v9;
	v9 =	vld [tilespmem:s18+$0xFFFFFFA0]  }
0x182: {  	[tilespmem:s18+$0xFFFFFF40] =	vst v1;
	v1 =	vmul.f32 v3, v11;
	v11 =	vld [tilespmem:s18+$0xFFFFFFB0]  }
0x183: {  	[tilespmem:s18+$0xFFFFFF50] =	vst v4;
	v3 =	vmul.f32 v3, v8;
	v4 =	vld [tilespmem:s18+$0xFFFFFFC0]  }
0x184: {  	[tilespmem:s18+$0xFFFFFF60] =	vst v1;
	v1 =	vmul.f32 v6, v10;
	v8 =	vld [tilespmem:s18+$0xFFFFFFD0]  }
0x185: {  	v2 =	vmul.f32 v6, v2;
	[tilespmem:s18+$0xFFFFFF70] =	vst v3;
	v3 =	vld [tilespmem:s18+$0xFFFFFFE0]  }
0x186: {  	[tilespmem:s18+$0xFFFFFF80] =	vst v1;
	v1 =	vmul.f32 v6, v9;
	v9 =	vld [tilespmem:s18+$0xFFFFFFF0]  }
0x187: {  	v10 =	vld [tilespmem:s18+$0x0];
	[tilespmem:s18+$0xFFFFFF90] =	vst v2;
	v2 =	vmul.f32 v6, v11  }
0x188: {  	[tilespmem:s18+$0xFFFFFFA0] =	vst v1;
	v1 =	vmul.f32 v6, v4;
	v4 =	vld [tilespmem:s18+$0x10]  }
0x189: {  	[tilespmem:s18+$0xFFFFFFB0] =	vst v2;
	v2 =	vmul.f32 v6, v8;
	v8 =	vld [tilespmem:s18+$0x20]  }
0x18a: {  	[tilespmem:s18+$0xFFFFFFC0] =	vst v1;
	v1 =	vmul.f32 v6, v3;
	v3 =	vld [tilespmem:s18+$0x30]  }
0x18b: {  	[tilespmem:s18+$0xFFFFFFD0] =	vst v2;
	v2 =	vmul.f32 v6, v9;
	v6 =	vld [tilespmem:s18+$0x40]  }
0x18c: {  	v9 =	vld [tilespmem:s18+$0x50];
	[tilespmem:s18+$0xFFFFFFE0] =	vst v1;
	v1 =	vmul.f32 v7, v10  }
0x18d: {  	[tilespmem:s18+$0xFFFFFFF0] =	vst v2;
	v2 =	vmul.f32 v7, v4;
	v4 =	vld [tilespmem:s18+$0x60]  }
0x18e: {  	[tilespmem:s18+$0x0] =	vst v1;
	v1 =	vmul.f32 v7, v8;
	v8 =	vld [tilespmem:s18+$0x80]  }
0x18f: {  	[tilespmem:s18+$0x10] =	vst v2;
	v2 =	vmul.f32 v7, v3;
	v3 =	vld [tilespmem:s18+$0x90]  }
0x190: {  	[tilespmem:s18+$0x20] =	vst v1;
	v1 =	vmul.f32 v7, v6;
	v6 =	vld [tilespmem:s18+$0xA0]  }
0x191: {  	[tilespmem:s18+$0x30] =	vst v2;
	v2 =	vmul.f32 v7, v9;
	v9 =	vld [tilespmem:s18+$0xB0]  }
0x192: {  	[tilespmem:s18+$0x40] =	vst v1;
	v1 =	vmul.f32 v7, v4;
	v4 =	vld [tilespmem:s18+$0xC0]  }
0x193: {  	v7 =	vld [tilespmem:s18+$0xD0];
	[tilespmem:s18+$0x50] =	vst v2;
	v2 =	vmul.f32 v5, v8  }
0x194: {  	[tilespmem:s18+$0x60] =	vst v1;
	v1 =	vmul.f32 v5, v3;
	v3 =	vld [tilespmem:s18+$0xE0]  }
0x195: {  	[tilespmem:s18+$0x80] =	vst v2;
	v2 =	vmul.f32 v5, v6;
	v6 =	vld [tilespmem:s18+$0xF0]  }
0x196: {  	[tilespmem:s18+$0x90] =	vst v1;
	v1 =	vmul.f32 v5, v9  }
0x197: {  	[tilespmem:s18+$0xA0] =	vst v2;
	v2 =	vmul.f32 v5, v4  }
0x198: {  	[tilespmem:s18+$0xB0] =	vst v1;
	v1 =	vmul.f32 v5, v7  }
0x199: {  	[tilespmem:s18+$0xC0] =	vst v2;
	v2 =	vmul.f32 v5, v3  }
0x19a: {  	[tilespmem:s18+$0xD0] =	vst v1;
	v1 =	vmul.f32 v5, v6  }
0x19b: {  	[tilespmem:s18+$0xE0] =	vst v2  }
0x19c: {  	s21 =	simm.s32 $0xC080;
	s8 =	simm.s32 $0x4000;
	[tilespmem:s18+$0xF0] =	vst v1  }
0x19d: {  	[spmem:s2] =	stream.indirect.scatter.add.f32 [tilespmem:s8], [sflag:$0xD], $0x80, s21, s26, $0xb8;
	[tilespmem:$0x1FD00] =	vst v63  }
0x19e: {  	_ =	swait.ge [sflag:s13], $0x4000  }
0x19f: {  	s17 =	sld [smem:$0x7F7];
	_ =	sdelay $0x2  }
0x1a0: {  	s15 =	sadd.s32 s14, s17  }
0x1a1: {  	[sflag:s13] =	ssyncset.done $0x0;
	s20 =	sld [smem:$0x7F8];
	s15 =	sshrl.u32 s15, $0x3  }
0x1a2: {  	[sflag:s13] =	ssyncadd.s32 $0xFFFFC000;
	s17 =	simm.s32 $0x0;
	s15 =	sadd.s32 s5, s15  }
0x1a3: {  	[tilespmem:s21], [sflag:$0x2] =	stream.linear.gather [hbm4b:s15+s17], $0x80, $0x38;
	[tilespmem:$0x1FD00] =	vst v63  }
0x1a4: {  	s15 =	sadd.s32 s14, s20  }
0x1a5: {  	s20 =	sld [smem:$0x7F9];
	s15 =	sshrl.u32 s15, $0x3  }
0x1a6: {  	s21 =	simm.s32 $0xC200;
	s15 =	sadd.s32 s5, s15  }
0x1a7: {  	[tilespmem:s21], [sflag:$0x5] =	stream.linear.gather [hbm4b:s15+s17], $0x80, $0x38;
	[tilespmem:$0x1FD00] =	vst v63  }
0x1a8: {  	s15 =	sadd.s32 s14, s20  }
0x1a9: {  	s15 =	sshrl.u32 s15, $0x3  }
0x1aa: {  	s15 =	sadd.s32 s5, s15  }
0x1ab: {  	[tilespmem:s19], [sflag:$0x8] =	stream.linear.gather [hbm4b:s15+s17], $0x80, $0x38;
	[tilespmem:$0x1FD00] =	vst v63  }
0x1ac: {  	_ =	swait.ge [sflag:s23], $0x80  }
0x1ad: {  	[sflag:s23] =	ssyncset.done $0x0  }
0x1ae: {  	[sflag:s23] =	ssyncadd.s32 $0xFFFFFF80  }
0x1af: {  	_ =	swait.ge [sflag:s24], $0x80  }
0x1b0: {  	[sflag:s24] =	ssyncset.done $0x0  }
0x1b1: {  	v1 =	vmov s17;
	s21 =	simm.s32 $0x2;
	[sflag:s24] =	ssyncadd.s32 $0xFFFFFF80  }
0x1b2: {  	v1 =	vand.u32 $0xFFFFFFFC, v1;
	v2 =	vmov s21;
	_ =	swait.ge [sflag:s25], $0x80  }
0x1b3: {  	v1 =	vbroadcast v1, $0x0;
	v2 =	vand.u32 $0xFFFFFFFE, v2;
	[sflag:s25] =	ssyncset.done $0x0  }
0x1b4: {  	s18 =	simm.s32 $0xC180;
	v2 =	vbroadcast v2, $0x0;
	[sflag:s25] =	ssyncadd.s32 $0xFFFFFF80  }
0x1b5: {  	[tilespmem:s17], [sflag:$0xA] =	stream.indirect.gather [hbm4b:s1+s26], $0x80, s18, s26, $0xb8;
	[tilespmem:$0x1FD00] =	vst v63  }
0x1b6: {  	_ =	swait.ge [sflag:s10], $0x4000  }
0x1b7: {  	[sflag:s10] =	ssyncset.done $0x0  }
0x1b8: {  	[sflag:s10] =	ssyncadd.s32 $0xFFFFC000  }
0x1b9: {  	v1 =	vld.idx.msk [tilespmem:v1+s22+$0x0], $0xffff  }
0x1ba: {  	s20 =	simm.s32 $0x1;
	s15 =	simm.s32 $0x8100;
	v2 =	vld.idx.msk [tilespmem:v2+s22+$0x0], $0xffff  }
0x1bb: {  	v3 =	vmov s20;
	v4 =	vld [tilespmem:s15+$0x70]  }
0x1bc: {  	v3 =	vand.u32 $0xFFFFFFFD, v3;
	v5 =	vld [tilespmem:s15+$0xFFFFFF00]  }
0x1bd: {  	v3 =	vbroadcast v3, $0x0;
	v6 =	vld [tilespmem:s15+$0xFFFFFF10]  }
0x1be: {  	v7 =	vld [tilespmem:s15+$0xFFFFFF20]  }
0x1bf: {  	v8 =	vld [tilespmem:s15+$0xFFFFFF30]  }
0x1c0: {  	v9 =	vld [tilespmem:s15+$0xFFFFFF40]  }
0x1c1: {  	v10 =	vld [tilespmem:s15+$0xFFFFFF50]  }
0x1c2: {  	v11 =	vld [tilespmem:s15+$0xFFFFFF60];
	v5 =	vmul.f32 v1, v5  }
0x1c3: {  	v3 =	vld.idx.msk [tilespmem:v3+s22+$0x0], $0xffff;
	v4 =	vmul.f32 v2, v4  }
0x1c4: {  	v13 =	vld [tilespmem:s15+$0x40];
	[tilespmem:s15+$0xFFFFFF00] =	vst v5;
	v5 =	vmul.f32 v1, v6  }
0x1c5: {  	v6 =	vld [tilespmem:s15+$0xFFFFFF70];
	[tilespmem:s15+$0x70] =	vst v4;
	v4 =	vmul.f32 v1, v7  }
0x1c6: {  	v7 =	vld [tilespmem:s15+$0xFFFFFF80];
	[tilespmem:s15+$0xFFFFFF10] =	vst v5;
	v5 =	vmul.f32 v1, v8  }
0x1c7: {  	v8 =	vld [tilespmem:s15+$0xFFFFFF90];
	[tilespmem:s15+$0xFFFFFF20] =	vst v4;
	v4 =	vmul.f32 v1, v9  }
0x1c8: {  	v9 =	vld [tilespmem:s15+$0xFFFFFFA0];
	[tilespmem:s15+$0xFFFFFF30] =	vst v5;
	v5 =	vmul.f32 v1, v10  }
0x1c9: {  	v10 =	vld [tilespmem:s15+$0xFFFFFFB0];
	[tilespmem:s15+$0xFFFFFF40] =	vst v4;
	v4 =	vmul.f32 v1, v11  }
0x1ca: {  	v11 =	vld [tilespmem:s15+$0xFFFFFFC0];
	v6 =	vmul.f32 v1, v6;
	[tilespmem:s15+$0xFFFFFF50] =	vst v5  }
0x1cb: {  	v5 =	vmul.f32 v3, v7;
	v7 =	vld [tilespmem:s15+$0xFFFFFFD0];
	[tilespmem:s15+$0xFFFFFF60] =	vst v4  }
0x1cc: {  	s21 =	simm.s32 $0x3;
	v4 =	vld [tilespmem:s15+$0xFFFFFFE0];
	v8 =	vmul.f32 v3, v8;
	[tilespmem:s15+$0xFFFFFF70] =	vst v6  }
0x1cd: {  	v12 =	vmov s21;
	v6 =	vld [tilespmem:s15+$0xFFFFFFF0];
	[tilespmem:s15+$0xFFFFFF80] =	vst v5;
	v5 =	vmul.f32 v3, v9  }
0x1ce: {  	v9 =	vld [tilespmem:s15+$0x0];
	[tilespmem:s15+$0xFFFFFF90] =	vst v8;
	v8 =	vmul.f32 v3, v10  }
0x1cf: {  	v10 =	vld [tilespmem:s15+$0x10];
	[tilespmem:s15+$0xFFFFFFA0] =	vst v5;
	v5 =	vmul.f32 v3, v11  }
0x1d0: {  	[tilespmem:s15+$0xFFFFFFB0] =	vst v8;
	v7 =	vmul.f32 v3, v7;
	v8 =	vld [tilespmem:s15+$0x20]  }
0x1d1: {  	v11 =	vld [tilespmem:s15+$0x30];
	v4 =	vmul.f32 v3, v4;
	[tilespmem:s15+$0xFFFFFFC0] =	vst v5  }
0x1d2: {  	v1 =	vld.idx.msk [tilespmem:v12+s22+$0x0], $0xffff;
	v3 =	vmul.f32 v3, v6;
	[tilespmem:s15+$0xFFFFFFD0] =	vst v7  }
0x1d3: {  	[tilespmem:s15+$0xFFFFFFE0] =	vst v4;
	v5 =	vmul.f32 v2, v9;
	v4 =	vld [tilespmem:s15+$0x50]  }
0x1d4: {  	s18 =	simm.s32 $0x4;
	[tilespmem:s15+$0xFFFFFFF0] =	vst v3;
	v6 =	vmul.f32 v2, v10;
	v3 =	vld [tilespmem:s15+$0x60]  }
0x1d5: {  	s20 =	simm.s32 $0x7;
	v7 =	vmov s18;
	[tilespmem:s15+$0x0] =	vst v5;
	v9 =	vmul.f32 v2, v8;
	v8 =	vld [tilespmem:s15+$0x80]  }
0x1d6: {  	s8 =	simm.s32 $0xC080;
	s21 =	simm.s32 $0x5;
	v12 =	vand.u32 $0xFFFFFFFC, v7;
	v7 =	vld [tilespmem:s15+$0x90];
	v5 =	vmov s20;
	v10 =	vmul.f32 v2, v11;
	[tilespmem:s15+$0x10] =	vst v6  }
0x1d7: {  	s17 =	simm.s32 $0x8100;
	s18 =	simm.s32 $0x8;
	s20 =	simm.s32 $0x6;
	v11 =	vmul.f32 v2, v13;
	v6 =	vbroadcast v12, $0x0;
	v12 =	vmov s21;
	[tilespmem:s15+$0x20] =	vst v9;
	v9 =	vld [tilespmem:s15+$0xA0]  }
.LBB2_9:
0x1d8: {  	p1 =	slt.u32 s18, $0x7C;
	v12 =	vand.u32 $0xFFFFFFFD, v12;
	v13 =	vmov s20;
	[tilespmem:s15+$0x30] =	vst v10;
	v4 =	vmul.f32 v2, v4;
	v10 =	vld [tilespmem:s15+$0xB0]  }
0x1d9: {  	v12 =	vbroadcast v12, $0x0;
	v13 =	vand.u32 $0xFFFFFFFE, v13;
	[tilespmem:s15+$0x40] =	vst v11;
	v2 =	vmul.f32 v2, v3;
	v3 =	vld [tilespmem:s15+$0xC0]  }
0x1da: {  	v11 =	vbroadcast v13, $0x0;
	[tilespmem:s15+$0x50] =	vst v4;
	v4 =	vmul.f32 v1, v8;
	v8 =	vld [tilespmem:s15+$0xD0]  }
0x1db: {  	[tilespmem:s15+$0x60] =	vst v2;
	v2 =	vmul.f32 v1, v7;
	v7 =	vld [tilespmem:s15+$0xE0]  }
0x1dc: {  	[tilespmem:s15+$0x80] =	vst v4;
	v4 =	vmul.f32 v1, v9;
	v9 =	vld [tilespmem:s15+$0xF0]  }
0x1dd: {  	v5 =	vld.idx.msk [tilespmem:v5+s22+$0x0], $0xffff;
	[tilespmem:s15+$0x90] =	vst v2;
	v2 =	vmul.f32 v1, v10  }
0x1de: {  	v6 =	vld.idx.msk [tilespmem:v6+s22+$0x0], $0xffff;
	[tilespmem:s15+$0xA0] =	vst v4;
	v3 =	vmul.f32 v1, v3  }
0x1df: {  	v4 =	vld.idx.msk [tilespmem:v12+s22+$0x0], $0xffff;
	[tilespmem:s15+$0xB0] =	vst v2;
	v8 =	vmul.f32 v1, v8  }
0x1e0: {  	s15 =	sadd.s32 $0x200, s15;
	v2 =	vld.idx.msk [tilespmem:v11+s22+$0x0], $0xffff;
	[tilespmem:s17+$0xC0] =	vst v3;
	v3 =	vmul.f32 v1, v7  }
0x1e1: {  	v7 =	vld [tilespmem:s15+$0x70];
	[tilespmem:s17+$0xD0] =	vst v8;
	v9 =	vmul.f32 v1, v9  }
0x1e2: {  	v8 =	vld [tilespmem:s15+$0xFFFFFF00];
	[tilespmem:s17+$0xE0] =	vst v3  }
0x1e3: {  	v1 =	vmov v5;
	v3 =	vld [tilespmem:s15+$0xFFFFFF10];
	[tilespmem:s17+$0xF0] =	vst v9;
	s17 =	smov.u32 s15  }
0x1e4: {  	v5 =	vld [tilespmem:s15+$0xFFFFFF20]  }
0x1e5: {  	v9 =	vld [tilespmem:s15+$0xFFFFFF30]  }
0x1e6: {  	v10 =	vld [tilespmem:s15+$0xFFFFFF40];
	v7 =	vmul.f32 v2, v7  }
0x1e7: {  	v8 =	vmul.f32 v6, v8;
	v11 =	vld [tilespmem:s15+$0xFFFFFF50]  }
0x1e8: {  	v3 =	vmul.f32 v6, v3;
	v12 =	vld [tilespmem:s15+$0xFFFFFF60];
	[tilespmem:s15+$0x70] =	vst v7  }
0x1e9: {  	[tilespmem:s15+$0xFFFFFF00] =	vst v8;
	v5 =	vmul.f32 v6, v5;
	v7 =	vld [tilespmem:s15+$0xFFFFFF70]  }
0x1ea: {  	[tilespmem:s15+$0xFFFFFF10] =	vst v3;
	v3 =	vmul.f32 v6, v9;
	v8 =	vld [tilespmem:s15+$0xFFFFFF80]  }
0x1eb: {  	[tilespmem:s15+$0xFFFFFF20] =	vst v5;
	v5 =	vmul.f32 v6, v10;
	v9 =	vld [tilespmem:s15+$0xFFFFFF90]  }
0x1ec: {  	[tilespmem:s15+$0xFFFFFF30] =	vst v3;
	v3 =	vmul.f32 v6, v11;
	v10 =	vld [tilespmem:s15+$0xFFFFFFA0]  }
0x1ed: {  	[tilespmem:s15+$0xFFFFFF40] =	vst v5;
	v5 =	vmul.f32 v6, v12;
	v11 =	vld [tilespmem:s15+$0xFFFFFFB0]  }
0x1ee: {  	[tilespmem:s15+$0xFFFFFF50] =	vst v3;
	v3 =	vmul.f32 v6, v7;
	v6 =	vld [tilespmem:s15+$0xFFFFFFC0]  }
0x1ef: {  	[tilespmem:s15+$0xFFFFFF60] =	vst v5;
	v5 =	vmul.f32 v4, v8;
	v7 =	vld [tilespmem:s15+$0xFFFFFFD0]  }
0x1f0: {  	[tilespmem:s15+$0xFFFFFF70] =	vst v3;
	v3 =	vmul.f32 v4, v9;
	v8 =	vld [tilespmem:s15+$0xFFFFFFE0]  }
0x1f1: {  	[tilespmem:s15+$0xFFFFFF80] =	vst v5;
	v5 =	vmul.f32 v4, v10;
	v9 =	vld [tilespmem:s15+$0xFFFFFFF0]  }
0x1f2: {  	[tilespmem:s15+$0xFFFFFF90] =	vst v3;
	v3 =	vmul.f32 v4, v11;
	v10 =	vld [tilespmem:s15+$0x0]  }
0x1f3: {  	[tilespmem:s15+$0xFFFFFFA0] =	vst v5;
	v5 =	vmul.f32 v4, v6;
	v6 =	vld [tilespmem:s15+$0x10]  }
0x1f4: {  	[tilespmem:s15+$0xFFFFFFB0] =	vst v3;
	v3 =	vmul.f32 v4, v7;
	v7 =	vld [tilespmem:s15+$0x20]  }
0x1f5: {  	[tilespmem:s15+$0xFFFFFFC0] =	vst v5;
	v5 =	vmul.f32 v4, v8;
	v11 =	vld [tilespmem:s15+$0x30]  }
0x1f6: {  	[tilespmem:s15+$0xFFFFFFD0] =	vst v3;
	v3 =	vmul.f32 v4, v9;
	v9 =	vld [tilespmem:s15+$0x40]  }
.Ltmp3:
0x1f7: {  	[tilespmem:s15+$0xFFFFFFE0] =	vst v5;
	v5 =	vmul.f32 v2, v10;
	v4 =	vld [tilespmem:s15+$0x50];
	(pc) =	sbr.rel @p1 .LBB2_9-.Ltmp3, $4  }
0x1f8: {  	[tilespmem:s15+$0xFFFFFFF0] =	vst v3;
	v6 =	vmul.f32 v2, v6;
	v3 =	vld [tilespmem:s15+$0x60]  }
0x1f9: {  	s20 =	sadd.s32 $0x3, s18;
	v10 =	vmov s18;
	[tilespmem:s15+$0x0] =	vst v5;
	v13 =	vmul.f32 v2, v7;
	v8 =	vld [tilespmem:s15+$0x80]  }
0x1fa: {  	s21 =	sadd.s32 $0x1, s18;
	v12 =	vand.u32 $0xFFFFFFFC, v10;
	v5 =	vmov s20;
	[tilespmem:s15+$0x10] =	vst v6;
	v10 =	vmul.f32 v2, v11;
	v7 =	vld [tilespmem:s15+$0x90]  }
0x1fb: {  	s20 =	sadd.s32 $0x2, s18;
	s18 =	sadd.s32 $0x4, s18;
	v6 =	vbroadcast v12, $0x0;
	v12 =	vmov s21;
	[tilespmem:s15+$0x20] =	vst v13;
	v11 =	vmul.f32 v2, v9;
	v9 =	vld [tilespmem:s15+$0xA0]  }
0x1fc: {  	v13 =	vld [tilespmem:s15+$0xB0]  }
0x1fd: {  	v15 =	vld [tilespmem:s15+$0xC0]  }
0x1fe: {  	v16 =	vld [tilespmem:s15+$0xD0]  }
0x1ff: {  	v17 =	vld [tilespmem:s15+$0xE0]  }
0x200: {  	v29 =	vld [tilespmem:s15+$0xF0];
	[tilespmem:s15+$0x30] =	vst v10;
	v4 =	vmul.f32 v2, v4  }
0x201: {  	v5 =	vld.idx.msk [tilespmem:v5+s22+$0x0], $0xffff;
	[tilespmem:s15+$0x40] =	vst v11;
	v2 =	vmul.f32 v2, v3  }
0x202: {  	s18 =	sadd.s32 $0x200, s15;
	v3 =	vld.idx.msk [tilespmem:v6+s22+$0x0], $0xffff;
	v8 =	vmul.f32 v1, v8;
	[tilespmem:s15+$0x50] =	vst v4  }
0x203: {  	v14 =	vmov s20;
	v34 =	vld [tilespmem:s18+$0x70];
	v30 =	vmul.f32 v1, v7;
	[tilespmem:s15+$0x60] =	vst v2  }
0x204: {  	v14 =	vand.u32 $0xFFFFFFFE, v14;
	v35 =	vld [tilespmem:s18+$0xFFFFFF00];
	[tilespmem:s15+$0x80] =	vst v8;
	v2 =	vmul.f32 v1, v9  }
0x205: {  	v37 =	vld [tilespmem:s18+$0xFFFFFF10];
	v14 =	vbroadcast v14, $0x0;
	[tilespmem:s15+$0x90] =	vst v30;
	v33 =	vmul.f32 v1, v13  }
0x206: {  	v38 =	vld [tilespmem:s18+$0xFFFFFF20];
	[tilespmem:s15+$0xA0] =	vst v2;
	v2 =	vmul.f32 v1, v15  }
0x207: {  	v12 =	vand.u32 $0xFFFFFFFD, v12;
	v39 =	vld [tilespmem:s18+$0xFFFFFF30];
	v36 =	vmul.f32 v1, v16;
	[tilespmem:s15+$0xB0] =	vst v33  }
0x208: {  	v12 =	vbroadcast v12, $0x0;
	v41 =	vld [tilespmem:s18+$0xFFFFFF50];
	[tilespmem:s17+$0xC0] =	vst v2;
	v2 =	vmul.f32 v1, v17  }
0x209: {  	v43 =	vld [tilespmem:s18+$0xFFFFFF60];
	[tilespmem:s17+$0xD0] =	vst v36;
	v1 =	vmul.f32 v1, v29  }
0x20a: {  	v42 =	vmul.f32 v3, v37;
	[tilespmem:s17+$0xE0] =	vst v2;
	v2 =	vld [tilespmem:s18+$0xFFFFFF40]  }
0x20b: {  	v32 =	vld.idx.msk [tilespmem:v14+s22+$0x0], $0xffff;
	[tilespmem:s17+$0xF0] =	vst v1;
	v1 =	vmul.f32 v3, v35  }
0x20c: {  	v44 =	vld [tilespmem:s18+$0xFFFFFF70];
	v4 =	vmul.f32 v3, v39;
	[tilespmem:s18+$0xFFFFFF10] =	vst v42  }
0x20d: {  	v45 =	vld [tilespmem:s18+$0xFFFFFF80];
	[tilespmem:s18+$0xFFFFFF00] =	vst v1;
	v1 =	vmul.f32 v3, v38  }
0x20e: {  	v46 =	vmul.f32 v3, v41;
	v31 =	vld.idx.msk [tilespmem:v12+s22+$0x0], $0xffff;
	[tilespmem:s18+$0xFFFFFF30] =	vst v4  }
0x20f: {  	[tilespmem:s18+$0xFFFFFF20] =	vst v1;
	v1 =	vmul.f32 v3, v2;
	v2 =	vld [tilespmem:s18+$0xFFFFFF90]  }
0x210: {  	v47 =	vld [tilespmem:s18+$0xFFFFFFA0];
	[tilespmem:s18+$0xFFFFFF50] =	vst v46;
	v40 =	vmul.f32 v32, v34  }
0x211: {  	v48 =	vld [tilespmem:s18+$0xFFFFFFB0];
	[tilespmem:s18+$0xFFFFFF40] =	vst v1;
	v1 =	vmul.f32 v3, v43  }
0x212: {  	v49 =	vld [tilespmem:s18+$0xFFFFFFC0];
	[tilespmem:s18+$0x70] =	vst v40;
	v3 =	vmul.f32 v3, v44  }
0x213: {  	v50 =	vld [tilespmem:s18+$0xFFFFFFD0];
	[tilespmem:s18+$0xFFFFFF60] =	vst v1;
	v1 =	vmul.f32 v31, v45  }
0x214: {  	[tilespmem:s18+$0xFFFFFF70] =	vst v3;
	v3 =	vld [tilespmem:s18+$0xFFFFFFE0];
	v2 =	vmul.f32 v31, v2  }
0x215: {  	v51 =	vld [tilespmem:s18+$0xFFFFFFF0];
	[tilespmem:s18+$0xFFFFFF80] =	vst v1;
	v1 =	vmul.f32 v31, v47  }
0x216: {  	v52 =	vld [tilespmem:s18+$0x0];
	[tilespmem:s18+$0xFFFFFF90] =	vst v2;
	v2 =	vmul.f32 v31, v48  }
0x217: {  	v53 =	vld [tilespmem:s18+$0x10];
	[tilespmem:s18+$0xFFFFFFA0] =	vst v1;
	v1 =	vmul.f32 v31, v49  }
0x218: {  	v54 =	vld [tilespmem:s18+$0x20];
	[tilespmem:s18+$0xFFFFFFB0] =	vst v2;
	v2 =	vmul.f32 v31, v50  }
0x219: {  	[tilespmem:s18+$0xFFFFFFC0] =	vst v1;
	v1 =	vmul.f32 v31, v3;
	v3 =	vld [tilespmem:s18+$0x30]  }
0x21a: {  	v55 =	vld [tilespmem:s18+$0x40];
	[tilespmem:s18+$0xFFFFFFD0] =	vst v2;
	v2 =	vmul.f32 v31, v51  }
0x21b: {  	v56 =	vld [tilespmem:s18+$0x50];
	[tilespmem:s18+$0xFFFFFFE0] =	vst v1;
	v1 =	vmul.f32 v32, v52  }
0x21c: {  	v57 =	vld [tilespmem:s18+$0x60];
	[tilespmem:s18+$0xFFFFFFF0] =	vst v2;
	v2 =	vmul.f32 v32, v53  }
0x21d: {  	v58 =	vld [tilespmem:s18+$0x80];
	[tilespmem:s18+$0x0] =	vst v1;
	v1 =	vmul.f32 v32, v54  }
0x21e: {  	[tilespmem:s18+$0x10] =	vst v2;
	v2 =	vmul.f32 v32, v3;
	v3 =	vld [tilespmem:s18+$0x90]  }
0x21f: {  	v59 =	vld [tilespmem:s18+$0xA0];
	[tilespmem:s18+$0x20] =	vst v1;
	v1 =	vmul.f32 v32, v55  }
0x220: {  	v60 =	vld [tilespmem:s18+$0xB0];
	[tilespmem:s18+$0x30] =	vst v2;
	v2 =	vmul.f32 v32, v56  }
0x221: {  	v61 =	vld [tilespmem:s18+$0xC0];
	[tilespmem:s18+$0x40] =	vst v1;
	v1 =	vmul.f32 v32, v57  }
0x222: {  	v62 =	vld [tilespmem:s18+$0xD0];
	[tilespmem:s18+$0x50] =	vst v2;
	v2 =	vmul.f32 v5, v58  }
0x223: {  	[tilespmem:s18+$0x60] =	vst v1;
	v1 =	vmul.f32 v5, v3;
	v3 =	vld [tilespmem:s18+$0xE0]  }
0x224: {  	v63 =	vld [tilespmem:s18+$0xF0];
	[tilespmem:s18+$0x80] =	vst v2;
	v2 =	vmul.f32 v5, v59  }
0x225: {  	[tilespmem:s18+$0x90] =	vst v1;
	v1 =	vmul.f32 v5, v60  }
0x226: {  	[tilespmem:s18+$0xA0] =	vst v2;
	v2 =	vmul.f32 v5, v61  }
0x227: {  	[tilespmem:s18+$0xB0] =	vst v1;
	v1 =	vmul.f32 v5, v62  }
0x228: {  	[tilespmem:s18+$0xC0] =	vst v2;
	v2 =	vmul.f32 v5, v3  }
0x229: {  	[tilespmem:s18+$0xD0] =	vst v1;
	v1 =	vmul.f32 v5, v63  }
0x22a: {  	[tilespmem:s18+$0xE0] =	vst v2  }
0x22b: {  	s21 =	simm.s32 $0xC100;
	[tilespmem:s18+$0xF0] =	vst v1;
	s18 =	simm.s32 $0x8000  }
0x22c: {  	[spmem:s2] =	stream.indirect.scatter.add.f32 [tilespmem:s18], [sflag:$0xD], $0x80, s21, s26, $0xb8;
	[tilespmem:$0x1FD00] =	vst v63  }
0x22d: {  	_ =	swait.ge [sflag:s13], $0x4000  }
0x22e: {  	s20 =	sld [smem:$0x7FA];
	_ =	sdelay $0x2  }
0x22f: {  	s15 =	sadd.s32 s14, s20  }
0x230: {  	[sflag:s13] =	ssyncset.done $0x0;
	s17 =	sld [smem:$0x7FB];
	s15 =	sshrl.u32 s15, $0x3  }
0x231: {  	[sflag:s13] =	ssyncadd.s32 $0xFFFFC000;
	s20 =	sld [smem:$0x7FC];
	s15 =	sadd.s32 s5, s15  }
0x232: {  	[tilespmem:s21], [sflag:$0x3] =	stream.linear.gather [hbm4b:s15+s4], $0x80, $0x38;
	[tilespmem:$0x1FD00] =	vst v63  }
0x233: {  	s15 =	sadd.s32 s14, s17  }
0x234: {  	s17 =	sadd.s32 s14, s20;
	s15 =	sshrl.u32 s15, $0x3  }
0x235: {  	s18 =	simm.s32 $0xC280;
	s14 =	sshrl.u32 s17, $0x3;
	s15 =	sadd.s32 s5, s15  }
0x236: {  	[tilespmem:s18], [sflag:$0x6] =	stream.linear.gather [hbm4b:s15+s4], $0x80, $0x38;
	[tilespmem:$0x1FD00] =	vst v63  }
0x237: {  	s14 =	sadd.s32 s5, s14  }
0x238: {  	[tilespmem:s22], [sflag:$0x9] =	stream.linear.gather [hbm4b:s14+s4], $0x80, $0x38;
	[tilespmem:$0x1FD00] =	vst v63  }
0x239: {  	_ =	swait.ge [sflag:s28], $0x80  }
0x23a: {  	[sflag:s28] =	ssyncset.done $0x0  }
0x23b: {  	[sflag:s28] =	ssyncadd.s32 $0xFFFFFF80  }
0x23c: {  	s12 =	sadd.s32 $0x1, s12;
	_ =	swait.ge [sflag:s29], $0x80  }
0x23d: {  	p1 =	sne.s32 s12, $0x1A;
	[sflag:s29] =	ssyncset.done $0x0  }
.Ltmp4:
0x23e: {  	[sflag:s29] =	ssyncadd.s32 $0xFFFFFF80;
	(pc) =	sbr.rel @p1 .LBB2_4-.Ltmp4, $4  }
0x23f: {  	_ =	swait.ge [sflag:s30], $0x80  }
0x240: {  	[sflag:s30] =	ssyncset.done $0x0  }
0x241: {  	s20 =	simm.s32 $0x4000;
	s18 =	simm.s32 $0xC200;
	[sflag:s30] =	ssyncadd.s32 $0xFFFFFF80  }
0x242: {  	[tilespmem:s20], [sflag:$0xB] =	stream.indirect.gather [hbm4b:s1+s26], $0x80, s18, s26, $0xb8;
	[tilespmem:$0x1FD00] =	vst v63  }
0x243: {  	s11 =	simm.s32 $0x0  }
0x244: {  	s15 =	simm.s32 $0x2;
	v1 =	vmov s11  }
0x245: {  	_ =	swait.ge [sflag:s0], $0x4000;
	v2 =	vmov s15;
	v1 =	vand.u32 $0xFFFFFFFC, v1  }
0x246: {  	[sflag:s0] =	ssyncset.done $0x0;
	v2 =	vand.u32 $0xFFFFFFFE, v2;
	v1 =	vbroadcast v1, $0x0  }
0x247: {  	s11 =	simm.s32 $0x100;
	[sflag:s0] =	ssyncadd.s32 $0xFFFFC000;
	v2 =	vbroadcast v2, $0x0  }
0x248: {  	v4 =	vld [tilespmem:s11+$0x70]  }
0x249: {  	v5 =	vld [tilespmem:s11+$0xFFFFFF00]  }
0x24a: {  	s12 =	simm.s32 $0x1;
	v6 =	vld [tilespmem:s11+$0xFFFFFF10]  }
0x24b: {  	v3 =	vmov s12;
	v7 =	vld [tilespmem:s11+$0xFFFFFF20]  }
0x24c: {  	v3 =	vand.u32 $0xFFFFFFFD, v3;
	v1 =	vld.idx.msk [tilespmem:v1+s16+$0x0], $0xffff  }
0x24d: {  	v3 =	vbroadcast v3, $0x0;
	v2 =	vld.idx.msk [tilespmem:v2+s16+$0x0], $0xffff  }
0x24e: {  	v8 =	vld [tilespmem:s11+$0xFFFFFF30]  }
0x24f: {  	v9 =	vld [tilespmem:s11+$0xFFFFFF40]  }
0x250: {  	v10 =	vld [tilespmem:s11+$0xFFFFFF50]  }
0x251: {  	v11 =	vld [tilespmem:s11+$0xFFFFFF60];
	v5 =	vmul.f32 v1, v5  }
0x252: {  	v13 =	vld [tilespmem:s11+$0x40];
	v4 =	vmul.f32 v2, v4  }
0x253: {  	v3 =	vld.idx.msk [tilespmem:v3+s16+$0x0], $0xffff;
	[tilespmem:s11+$0xFFFFFF00] =	vst v5;
	v5 =	vmul.f32 v1, v6  }
0x254: {  	v6 =	vld [tilespmem:s11+$0xFFFFFF70];
	[tilespmem:s11+$0x70] =	vst v4;
	v4 =	vmul.f32 v1, v7  }
0x255: {  	v7 =	vld [tilespmem:s11+$0xFFFFFF80];
	[tilespmem:s11+$0xFFFFFF10] =	vst v5;
	v5 =	vmul.f32 v1, v8  }
0x256: {  	v8 =	vld [tilespmem:s11+$0xFFFFFF90];
	[tilespmem:s11+$0xFFFFFF20] =	vst v4;
	v4 =	vmul.f32 v1, v9  }
0x257: {  	v9 =	vld [tilespmem:s11+$0xFFFFFFA0];
	[tilespmem:s11+$0xFFFFFF30] =	vst v5;
	v5 =	vmul.f32 v1, v10  }
0x258: {  	v10 =	vld [tilespmem:s11+$0xFFFFFFB0];
	[tilespmem:s11+$0xFFFFFF40] =	vst v4;
	v4 =	vmul.f32 v1, v11  }
0x259: {  	v11 =	vld [tilespmem:s11+$0xFFFFFFC0];
	v6 =	vmul.f32 v1, v6;
	[tilespmem:s11+$0xFFFFFF50] =	vst v5  }
0x25a: {  	v5 =	vmul.f32 v3, v7;
	v7 =	vld [tilespmem:s11+$0xFFFFFFD0];
	[tilespmem:s11+$0xFFFFFF60] =	vst v4  }
0x25b: {  	s17 =	simm.s32 $0x3;
	v4 =	vld [tilespmem:s11+$0xFFFFFFE0];
	v8 =	vmul.f32 v3, v8;
	[tilespmem:s11+$0xFFFFFF70] =	vst v6  }
0x25c: {  	v12 =	vmov s17;
	v6 =	vld [tilespmem:s11+$0xFFFFFFF0];
	[tilespmem:s11+$0xFFFFFF80] =	vst v5;
	v5 =	vmul.f32 v3, v9  }
0x25d: {  	v9 =	vld [tilespmem:s11+$0x0];
	[tilespmem:s11+$0xFFFFFF90] =	vst v8;
	v8 =	vmul.f32 v3, v10  }
0x25e: {  	v10 =	vld [tilespmem:s11+$0x10];
	[tilespmem:s11+$0xFFFFFFA0] =	vst v5;
	v5 =	vmul.f32 v3, v11  }
0x25f: {  	[tilespmem:s11+$0xFFFFFFB0] =	vst v8;
	v7 =	vmul.f32 v3, v7;
	v8 =	vld [tilespmem:s11+$0x20]  }
0x260: {  	v11 =	vld [tilespmem:s11+$0x30];
	v4 =	vmul.f32 v3, v4;
	[tilespmem:s11+$0xFFFFFFC0] =	vst v5  }
0x261: {  	v1 =	vld.idx.msk [tilespmem:v12+s16+$0x0], $0xffff;
	v3 =	vmul.f32 v3, v6;
	[tilespmem:s11+$0xFFFFFFD0] =	vst v7  }
0x262: {  	[tilespmem:s11+$0xFFFFFFE0] =	vst v4;
	v5 =	vmul.f32 v2, v9;
	v4 =	vld [tilespmem:s11+$0x50]  }
0x263: {  	s18 =	simm.s32 $0x4;
	[tilespmem:s11+$0xFFFFFFF0] =	vst v3;
	v6 =	vmul.f32 v2, v10;
	v3 =	vld [tilespmem:s11+$0x60]  }
0x264: {  	s20 =	simm.s32 $0x7;
	v7 =	vmov s18;
	[tilespmem:s11+$0x0] =	vst v5;
	v9 =	vmul.f32 v2, v8;
	v8 =	vld [tilespmem:s11+$0x80]  }
0x265: {  	s14 =	simm.s32 $0x5;
	v12 =	vand.u32 $0xFFFFFFFC, v7;
	v7 =	vld [tilespmem:s11+$0x90];
	v5 =	vmov s20;
	v10 =	vmul.f32 v2, v11;
	[tilespmem:s11+$0x10] =	vst v6  }
0x266: {  	s15 =	simm.s32 $0x6;
	s12 =	simm.s32 $0x100;
	v11 =	vmul.f32 v2, v13;
	v6 =	vbroadcast v12, $0x0;
	v12 =	vmov s14;
	s14 =	simm.s32 $0x8;
	[tilespmem:s11+$0x20] =	vst v9;
	v9 =	vld [tilespmem:s11+$0xA0]  }
.LBB2_12:
0x267: {  	p1 =	slt.u32 s14, $0x7C;
	v12 =	vand.u32 $0xFFFFFFFD, v12;
	v13 =	vmov s15;
	[tilespmem:s11+$0x30] =	vst v10;
	v4 =	vmul.f32 v2, v4;
	v10 =	vld [tilespmem:s11+$0xB0]  }
0x268: {  	v12 =	vbroadcast v12, $0x0;
	v13 =	vand.u32 $0xFFFFFFFE, v13;
	[tilespmem:s11+$0x40] =	vst v11;
	v2 =	vmul.f32 v2, v3;
	v3 =	vld [tilespmem:s11+$0xC0]  }
0x269: {  	v11 =	vbroadcast v13, $0x0;
	[tilespmem:s11+$0x50] =	vst v4;
	v4 =	vmul.f32 v1, v8;
	v8 =	vld [tilespmem:s11+$0xD0]  }
0x26a: {  	[tilespmem:s11+$0x60] =	vst v2;
	v2 =	vmul.f32 v1, v7;
	v7 =	vld [tilespmem:s11+$0xE0]  }
0x26b: {  	[tilespmem:s11+$0x80] =	vst v4;
	v4 =	vmul.f32 v1, v9;
	v9 =	vld [tilespmem:s11+$0xF0]  }
0x26c: {  	v5 =	vld.idx.msk [tilespmem:v5+s16+$0x0], $0xffff;
	[tilespmem:s11+$0x90] =	vst v2;
	v2 =	vmul.f32 v1, v10  }
0x26d: {  	v6 =	vld.idx.msk [tilespmem:v6+s16+$0x0], $0xffff;
	[tilespmem:s11+$0xA0] =	vst v4;
	v3 =	vmul.f32 v1, v3  }
0x26e: {  	v4 =	vld.idx.msk [tilespmem:v12+s16+$0x0], $0xffff;
	[tilespmem:s11+$0xB0] =	vst v2;
	v8 =	vmul.f32 v1, v8  }
0x26f: {  	s11 =	sadd.s32 $0x200, s11;
	v2 =	vld.idx.msk [tilespmem:v11+s16+$0x0], $0xffff;
	[tilespmem:s12+$0xC0] =	vst v3;
	v3 =	vmul.f32 v1, v7  }
0x270: {  	v7 =	vld [tilespmem:s11+$0x70];
	[tilespmem:s12+$0xD0] =	vst v8;
	v9 =	vmul.f32 v1, v9  }
0x271: {  	v8 =	vld [tilespmem:s11+$0xFFFFFF00];
	[tilespmem:s12+$0xE0] =	vst v3  }
0x272: {  	v1 =	vmov v5;
	v3 =	vld [tilespmem:s11+$0xFFFFFF10];
	[tilespmem:s12+$0xF0] =	vst v9;
	s12 =	smov.u32 s11  }
0x273: {  	v5 =	vld [tilespmem:s11+$0xFFFFFF20]  }
0x274: {  	v9 =	vld [tilespmem:s11+$0xFFFFFF30]  }
0x275: {  	v10 =	vld [tilespmem:s11+$0xFFFFFF40];
	v7 =	vmul.f32 v2, v7  }
0x276: {  	v8 =	vmul.f32 v6, v8;
	v11 =	vld [tilespmem:s11+$0xFFFFFF50]  }
0x277: {  	v3 =	vmul.f32 v6, v3;
	v12 =	vld [tilespmem:s11+$0xFFFFFF60];
	[tilespmem:s11+$0x70] =	vst v7  }
0x278: {  	[tilespmem:s11+$0xFFFFFF00] =	vst v8;
	v5 =	vmul.f32 v6, v5;
	v7 =	vld [tilespmem:s11+$0xFFFFFF70]  }
0x279: {  	[tilespmem:s11+$0xFFFFFF10] =	vst v3;
	v3 =	vmul.f32 v6, v9;
	v8 =	vld [tilespmem:s11+$0xFFFFFF80]  }
0x27a: {  	[tilespmem:s11+$0xFFFFFF20] =	vst v5;
	v5 =	vmul.f32 v6, v10;
	v9 =	vld [tilespmem:s11+$0xFFFFFF90]  }
0x27b: {  	[tilespmem:s11+$0xFFFFFF30] =	vst v3;
	v3 =	vmul.f32 v6, v11;
	v10 =	vld [tilespmem:s11+$0xFFFFFFA0]  }
0x27c: {  	[tilespmem:s11+$0xFFFFFF40] =	vst v5;
	v5 =	vmul.f32 v6, v12;
	v11 =	vld [tilespmem:s11+$0xFFFFFFB0]  }
0x27d: {  	[tilespmem:s11+$0xFFFFFF50] =	vst v3;
	v3 =	vmul.f32 v6, v7;
	v6 =	vld [tilespmem:s11+$0xFFFFFFC0]  }
0x27e: {  	[tilespmem:s11+$0xFFFFFF60] =	vst v5;
	v5 =	vmul.f32 v4, v8;
	v7 =	vld [tilespmem:s11+$0xFFFFFFD0]  }
0x27f: {  	[tilespmem:s11+$0xFFFFFF70] =	vst v3;
	v3 =	vmul.f32 v4, v9;
	v8 =	vld [tilespmem:s11+$0xFFFFFFE0]  }
0x280: {  	[tilespmem:s11+$0xFFFFFF80] =	vst v5;
	v5 =	vmul.f32 v4, v10;
	v9 =	vld [tilespmem:s11+$0xFFFFFFF0]  }
0x281: {  	[tilespmem:s11+$0xFFFFFF90] =	vst v3;
	v3 =	vmul.f32 v4, v11;
	v10 =	vld [tilespmem:s11+$0x0]  }
0x282: {  	[tilespmem:s11+$0xFFFFFFA0] =	vst v5;
	v5 =	vmul.f32 v4, v6;
	v6 =	vld [tilespmem:s11+$0x10]  }
0x283: {  	[tilespmem:s11+$0xFFFFFFB0] =	vst v3;
	v3 =	vmul.f32 v4, v7;
	v7 =	vld [tilespmem:s11+$0x20]  }
0x284: {  	[tilespmem:s11+$0xFFFFFFC0] =	vst v5;
	v5 =	vmul.f32 v4, v8;
	v11 =	vld [tilespmem:s11+$0x30]  }
0x285: {  	[tilespmem:s11+$0xFFFFFFD0] =	vst v3;
	v3 =	vmul.f32 v4, v9;
	v9 =	vld [tilespmem:s11+$0x40]  }
.Ltmp5:
0x286: {  	[tilespmem:s11+$0xFFFFFFE0] =	vst v5;
	v5 =	vmul.f32 v2, v10;
	v4 =	vld [tilespmem:s11+$0x50];
	(pc) =	sbr.rel @p1 .LBB2_12-.Ltmp5, $4  }
0x287: {  	[tilespmem:s11+$0xFFFFFFF0] =	vst v3;
	v6 =	vmul.f32 v2, v6;
	v3 =	vld [tilespmem:s11+$0x60]  }
0x288: {  	s15 =	sadd.s32 $0x3, s14;
	v10 =	vmov s14;
	[tilespmem:s11+$0x0] =	vst v5;
	v13 =	vmul.f32 v2, v7;
	v8 =	vld [tilespmem:s11+$0x80]  }
0x289: {  	s17 =	sadd.s32 $0x1, s14;
	v12 =	vand.u32 $0xFFFFFFFC, v10;
	v5 =	vmov s15;
	[tilespmem:s11+$0x10] =	vst v6;
	v10 =	vmul.f32 v2, v11;
	v7 =	vld [tilespmem:s11+$0x90]  }
0x28a: {  	s15 =	sadd.s32 $0x2, s14;
	s14 =	sadd.s32 $0x4, s14;
	v6 =	vbroadcast v12, $0x0;
	v12 =	vmov s17;
	[tilespmem:s11+$0x20] =	vst v13;
	v11 =	vmul.f32 v2, v9;
	v9 =	vld [tilespmem:s11+$0xA0]  }
0x28b: {  	v13 =	vld [tilespmem:s11+$0xB0]  }
0x28c: {  	v15 =	vld [tilespmem:s11+$0xC0]  }
0x28d: {  	v14 =	vmov s15;
	v16 =	vld [tilespmem:s11+$0xD0]  }
0x28e: {  	v17 =	vld [tilespmem:s11+$0xE0];
	[tilespmem:s11+$0x30] =	vst v10;
	v4 =	vmul.f32 v2, v4;
	v14 =	vand.u32 $0xFFFFFFFE, v14  }
0x28f: {  	v12 =	vand.u32 $0xFFFFFFFD, v12;
	v5 =	vld.idx.msk [tilespmem:v5+s16+$0x0], $0xffff;
	[tilespmem:s11+$0x40] =	vst v11;
	v2 =	vmul.f32 v2, v3;
	v14 =	vbroadcast v14, $0x0  }
0x290: {  	s14 =	sadd.s32 $0x200, s11;
	v12 =	vbroadcast v12, $0x0;
	v3 =	vld.idx.msk [tilespmem:v6+s16+$0x0], $0xffff;
	v8 =	vmul.f32 v1, v8;
	[tilespmem:s11+$0x50] =	vst v4  }
0x291: {  	v10 =	vld [tilespmem:s14+$0xFFFFFF00];
	v4 =	vmul.f32 v1, v7;
	[tilespmem:s11+$0x60] =	vst v2  }
0x292: {  	[tilespmem:s11+$0x80] =	vst v8;
	v8 =	vld [tilespmem:s11+$0xF0];
	v2 =	vmul.f32 v1, v9  }
0x293: {  	v11 =	vld [tilespmem:s14+$0xFFFFFF10];
	[tilespmem:s11+$0x90] =	vst v4;
	v4 =	vmul.f32 v1, v13  }
0x294: {  	v9 =	vld [tilespmem:s14+$0x70];
	[tilespmem:s11+$0xA0] =	vst v2;
	v2 =	vmul.f32 v1, v15  }
0x295: {  	[tilespmem:s11+$0xB0] =	vst v4;
	v4 =	vmul.f32 v1, v16;
	v7 =	vld.idx.msk [tilespmem:v14+s16+$0x0], $0xffff  }
0x296: {  	v6 =	vld.idx.msk [tilespmem:v12+s16+$0x0], $0xffff;
	[tilespmem:s12+$0xC0] =	vst v2;
	v2 =	vmul.f32 v1, v17  }
0x297: {  	v12 =	vld [tilespmem:s14+$0xFFFFFF20];
	[tilespmem:s12+$0xD0] =	vst v4;
	v1 =	vmul.f32 v1, v8  }
0x298: {  	v4 =	vld [tilespmem:s14+$0xFFFFFF30];
	[tilespmem:s12+$0xE0] =	vst v2  }
0x299: {  	v2 =	vld [tilespmem:s14+$0xFFFFFF40];
	[tilespmem:s12+$0xF0] =	vst v1;
	v1 =	vmul.f32 v3, v10  }
0x29a: {  	v8 =	vmul.f32 v7, v9;
	v9 =	vld [tilespmem:s14+$0xFFFFFF50]  }
0x29b: {  	v10 =	vmul.f32 v3, v11;
	v11 =	vld [tilespmem:s14+$0xFFFFFF60];
	[tilespmem:s14+$0xFFFFFF00] =	vst v1  }
0x29c: {  	v1 =	vmul.f32 v3, v12;
	[tilespmem:s14+$0x70] =	vst v8;
	v8 =	vld [tilespmem:s14+$0xFFFFFF70]  }
0x29d: {  	[tilespmem:s14+$0xFFFFFF10] =	vst v10;
	v10 =	vld [tilespmem:s14+$0xFFFFFF80];
	v4 =	vmul.f32 v3, v4  }
0x29e: {  	[tilespmem:s14+$0xFFFFFF20] =	vst v1;
	v1 =	vmul.f32 v3, v2;
	v2 =	vld [tilespmem:s14+$0xFFFFFF90]  }
0x29f: {  	[tilespmem:s14+$0xFFFFFF30] =	vst v4;
	v4 =	vmul.f32 v3, v9;
	v9 =	vld [tilespmem:s14+$0xFFFFFFA0]  }
0x2a0: {  	[tilespmem:s14+$0xFFFFFF40] =	vst v1;
	v1 =	vmul.f32 v3, v11;
	v11 =	vld [tilespmem:s14+$0xFFFFFFB0]  }
0x2a1: {  	[tilespmem:s14+$0xFFFFFF50] =	vst v4;
	v3 =	vmul.f32 v3, v8;
	v4 =	vld [tilespmem:s14+$0xFFFFFFC0]  }
0x2a2: {  	[tilespmem:s14+$0xFFFFFF60] =	vst v1;
	v1 =	vmul.f32 v6, v10;
	v8 =	vld [tilespmem:s14+$0xFFFFFFD0]  }
0x2a3: {  	v2 =	vmul.f32 v6, v2;
	[tilespmem:s14+$0xFFFFFF70] =	vst v3;
	v3 =	vld [tilespmem:s14+$0xFFFFFFE0]  }
0x2a4: {  	[tilespmem:s14+$0xFFFFFF80] =	vst v1;
	v1 =	vmul.f32 v6, v9;
	v9 =	vld [tilespmem:s14+$0xFFFFFFF0]  }
0x2a5: {  	v10 =	vld [tilespmem:s14+$0x0];
	[tilespmem:s14+$0xFFFFFF90] =	vst v2;
	v2 =	vmul.f32 v6, v11  }
0x2a6: {  	[tilespmem:s14+$0xFFFFFFA0] =	vst v1;
	v1 =	vmul.f32 v6, v4;
	v4 =	vld [tilespmem:s14+$0x10]  }
0x2a7: {  	[tilespmem:s14+$0xFFFFFFB0] =	vst v2;
	v2 =	vmul.f32 v6, v8;
	v8 =	vld [tilespmem:s14+$0x20]  }
0x2a8: {  	[tilespmem:s14+$0xFFFFFFC0] =	vst v1;
	v1 =	vmul.f32 v6, v3;
	v3 =	vld [tilespmem:s14+$0x30]  }
0x2a9: {  	[tilespmem:s14+$0xFFFFFFD0] =	vst v2;
	v2 =	vmul.f32 v6, v9;
	v6 =	vld [tilespmem:s14+$0x40]  }
0x2aa: {  	v9 =	vld [tilespmem:s14+$0x50];
	[tilespmem:s14+$0xFFFFFFE0] =	vst v1;
	v1 =	vmul.f32 v7, v10  }
0x2ab: {  	[tilespmem:s14+$0xFFFFFFF0] =	vst v2;
	v2 =	vmul.f32 v7, v4;
	v4 =	vld [tilespmem:s14+$0x60]  }
0x2ac: {  	[tilespmem:s14+$0x0] =	vst v1;
	v1 =	vmul.f32 v7, v8;
	v8 =	vld [tilespmem:s14+$0x80]  }
0x2ad: {  	[tilespmem:s14+$0x10] =	vst v2;
	v2 =	vmul.f32 v7, v3;
	v3 =	vld [tilespmem:s14+$0x90]  }
0x2ae: {  	[tilespmem:s14+$0x20] =	vst v1;
	v1 =	vmul.f32 v7, v6;
	v6 =	vld [tilespmem:s14+$0xA0]  }
0x2af: {  	[tilespmem:s14+$0x30] =	vst v2;
	v2 =	vmul.f32 v7, v9;
	v9 =	vld [tilespmem:s14+$0xB0]  }
0x2b0: {  	[tilespmem:s14+$0x40] =	vst v1;
	v1 =	vmul.f32 v7, v4;
	v4 =	vld [tilespmem:s14+$0xC0]  }
0x2b1: {  	v7 =	vld [tilespmem:s14+$0xD0];
	[tilespmem:s14+$0x50] =	vst v2;
	v2 =	vmul.f32 v5, v8  }
0x2b2: {  	[tilespmem:s14+$0x60] =	vst v1;
	v1 =	vmul.f32 v5, v3;
	v3 =	vld [tilespmem:s14+$0xE0]  }
0x2b3: {  	[tilespmem:s14+$0x80] =	vst v2;
	v2 =	vmul.f32 v5, v6;
	v6 =	vld [tilespmem:s14+$0xF0]  }
0x2b4: {  	[tilespmem:s14+$0x90] =	vst v1;
	v1 =	vmul.f32 v5, v9  }
0x2b5: {  	[tilespmem:s14+$0xA0] =	vst v2;
	v2 =	vmul.f32 v5, v4  }
0x2b6: {  	[tilespmem:s14+$0xB0] =	vst v1;
	v1 =	vmul.f32 v5, v7  }
0x2b7: {  	[tilespmem:s14+$0xC0] =	vst v2;
	v2 =	vmul.f32 v5, v3  }
0x2b8: {  	[tilespmem:s14+$0xD0] =	vst v1;
	v1 =	vmul.f32 v5, v6  }
0x2b9: {  	[tilespmem:s14+$0xE0] =	vst v2  }
0x2ba: {  	s15 =	simm.s32 $0x0;
	[tilespmem:s14+$0xF0] =	vst v1  }
0x2bb: {  	[spmem:s2] =	stream.indirect.scatter.add.f32 [tilespmem:s15], [sflag:$0xD], $0x80, s31, s26, $0xb8;
	[tilespmem:$0x1FD00] =	vst v63  }
0x2bc: {  	_ =	swait.ge [sflag:s13], $0x4000  }
0x2bd: {  	[sflag:s13] =	ssyncset.done $0x0  }
0x2be: {  	[sflag:s13] =	ssyncadd.s32 $0xFFFFC000  }
0x2bf: {  	_ =	swait.ge [sflag:s3], $0x80  }
0x2c0: {  	[sflag:s3] =	ssyncset.done $0x0  }
0x2c1: {  	[sflag:s3] =	ssyncadd.s32 $0xFFFFFF80  }
0x2c2: {  	_ =	swait.ge [sflag:s6], $0x80  }
0x2c3: {  	[sflag:s6] =	ssyncset.done $0x0  }
0x2c4: {  	s17 =	simm.s32 $0x2;
	v1 =	vmov s15;
	[sflag:s6] =	ssyncadd.s32 $0xFFFFFF80  }
0x2c5: {  	v2 =	vmov s17;
	v1 =	vand.u32 $0xFFFFFFFC, v1;
	_ =	swait.ge [sflag:s7], $0x80  }
0x2c6: {  	v2 =	vand.u32 $0xFFFFFFFE, v2;
	v1 =	vbroadcast v1, $0x0;
	[sflag:s7] =	ssyncset.done $0x0  }
0x2c7: {  	s18 =	simm.s32 $0xC280;
	s20 =	simm.s32 $0x8000;
	v2 =	vbroadcast v2, $0x0;
	[sflag:s7] =	ssyncadd.s32 $0xFFFFFF80  }
0x2c8: {  	[tilespmem:s20], [sflag:$0xC] =	stream.indirect.gather [hbm4b:s1+s26], $0x80, s18, s26, $0xb8;
	[tilespmem:$0x1FD00] =	vst v63  }
0x2c9: {  	_ =	swait.ge [sflag:s9], $0x4000  }
0x2ca: {  	[sflag:s9] =	ssyncset.done $0x0  }
0x2cb: {  	[sflag:s9] =	ssyncadd.s32 $0xFFFFC000  }
0x2cc: {  	v1 =	vld.idx.msk [tilespmem:v1+s19+$0x0], $0xffff  }
0x2cd: {  	s11 =	simm.s32 $0x4100;
	s14 =	simm.s32 $0x1;
	v2 =	vld.idx.msk [tilespmem:v2+s19+$0x0], $0xffff  }
0x2ce: {  	v3 =	vmov s14;
	v4 =	vld [tilespmem:s11+$0x70]  }
0x2cf: {  	v3 =	vand.u32 $0xFFFFFFFD, v3;
	v5 =	vld [tilespmem:s11+$0xFFFFFF00]  }
0x2d0: {  	v3 =	vbroadcast v3, $0x0;
	v6 =	vld [tilespmem:s11+$0xFFFFFF10]  }
0x2d1: {  	v7 =	vld [tilespmem:s11+$0xFFFFFF20]  }
0x2d2: {  	v8 =	vld [tilespmem:s11+$0xFFFFFF30]  }
0x2d3: {  	v9 =	vld [tilespmem:s11+$0xFFFFFF40]  }
0x2d4: {  	v10 =	vld [tilespmem:s11+$0xFFFFFF50];
	v5 =	vmul.f32 v1, v5  }
0x2d5: {  	v11 =	vld [tilespmem:s11+$0xFFFFFF60];
	v4 =	vmul.f32 v2, v4  }
0x2d6: {  	v3 =	vld.idx.msk [tilespmem:v3+s19+$0x0], $0xffff;
	[tilespmem:s11+$0xFFFFFF00] =	vst v5;
	v5 =	vmul.f32 v1, v6  }
0x2d7: {  	v6 =	vld [tilespmem:s11+$0xFFFFFF70];
	[tilespmem:s11+$0x70] =	vst v4;
	v4 =	vmul.f32 v1, v7  }
0x2d8: {  	v7 =	vld [tilespmem:s11+$0xFFFFFF80];
	[tilespmem:s11+$0xFFFFFF10] =	vst v5;
	v5 =	vmul.f32 v1, v8  }
0x2d9: {  	v8 =	vld [tilespmem:s11+$0xFFFFFF90];
	[tilespmem:s11+$0xFFFFFF20] =	vst v4;
	v4 =	vmul.f32 v1, v9  }
0x2da: {  	v9 =	vld [tilespmem:s11+$0xFFFFFFA0];
	[tilespmem:s11+$0xFFFFFF30] =	vst v5;
	v5 =	vmul.f32 v1, v10  }
0x2db: {  	v10 =	vld [tilespmem:s11+$0xFFFFFFB0];
	[tilespmem:s11+$0xFFFFFF40] =	vst v4;
	v4 =	vmul.f32 v1, v11  }
0x2dc: {  	v11 =	vld [tilespmem:s11+$0xFFFFFFC0];
	v6 =	vmul.f32 v1, v6;
	[tilespmem:s11+$0xFFFFFF50] =	vst v5  }
0x2dd: {  	v5 =	vmul.f32 v3, v7;
	v7 =	vld [tilespmem:s11+$0xFFFFFFD0];
	[tilespmem:s11+$0xFFFFFF60] =	vst v4  }
0x2de: {  	v4 =	vld [tilespmem:s11+$0xFFFFFFE0];
	v8 =	vmul.f32 v3, v8;
	[tilespmem:s11+$0xFFFFFF70] =	vst v6  }
0x2df: {  	s15 =	simm.s32 $0x3;
	v6 =	vld [tilespmem:s11+$0xFFFFFFF0];
	[tilespmem:s11+$0xFFFFFF80] =	vst v5;
	v5 =	vmul.f32 v3, v9  }
0x2e0: {  	v12 =	vmov s15;
	v9 =	vld [tilespmem:s11+$0x0];
	[tilespmem:s11+$0xFFFFFF90] =	vst v8;
	v8 =	vmul.f32 v3, v10  }
0x2e1: {  	v10 =	vld [tilespmem:s11+$0x10];
	[tilespmem:s11+$0xFFFFFFA0] =	vst v5;
	v5 =	vmul.f32 v3, v11  }
0x2e2: {  	[tilespmem:s11+$0xFFFFFFB0] =	vst v8;
	v7 =	vmul.f32 v3, v7;
	v8 =	vld [tilespmem:s11+$0x20]  }
0x2e3: {  	v13 =	vld [tilespmem:s11+$0x40];
	v4 =	vmul.f32 v3, v4;
	[tilespmem:s11+$0xFFFFFFC0] =	vst v5  }
0x2e4: {  	v11 =	vld [tilespmem:s11+$0x30];
	v3 =	vmul.f32 v3, v6;
	[tilespmem:s11+$0xFFFFFFD0] =	vst v7  }
0x2e5: {  	v1 =	vld.idx.msk [tilespmem:v12+s19+$0x0], $0xffff;
	[tilespmem:s11+$0xFFFFFFE0] =	vst v4;
	v5 =	vmul.f32 v2, v9  }
0x2e6: {  	v4 =	vld [tilespmem:s11+$0x50];
	[tilespmem:s11+$0xFFFFFFF0] =	vst v3;
	v6 =	vmul.f32 v2, v10  }
0x2e7: {  	s17 =	simm.s32 $0x4;
	v3 =	vld [tilespmem:s11+$0x60];
	[tilespmem:s11+$0x0] =	vst v5;
	v9 =	vmul.f32 v2, v8  }
0x2e8: {  	s18 =	simm.s32 $0x7;
	v7 =	vmov s17;
	v8 =	vld [tilespmem:s11+$0x80];
	[tilespmem:s11+$0x10] =	vst v6  }
0x2e9: {  	s12 =	simm.s32 $0x4100;
	s20 =	simm.s32 $0x5;
	v12 =	vand.u32 $0xFFFFFFFC, v7;
	v7 =	vld [tilespmem:s11+$0x90];
	v5 =	vmov s18;
	v10 =	vmul.f32 v2, v11;
	[tilespmem:s11+$0x20] =	vst v9  }
0x2ea: {  	s14 =	simm.s32 $0x8;
	s15 =	simm.s32 $0x6;
	v11 =	vmul.f32 v2, v13;
	v6 =	vbroadcast v12, $0x0;
	v12 =	vmov s20;
	v9 =	vld [tilespmem:s11+$0xA0];
	s20 =	rddreg [dreg:$0x18]  }
.LBB2_14:
0x2eb: {  	p1 =	slt.u32 s14, $0x7C;
	v12 =	vand.u32 $0xFFFFFFFD, v12;
	v13 =	vmov s15;
	[tilespmem:s11+$0x30] =	vst v10;
	v4 =	vmul.f32 v2, v4;
	v10 =	vld [tilespmem:s11+$0xB0]  }
0x2ec: {  	v12 =	vbroadcast v12, $0x0;
	v13 =	vand.u32 $0xFFFFFFFE, v13;
	[tilespmem:s11+$0x40] =	vst v11;
	v2 =	vmul.f32 v2, v3;
	v3 =	vld [tilespmem:s11+$0xC0]  }
0x2ed: {  	v11 =	vbroadcast v13, $0x0;
	[tilespmem:s11+$0x50] =	vst v4;
	v4 =	vmul.f32 v1, v8;
	v8 =	vld [tilespmem:s11+$0xD0]  }
0x2ee: {  	[tilespmem:s11+$0x60] =	vst v2;
	v2 =	vmul.f32 v1, v7;
	v7 =	vld [tilespmem:s11+$0xE0]  }
0x2ef: {  	[tilespmem:s11+$0x80] =	vst v4;
	v4 =	vmul.f32 v1, v9;
	v9 =	vld [tilespmem:s11+$0xF0]  }
0x2f0: {  	v5 =	vld.idx.msk [tilespmem:v5+s19+$0x0], $0xffff;
	[tilespmem:s11+$0x90] =	vst v2;
	v2 =	vmul.f32 v1, v10  }
0x2f1: {  	v6 =	vld.idx.msk [tilespmem:v6+s19+$0x0], $0xffff;
	[tilespmem:s11+$0xA0] =	vst v4;
	v3 =	vmul.f32 v1, v3  }
0x2f2: {  	v4 =	vld.idx.msk [tilespmem:v12+s19+$0x0], $0xffff;
	[tilespmem:s11+$0xB0] =	vst v2;
	v8 =	vmul.f32 v1, v8  }
0x2f3: {  	s11 =	sadd.s32 $0x200, s11;
	v2 =	vld.idx.msk [tilespmem:v11+s19+$0x0], $0xffff;
	[tilespmem:s12+$0xC0] =	vst v3;
	v3 =	vmul.f32 v1, v7  }
0x2f4: {  	v7 =	vld [tilespmem:s11+$0x70];
	[tilespmem:s12+$0xD0] =	vst v8;
	v9 =	vmul.f32 v1, v9  }
0x2f5: {  	v8 =	vld [tilespmem:s11+$0xFFFFFF00];
	[tilespmem:s12+$0xE0] =	vst v3  }
0x2f6: {  	v1 =	vmov v5;
	v3 =	vld [tilespmem:s11+$0xFFFFFF10];
	[tilespmem:s12+$0xF0] =	vst v9;
	s12 =	smov.u32 s11  }
0x2f7: {  	v5 =	vld [tilespmem:s11+$0xFFFFFF20]  }
0x2f8: {  	v9 =	vld [tilespmem:s11+$0xFFFFFF30]  }
0x2f9: {  	v10 =	vld [tilespmem:s11+$0xFFFFFF40];
	v7 =	vmul.f32 v2, v7  }
0x2fa: {  	v8 =	vmul.f32 v6, v8;
	v11 =	vld [tilespmem:s11+$0xFFFFFF50]  }
0x2fb: {  	v3 =	vmul.f32 v6, v3;
	v12 =	vld [tilespmem:s11+$0xFFFFFF60];
	[tilespmem:s11+$0x70] =	vst v7  }
0x2fc: {  	[tilespmem:s11+$0xFFFFFF00] =	vst v8;
	v5 =	vmul.f32 v6, v5;
	v7 =	vld [tilespmem:s11+$0xFFFFFF70]  }
0x2fd: {  	[tilespmem:s11+$0xFFFFFF10] =	vst v3;
	v3 =	vmul.f32 v6, v9;
	v8 =	vld [tilespmem:s11+$0xFFFFFF80]  }
0x2fe: {  	[tilespmem:s11+$0xFFFFFF20] =	vst v5;
	v5 =	vmul.f32 v6, v10;
	v9 =	vld [tilespmem:s11+$0xFFFFFF90]  }
0x2ff: {  	[tilespmem:s11+$0xFFFFFF30] =	vst v3;
	v3 =	vmul.f32 v6, v11;
	v10 =	vld [tilespmem:s11+$0xFFFFFFA0]  }
0x300: {  	[tilespmem:s11+$0xFFFFFF40] =	vst v5;
	v5 =	vmul.f32 v6, v12;
	v11 =	vld [tilespmem:s11+$0xFFFFFFB0]  }
0x301: {  	[tilespmem:s11+$0xFFFFFF50] =	vst v3;
	v3 =	vmul.f32 v6, v7;
	v6 =	vld [tilespmem:s11+$0xFFFFFFC0]  }
0x302: {  	[tilespmem:s11+$0xFFFFFF60] =	vst v5;
	v5 =	vmul.f32 v4, v8;
	v7 =	vld [tilespmem:s11+$0xFFFFFFD0]  }
0x303: {  	[tilespmem:s11+$0xFFFFFF70] =	vst v3;
	v3 =	vmul.f32 v4, v9;
	v8 =	vld [tilespmem:s11+$0xFFFFFFE0]  }
0x304: {  	[tilespmem:s11+$0xFFFFFF80] =	vst v5;
	v5 =	vmul.f32 v4, v10;
	v9 =	vld [tilespmem:s11+$0xFFFFFFF0]  }
0x305: {  	[tilespmem:s11+$0xFFFFFF90] =	vst v3;
	v3 =	vmul.f32 v4, v11;
	v10 =	vld [tilespmem:s11+$0x0]  }
0x306: {  	[tilespmem:s11+$0xFFFFFFA0] =	vst v5;
	v5 =	vmul.f32 v4, v6;
	v6 =	vld [tilespmem:s11+$0x10]  }
0x307: {  	[tilespmem:s11+$0xFFFFFFB0] =	vst v3;
	v3 =	vmul.f32 v4, v7;
	v7 =	vld [tilespmem:s11+$0x20]  }
0x308: {  	[tilespmem:s11+$0xFFFFFFC0] =	vst v5;
	v5 =	vmul.f32 v4, v8;
	v11 =	vld [tilespmem:s11+$0x30]  }
0x309: {  	[tilespmem:s11+$0xFFFFFFD0] =	vst v3;
	v3 =	vmul.f32 v4, v9;
	v9 =	vld [tilespmem:s11+$0x40]  }
.Ltmp6:
0x30a: {  	[tilespmem:s11+$0xFFFFFFE0] =	vst v5;
	v5 =	vmul.f32 v2, v10;
	v4 =	vld [tilespmem:s11+$0x50];
	(pc) =	sbr.rel @p1 .LBB2_14-.Ltmp6, $4  }
0x30b: {  	[tilespmem:s11+$0xFFFFFFF0] =	vst v3;
	v6 =	vmul.f32 v2, v6;
	v3 =	vld [tilespmem:s11+$0x60]  }
0x30c: {  	s15 =	sadd.s32 $0x3, s14;
	v10 =	vmov s14;
	[tilespmem:s11+$0x0] =	vst v5;
	v13 =	vmul.f32 v2, v7;
	v8 =	vld [tilespmem:s11+$0x80]  }
0x30d: {  	s17 =	sadd.s32 $0x1, s14;
	v12 =	vand.u32 $0xFFFFFFFC, v10;
	v5 =	vmov s15;
	[tilespmem:s11+$0x10] =	vst v6;
	v10 =	vmul.f32 v2, v11;
	v7 =	vld [tilespmem:s11+$0x90]  }
0x30e: {  	s15 =	sadd.s32 $0x2, s14;
	s14 =	sadd.s32 $0x4, s14;
	v6 =	vbroadcast v12, $0x0;
	v12 =	vmov s17;
	[tilespmem:s11+$0x20] =	vst v13;
	v11 =	vmul.f32 v2, v9;
	v9 =	vld [tilespmem:s11+$0xA0]  }
0x30f: {  	v13 =	vld [tilespmem:s11+$0xB0]  }
0x310: {  	v15 =	vld [tilespmem:s11+$0xC0]  }
0x311: {  	v14 =	vmov s15;
	v16 =	vld [tilespmem:s11+$0xD0]  }
0x312: {  	v17 =	vld [tilespmem:s11+$0xE0];
	[tilespmem:s11+$0x30] =	vst v10;
	v4 =	vmul.f32 v2, v4;
	v14 =	vand.u32 $0xFFFFFFFE, v14  }
0x313: {  	v12 =	vand.u32 $0xFFFFFFFD, v12;
	v5 =	vld.idx.msk [tilespmem:v5+s19+$0x0], $0xffff;
	[tilespmem:s11+$0x40] =	vst v11;
	v2 =	vmul.f32 v2, v3;
	v14 =	vbroadcast v14, $0x0  }
0x314: {  	s14 =	sadd.s32 $0x200, s11;
	v12 =	vbroadcast v12, $0x0;
	v3 =	vld.idx.msk [tilespmem:v6+s19+$0x0], $0xffff;
	v8 =	vmul.f32 v1, v8;
	[tilespmem:s11+$0x50] =	vst v4  }
0x315: {  	v10 =	vld [tilespmem:s14+$0xFFFFFF00];
	v4 =	vmul.f32 v1, v7;
	[tilespmem:s11+$0x60] =	vst v2  }
0x316: {  	[tilespmem:s11+$0x80] =	vst v8;
	v8 =	vld [tilespmem:s11+$0xF0];
	v2 =	vmul.f32 v1, v9  }
0x317: {  	v11 =	vld [tilespmem:s14+$0xFFFFFF10];
	[tilespmem:s11+$0x90] =	vst v4;
	v4 =	vmul.f32 v1, v13  }
0x318: {  	v9 =	vld [tilespmem:s14+$0x70];
	[tilespmem:s11+$0xA0] =	vst v2;
	v2 =	vmul.f32 v1, v15  }
0x319: {  	[tilespmem:s11+$0xB0] =	vst v4;
	v4 =	vmul.f32 v1, v16;
	v7 =	vld.idx.msk [tilespmem:v14+s19+$0x0], $0xffff  }
0x31a: {  	v6 =	vld.idx.msk [tilespmem:v12+s19+$0x0], $0xffff;
	[tilespmem:s12+$0xC0] =	vst v2;
	v2 =	vmul.f32 v1, v17  }
0x31b: {  	v12 =	vld [tilespmem:s14+$0xFFFFFF20];
	[tilespmem:s12+$0xD0] =	vst v4;
	v1 =	vmul.f32 v1, v8  }
0x31c: {  	v4 =	vld [tilespmem:s14+$0xFFFFFF30];
	[tilespmem:s12+$0xE0] =	vst v2  }
0x31d: {  	v2 =	vld [tilespmem:s14+$0xFFFFFF40];
	[tilespmem:s12+$0xF0] =	vst v1;
	v1 =	vmul.f32 v3, v10  }
0x31e: {  	v8 =	vmul.f32 v7, v9;
	v9 =	vld [tilespmem:s14+$0xFFFFFF50]  }
0x31f: {  	v10 =	vmul.f32 v3, v11;
	v11 =	vld [tilespmem:s14+$0xFFFFFF60];
	[tilespmem:s14+$0xFFFFFF00] =	vst v1  }
0x320: {  	v1 =	vmul.f32 v3, v12;
	[tilespmem:s14+$0x70] =	vst v8;
	v8 =	vld [tilespmem:s14+$0xFFFFFF70]  }
0x321: {  	[tilespmem:s14+$0xFFFFFF10] =	vst v10;
	v10 =	vld [tilespmem:s14+$0xFFFFFF80];
	v4 =	vmul.f32 v3, v4  }
0x322: {  	[tilespmem:s14+$0xFFFFFF20] =	vst v1;
	v1 =	vmul.f32 v3, v2;
	v2 =	vld [tilespmem:s14+$0xFFFFFF90]  }
0x323: {  	[tilespmem:s14+$0xFFFFFF30] =	vst v4;
	v4 =	vmul.f32 v3, v9;
	v9 =	vld [tilespmem:s14+$0xFFFFFFA0]  }
0x324: {  	[tilespmem:s14+$0xFFFFFF40] =	vst v1;
	v1 =	vmul.f32 v3, v11;
	v11 =	vld [tilespmem:s14+$0xFFFFFFB0]  }
0x325: {  	[tilespmem:s14+$0xFFFFFF50] =	vst v4;
	v3 =	vmul.f32 v3, v8;
	v4 =	vld [tilespmem:s14+$0xFFFFFFC0]  }
0x326: {  	[tilespmem:s14+$0xFFFFFF60] =	vst v1;
	v1 =	vmul.f32 v6, v10;
	v8 =	vld [tilespmem:s14+$0xFFFFFFD0]  }
0x327: {  	v2 =	vmul.f32 v6, v2;
	[tilespmem:s14+$0xFFFFFF70] =	vst v3;
	v3 =	vld [tilespmem:s14+$0xFFFFFFE0]  }
0x328: {  	[tilespmem:s14+$0xFFFFFF80] =	vst v1;
	v1 =	vmul.f32 v6, v9;
	v9 =	vld [tilespmem:s14+$0xFFFFFFF0]  }
0x329: {  	v10 =	vld [tilespmem:s14+$0x0];
	[tilespmem:s14+$0xFFFFFF90] =	vst v2;
	v2 =	vmul.f32 v6, v11  }
0x32a: {  	[tilespmem:s14+$0xFFFFFFA0] =	vst v1;
	v1 =	vmul.f32 v6, v4;
	v4 =	vld [tilespmem:s14+$0x10]  }
0x32b: {  	[tilespmem:s14+$0xFFFFFFB0] =	vst v2;
	v2 =	vmul.f32 v6, v8;
	v8 =	vld [tilespmem:s14+$0x20]  }
0x32c: {  	[tilespmem:s14+$0xFFFFFFC0] =	vst v1;
	v1 =	vmul.f32 v6, v3;
	v3 =	vld [tilespmem:s14+$0x30]  }
0x32d: {  	[tilespmem:s14+$0xFFFFFFD0] =	vst v2;
	v2 =	vmul.f32 v6, v9;
	v6 =	vld [tilespmem:s14+$0x40]  }
0x32e: {  	v9 =	vld [tilespmem:s14+$0x50];
	[tilespmem:s14+$0xFFFFFFE0] =	vst v1;
	v1 =	vmul.f32 v7, v10  }
0x32f: {  	[tilespmem:s14+$0xFFFFFFF0] =	vst v2;
	v2 =	vmul.f32 v7, v4;
	v4 =	vld [tilespmem:s14+$0x60]  }
0x330: {  	[tilespmem:s14+$0x0] =	vst v1;
	v1 =	vmul.f32 v7, v8;
	v8 =	vld [tilespmem:s14+$0x80]  }
0x331: {  	[tilespmem:s14+$0x10] =	vst v2;
	v2 =	vmul.f32 v7, v3;
	v3 =	vld [tilespmem:s14+$0x90]  }
0x332: {  	[tilespmem:s14+$0x20] =	vst v1;
	v1 =	vmul.f32 v7, v6;
	v6 =	vld [tilespmem:s14+$0xA0]  }
0x333: {  	[tilespmem:s14+$0x30] =	vst v2;
	v2 =	vmul.f32 v7, v9;
	v9 =	vld [tilespmem:s14+$0xB0]  }
0x334: {  	[tilespmem:s14+$0x40] =	vst v1;
	v1 =	vmul.f32 v7, v4;
	v4 =	vld [tilespmem:s14+$0xC0]  }
0x335: {  	v7 =	vld [tilespmem:s14+$0xD0];
	[tilespmem:s14+$0x50] =	vst v2;
	v2 =	vmul.f32 v5, v8  }
0x336: {  	[tilespmem:s14+$0x60] =	vst v1;
	v1 =	vmul.f32 v5, v3;
	v3 =	vld [tilespmem:s14+$0xE0]  }
0x337: {  	[tilespmem:s14+$0x80] =	vst v2;
	v2 =	vmul.f32 v5, v6;
	v6 =	vld [tilespmem:s14+$0xF0]  }
0x338: {  	[tilespmem:s14+$0x90] =	vst v1;
	v1 =	vmul.f32 v5, v9  }
0x339: {  	[tilespmem:s14+$0xA0] =	vst v2;
	v2 =	vmul.f32 v5, v4  }
0x33a: {  	[tilespmem:s14+$0xB0] =	vst v1;
	v1 =	vmul.f32 v5, v7  }
0x33b: {  	[tilespmem:s14+$0xC0] =	vst v2;
	v2 =	vmul.f32 v5, v3  }
0x33c: {  	[tilespmem:s14+$0xD0] =	vst v1;
	v1 =	vmul.f32 v5, v6  }
0x33d: {  	s12 =	simm.s32 $0x0;
	[tilespmem:s14+$0xE0] =	vst v2  }
0x33e: {  	s15 =	simm.s32 $0x2;
	s17 =	simm.s32 $0x4000;
	[tilespmem:s14+$0xF0] =	vst v1;
	v1 =	vmov s12  }
0x33f: {  	v2 =	vmov s15;
	[spmem:s2] =	stream.indirect.scatter.add.f32 [tilespmem:s17], [sflag:$0xD], $0x80, s8, s26, $0xb8;
	v1 =	vand.u32 $0xFFFFFFFC, v1;
	[tilespmem:$0x1FD00] =	vst v63  }
0x340: {  	v2 =	vand.u32 $0xFFFFFFFE, v2;
	_ =	swait.ge [sflag:s13], $0x4000;
	v1 =	vbroadcast v1, $0x0  }
0x341: {  	v2 =	vbroadcast v2, $0x0;
	[sflag:s13] =	ssyncset.done $0x0  }
0x342: {  	[sflag:s13] =	ssyncadd.s32 $0xFFFFC000  }
0x343: {  	_ =	swait.ge [sflag:s10], $0x4000  }
0x344: {  	[sflag:s10] =	ssyncset.done $0x0  }
0x345: {  	[sflag:s10] =	ssyncadd.s32 $0xFFFFC000  }
0x346: {  	v1 =	vld.idx.msk [tilespmem:v1+s22+$0x0], $0xffff  }
0x347: {  	s18 =	simm.s32 $0x1;
	s11 =	simm.s32 $0x8100;
	v2 =	vld.idx.msk [tilespmem:v2+s22+$0x0], $0xffff  }
0x348: {  	v3 =	vmov s18;
	v4 =	vld [tilespmem:s11+$0x70]  }
0x349: {  	v3 =	vand.u32 $0xFFFFFFFD, v3;
	v5 =	vld [tilespmem:s11+$0xFFFFFF00]  }
0x34a: {  	v3 =	vbroadcast v3, $0x0;
	v6 =	vld [tilespmem:s11+$0xFFFFFF10]  }
0x34b: {  	v7 =	vld [tilespmem:s11+$0xFFFFFF20]  }
0x34c: {  	v8 =	vld [tilespmem:s11+$0xFFFFFF30]  }
0x34d: {  	v9 =	vld [tilespmem:s11+$0xFFFFFF40]  }
0x34e: {  	v10 =	vld [tilespmem:s11+$0xFFFFFF50];
	v5 =	vmul.f32 v1, v5  }
0x34f: {  	v11 =	vld [tilespmem:s11+$0xFFFFFF60];
	v4 =	vmul.f32 v2, v4  }
0x350: {  	v3 =	vld.idx.msk [tilespmem:v3+s22+$0x0], $0xffff;
	[tilespmem:s11+$0xFFFFFF00] =	vst v5;
	v5 =	vmul.f32 v1, v6  }
0x351: {  	v6 =	vld [tilespmem:s11+$0xFFFFFF70];
	[tilespmem:s11+$0x70] =	vst v4;
	v4 =	vmul.f32 v1, v7  }
0x352: {  	v7 =	vld [tilespmem:s11+$0xFFFFFF80];
	[tilespmem:s11+$0xFFFFFF10] =	vst v5;
	v5 =	vmul.f32 v1, v8  }
0x353: {  	v8 =	vld [tilespmem:s11+$0xFFFFFF90];
	[tilespmem:s11+$0xFFFFFF20] =	vst v4;
	v4 =	vmul.f32 v1, v9  }
0x354: {  	v9 =	vld [tilespmem:s11+$0xFFFFFFA0];
	[tilespmem:s11+$0xFFFFFF30] =	vst v5;
	v5 =	vmul.f32 v1, v10  }
0x355: {  	v10 =	vld [tilespmem:s11+$0xFFFFFFB0];
	[tilespmem:s11+$0xFFFFFF40] =	vst v4;
	v4 =	vmul.f32 v1, v11  }
0x356: {  	v11 =	vld [tilespmem:s11+$0xFFFFFFC0];
	v6 =	vmul.f32 v1, v6;
	[tilespmem:s11+$0xFFFFFF50] =	vst v5  }
0x357: {  	v5 =	vmul.f32 v3, v7;
	v7 =	vld [tilespmem:s11+$0xFFFFFFD0];
	[tilespmem:s11+$0xFFFFFF60] =	vst v4  }
0x358: {  	v4 =	vld [tilespmem:s11+$0xFFFFFFE0];
	v8 =	vmul.f32 v3, v8;
	[tilespmem:s11+$0xFFFFFF70] =	vst v6  }
0x359: {  	s14 =	simm.s32 $0x3;
	v6 =	vld [tilespmem:s11+$0xFFFFFFF0];
	[tilespmem:s11+$0xFFFFFF80] =	vst v5;
	v5 =	vmul.f32 v3, v9  }
0x35a: {  	v12 =	vmov s14;
	v9 =	vld [tilespmem:s11+$0x0];
	[tilespmem:s11+$0xFFFFFF90] =	vst v8;
	v8 =	vmul.f32 v3, v10  }
0x35b: {  	v10 =	vld [tilespmem:s11+$0x10];
	[tilespmem:s11+$0xFFFFFFA0] =	vst v5;
	v5 =	vmul.f32 v3, v11  }
0x35c: {  	[tilespmem:s11+$0xFFFFFFB0] =	vst v8;
	v7 =	vmul.f32 v3, v7;
	v8 =	vld [tilespmem:s11+$0x20]  }
0x35d: {  	v13 =	vld [tilespmem:s11+$0x40];
	v4 =	vmul.f32 v3, v4;
	[tilespmem:s11+$0xFFFFFFC0] =	vst v5  }
0x35e: {  	v11 =	vld [tilespmem:s11+$0x30];
	v3 =	vmul.f32 v3, v6;
	[tilespmem:s11+$0xFFFFFFD0] =	vst v7  }
0x35f: {  	v1 =	vld.idx.msk [tilespmem:v12+s22+$0x0], $0xffff;
	[tilespmem:s11+$0xFFFFFFE0] =	vst v4;
	v5 =	vmul.f32 v2, v9  }
0x360: {  	v4 =	vld [tilespmem:s11+$0x50];
	[tilespmem:s11+$0xFFFFFFF0] =	vst v3;
	v6 =	vmul.f32 v2, v10  }
0x361: {  	s15 =	simm.s32 $0x4;
	v3 =	vld [tilespmem:s11+$0x60];
	[tilespmem:s11+$0x0] =	vst v5;
	v9 =	vmul.f32 v2, v8  }
0x362: {  	s17 =	simm.s32 $0x7;
	v7 =	vmov s15;
	v8 =	vld [tilespmem:s11+$0x80];
	[tilespmem:s11+$0x10] =	vst v6  }
0x363: {  	s18 =	simm.s32 $0x5;
	s12 =	simm.s32 $0x8100;
	v12 =	vand.u32 $0xFFFFFFFC, v7;
	v7 =	vld [tilespmem:s11+$0x90];
	v5 =	vmov s17;
	v10 =	vmul.f32 v2, v11;
	[tilespmem:s11+$0x20] =	vst v9  }
0x364: {  	s14 =	simm.s32 $0x8;
	s15 =	simm.s32 $0x6;
	v11 =	vmul.f32 v2, v13;
	v6 =	vbroadcast v12, $0x0;
	v12 =	vmov s18;
	v9 =	vld [tilespmem:s11+$0xA0];
	s18 =	rddreg [dreg:$0x17]  }
.LBB2_16:
0x365: {  	p1 =	slt.u32 s14, $0x7C;
	v12 =	vand.u32 $0xFFFFFFFD, v12;
	v13 =	vmov s15;
	[tilespmem:s11+$0x30] =	vst v10;
	v4 =	vmul.f32 v2, v4;
	v10 =	vld [tilespmem:s11+$0xB0]  }
0x366: {  	v12 =	vbroadcast v12, $0x0;
	v13 =	vand.u32 $0xFFFFFFFE, v13;
	[tilespmem:s11+$0x40] =	vst v11;
	v2 =	vmul.f32 v2, v3;
	v3 =	vld [tilespmem:s11+$0xC0]  }
0x367: {  	v11 =	vbroadcast v13, $0x0;
	[tilespmem:s11+$0x50] =	vst v4;
	v4 =	vmul.f32 v1, v8;
	v8 =	vld [tilespmem:s11+$0xD0]  }
0x368: {  	[tilespmem:s11+$0x60] =	vst v2;
	v2 =	vmul.f32 v1, v7;
	v7 =	vld [tilespmem:s11+$0xE0]  }
0x369: {  	[tilespmem:s11+$0x80] =	vst v4;
	v4 =	vmul.f32 v1, v9;
	v9 =	vld [tilespmem:s11+$0xF0]  }
0x36a: {  	v5 =	vld.idx.msk [tilespmem:v5+s22+$0x0], $0xffff;
	[tilespmem:s11+$0x90] =	vst v2;
	v2 =	vmul.f32 v1, v10  }
0x36b: {  	v6 =	vld.idx.msk [tilespmem:v6+s22+$0x0], $0xffff;
	[tilespmem:s11+$0xA0] =	vst v4;
	v3 =	vmul.f32 v1, v3  }
0x36c: {  	v4 =	vld.idx.msk [tilespmem:v12+s22+$0x0], $0xffff;
	[tilespmem:s11+$0xB0] =	vst v2;
	v8 =	vmul.f32 v1, v8  }
0x36d: {  	s11 =	sadd.s32 $0x200, s11;
	v2 =	vld.idx.msk [tilespmem:v11+s22+$0x0], $0xffff;
	[tilespmem:s12+$0xC0] =	vst v3;
	v3 =	vmul.f32 v1, v7  }
0x36e: {  	v7 =	vld [tilespmem:s11+$0x70];
	[tilespmem:s12+$0xD0] =	vst v8;
	v9 =	vmul.f32 v1, v9  }
0x36f: {  	v8 =	vld [tilespmem:s11+$0xFFFFFF00];
	[tilespmem:s12+$0xE0] =	vst v3  }
0x370: {  	v1 =	vmov v5;
	v3 =	vld [tilespmem:s11+$0xFFFFFF10];
	[tilespmem:s12+$0xF0] =	vst v9;
	s12 =	smov.u32 s11  }
0x371: {  	v5 =	vld [tilespmem:s11+$0xFFFFFF20]  }
0x372: {  	v9 =	vld [tilespmem:s11+$0xFFFFFF30]  }
0x373: {  	v10 =	vld [tilespmem:s11+$0xFFFFFF40];
	v7 =	vmul.f32 v2, v7  }
0x374: {  	v8 =	vmul.f32 v6, v8;
	v11 =	vld [tilespmem:s11+$0xFFFFFF50]  }
0x375: {  	v3 =	vmul.f32 v6, v3;
	v12 =	vld [tilespmem:s11+$0xFFFFFF60];
	[tilespmem:s11+$0x70] =	vst v7  }
0x376: {  	[tilespmem:s11+$0xFFFFFF00] =	vst v8;
	v5 =	vmul.f32 v6, v5;
	v7 =	vld [tilespmem:s11+$0xFFFFFF70]  }
0x377: {  	[tilespmem:s11+$0xFFFFFF10] =	vst v3;
	v3 =	vmul.f32 v6, v9;
	v8 =	vld [tilespmem:s11+$0xFFFFFF80]  }
0x378: {  	[tilespmem:s11+$0xFFFFFF20] =	vst v5;
	v5 =	vmul.f32 v6, v10;
	v9 =	vld [tilespmem:s11+$0xFFFFFF90]  }
0x379: {  	[tilespmem:s11+$0xFFFFFF30] =	vst v3;
	v3 =	vmul.f32 v6, v11;
	v10 =	vld [tilespmem:s11+$0xFFFFFFA0]  }
0x37a: {  	[tilespmem:s11+$0xFFFFFF40] =	vst v5;
	v5 =	vmul.f32 v6, v12;
	v11 =	vld [tilespmem:s11+$0xFFFFFFB0]  }
0x37b: {  	[tilespmem:s11+$0xFFFFFF50] =	vst v3;
	v3 =	vmul.f32 v6, v7;
	v6 =	vld [tilespmem:s11+$0xFFFFFFC0]  }
0x37c: {  	[tilespmem:s11+$0xFFFFFF60] =	vst v5;
	v5 =	vmul.f32 v4, v8;
	v7 =	vld [tilespmem:s11+$0xFFFFFFD0]  }
0x37d: {  	[tilespmem:s11+$0xFFFFFF70] =	vst v3;
	v3 =	vmul.f32 v4, v9;
	v8 =	vld [tilespmem:s11+$0xFFFFFFE0]  }
0x37e: {  	[tilespmem:s11+$0xFFFFFF80] =	vst v5;
	v5 =	vmul.f32 v4, v10;
	v9 =	vld [tilespmem:s11+$0xFFFFFFF0]  }
0x37f: {  	[tilespmem:s11+$0xFFFFFF90] =	vst v3;
	v3 =	vmul.f32 v4, v11;
	v10 =	vld [tilespmem:s11+$0x0]  }
0x380: {  	[tilespmem:s11+$0xFFFFFFA0] =	vst v5;
	v5 =	vmul.f32 v4, v6;
	v6 =	vld [tilespmem:s11+$0x10]  }
0x381: {  	[tilespmem:s11+$0xFFFFFFB0] =	vst v3;
	v3 =	vmul.f32 v4, v7;
	v7 =	vld [tilespmem:s11+$0x20]  }
0x382: {  	[tilespmem:s11+$0xFFFFFFC0] =	vst v5;
	v5 =	vmul.f32 v4, v8;
	v11 =	vld [tilespmem:s11+$0x30]  }
0x383: {  	[tilespmem:s11+$0xFFFFFFD0] =	vst v3;
	v3 =	vmul.f32 v4, v9;
	v9 =	vld [tilespmem:s11+$0x40]  }
.Ltmp7:
0x384: {  	[tilespmem:s11+$0xFFFFFFE0] =	vst v5;
	v5 =	vmul.f32 v2, v10;
	v4 =	vld [tilespmem:s11+$0x50];
	(pc) =	sbr.rel @p1 .LBB2_16-.Ltmp7, $4  }
0x385: {  	[tilespmem:s11+$0xFFFFFFF0] =	vst v3;
	v6 =	vmul.f32 v2, v6;
	v3 =	vld [tilespmem:s11+$0x60]  }
0x386: {  	s15 =	sadd.s32 $0x3, s14;
	v10 =	vmov s14;
	[tilespmem:s11+$0x0] =	vst v5;
	v13 =	vmul.f32 v2, v7;
	v8 =	vld [tilespmem:s11+$0x80]  }
0x387: {  	s17 =	sadd.s32 $0x1, s14;
	v12 =	vand.u32 $0xFFFFFFFC, v10;
	v5 =	vmov s15;
	[tilespmem:s11+$0x10] =	vst v6;
	v10 =	vmul.f32 v2, v11;
	v7 =	vld [tilespmem:s11+$0x90]  }
0x388: {  	s15 =	sadd.s32 $0x2, s14;
	s14 =	sadd.s32 $0x4, s14;
	v6 =	vbroadcast v12, $0x0;
	v12 =	vmov s17;
	[tilespmem:s11+$0x20] =	vst v13;
	v11 =	vmul.f32 v2, v9;
	v9 =	vld [tilespmem:s11+$0xA0]  }
0x389: {  	v13 =	vld [tilespmem:s11+$0xB0]  }
0x38a: {  	v15 =	vld [tilespmem:s11+$0xC0]  }
0x38b: {  	v16 =	vld [tilespmem:s11+$0xD0]  }
0x38c: {  	v17 =	vld [tilespmem:s11+$0xE0]  }
0x38d: {  	v29 =	vld [tilespmem:s11+$0xF0];
	[tilespmem:s11+$0x30] =	vst v10;
	v4 =	vmul.f32 v2, v4  }
0x38e: {  	v5 =	vld.idx.msk [tilespmem:v5+s22+$0x0], $0xffff;
	[tilespmem:s11+$0x40] =	vst v11;
	v2 =	vmul.f32 v2, v3  }
0x38f: {  	s14 =	sadd.s32 $0x200, s11;
	v3 =	vld.idx.msk [tilespmem:v6+s22+$0x0], $0xffff;
	v8 =	vmul.f32 v1, v8;
	[tilespmem:s11+$0x50] =	vst v4  }
0x390: {  	v14 =	vmov s15;
	v34 =	vld [tilespmem:s14+$0x70];
	v30 =	vmul.f32 v1, v7;
	[tilespmem:s11+$0x60] =	vst v2  }
0x391: {  	v14 =	vand.u32 $0xFFFFFFFE, v14;
	v35 =	vld [tilespmem:s14+$0xFFFFFF00];
	[tilespmem:s11+$0x80] =	vst v8;
	v2 =	vmul.f32 v1, v9  }
0x392: {  	v37 =	vld [tilespmem:s14+$0xFFFFFF10];
	v14 =	vbroadcast v14, $0x0;
	[tilespmem:s11+$0x90] =	vst v30;
	v33 =	vmul.f32 v1, v13  }
0x393: {  	v38 =	vld [tilespmem:s14+$0xFFFFFF20];
	[tilespmem:s11+$0xA0] =	vst v2;
	v2 =	vmul.f32 v1, v15  }
0x394: {  	v12 =	vand.u32 $0xFFFFFFFD, v12;
	v39 =	vld [tilespmem:s14+$0xFFFFFF30];
	v36 =	vmul.f32 v1, v16;
	[tilespmem:s11+$0xB0] =	vst v33  }
0x395: {  	v12 =	vbroadcast v12, $0x0;
	v41 =	vld [tilespmem:s14+$0xFFFFFF50];
	[tilespmem:s12+$0xC0] =	vst v2;
	v2 =	vmul.f32 v1, v17  }
0x396: {  	v43 =	vld [tilespmem:s14+$0xFFFFFF60];
	[tilespmem:s12+$0xD0] =	vst v36;
	v1 =	vmul.f32 v1, v29  }
0x397: {  	v42 =	vmul.f32 v3, v37;
	[tilespmem:s12+$0xE0] =	vst v2;
	v2 =	vld [tilespmem:s14+$0xFFFFFF40]  }
0x398: {  	v32 =	vld.idx.msk [tilespmem:v14+s22+$0x0], $0xffff;
	[tilespmem:s12+$0xF0] =	vst v1;
	v1 =	vmul.f32 v3, v35  }
0x399: {  	v44 =	vld [tilespmem:s14+$0xFFFFFF70];
	v4 =	vmul.f32 v3, v39;
	[tilespmem:s14+$0xFFFFFF10] =	vst v42  }
0x39a: {  	v45 =	vld [tilespmem:s14+$0xFFFFFF80];
	[tilespmem:s14+$0xFFFFFF00] =	vst v1;
	v1 =	vmul.f32 v3, v38  }
0x39b: {  	v46 =	vmul.f32 v3, v41;
	v31 =	vld.idx.msk [tilespmem:v12+s22+$0x0], $0xffff;
	[tilespmem:s14+$0xFFFFFF30] =	vst v4  }
0x39c: {  	[tilespmem:s14+$0xFFFFFF20] =	vst v1;
	v1 =	vmul.f32 v3, v2;
	v2 =	vld [tilespmem:s14+$0xFFFFFF90]  }
0x39d: {  	v47 =	vld [tilespmem:s14+$0xFFFFFFA0];
	[tilespmem:s14+$0xFFFFFF50] =	vst v46;
	v40 =	vmul.f32 v32, v34  }
0x39e: {  	v48 =	vld [tilespmem:s14+$0xFFFFFFB0];
	[tilespmem:s14+$0xFFFFFF40] =	vst v1;
	v1 =	vmul.f32 v3, v43  }
0x39f: {  	v49 =	vld [tilespmem:s14+$0xFFFFFFC0];
	[tilespmem:s14+$0x70] =	vst v40;
	v3 =	vmul.f32 v3, v44  }
0x3a0: {  	v50 =	vld [tilespmem:s14+$0xFFFFFFD0];
	[tilespmem:s14+$0xFFFFFF60] =	vst v1;
	v1 =	vmul.f32 v31, v45  }
0x3a1: {  	[tilespmem:s14+$0xFFFFFF70] =	vst v3;
	v3 =	vld [tilespmem:s14+$0xFFFFFFE0];
	v2 =	vmul.f32 v31, v2  }
0x3a2: {  	v51 =	vld [tilespmem:s14+$0xFFFFFFF0];
	[tilespmem:s14+$0xFFFFFF80] =	vst v1;
	v1 =	vmul.f32 v31, v47  }
0x3a3: {  	v52 =	vld [tilespmem:s14+$0x0];
	[tilespmem:s14+$0xFFFFFF90] =	vst v2;
	v2 =	vmul.f32 v31, v48  }
0x3a4: {  	v53 =	vld [tilespmem:s14+$0x10];
	[tilespmem:s14+$0xFFFFFFA0] =	vst v1;
	v1 =	vmul.f32 v31, v49  }
0x3a5: {  	v54 =	vld [tilespmem:s14+$0x20];
	[tilespmem:s14+$0xFFFFFFB0] =	vst v2;
	v2 =	vmul.f32 v31, v50  }
0x3a6: {  	[tilespmem:s14+$0xFFFFFFC0] =	vst v1;
	v1 =	vmul.f32 v31, v3;
	v3 =	vld [tilespmem:s14+$0x30]  }
0x3a7: {  	v55 =	vld [tilespmem:s14+$0x40];
	[tilespmem:s14+$0xFFFFFFD0] =	vst v2;
	v2 =	vmul.f32 v31, v51  }
0x3a8: {  	v56 =	vld [tilespmem:s14+$0x50];
	[tilespmem:s14+$0xFFFFFFE0] =	vst v1;
	v1 =	vmul.f32 v32, v52  }
0x3a9: {  	v57 =	vld [tilespmem:s14+$0x60];
	[tilespmem:s14+$0xFFFFFFF0] =	vst v2;
	v2 =	vmul.f32 v32, v53  }
0x3aa: {  	v58 =	vld [tilespmem:s14+$0x80];
	[tilespmem:s14+$0x0] =	vst v1;
	v1 =	vmul.f32 v32, v54  }
0x3ab: {  	[tilespmem:s14+$0x10] =	vst v2;
	v2 =	vmul.f32 v32, v3;
	v3 =	vld [tilespmem:s14+$0x90]  }
0x3ac: {  	v59 =	vld [tilespmem:s14+$0xA0];
	[tilespmem:s14+$0x20] =	vst v1;
	v1 =	vmul.f32 v32, v55  }
0x3ad: {  	v60 =	vld [tilespmem:s14+$0xB0];
	[tilespmem:s14+$0x30] =	vst v2;
	v2 =	vmul.f32 v32, v56  }
0x3ae: {  	v61 =	vld [tilespmem:s14+$0xC0];
	[tilespmem:s14+$0x40] =	vst v1;
	v1 =	vmul.f32 v32, v57  }
0x3af: {  	v62 =	vld [tilespmem:s14+$0xD0];
	[tilespmem:s14+$0x50] =	vst v2;
	v2 =	vmul.f32 v5, v58  }
0x3b0: {  	[tilespmem:s14+$0x60] =	vst v1;
	v1 =	vmul.f32 v5, v3;
	v3 =	vld [tilespmem:s14+$0xE0]  }
0x3b1: {  	v63 =	vld [tilespmem:s14+$0xF0];
	[tilespmem:s14+$0x80] =	vst v2;
	v2 =	vmul.f32 v5, v59  }
0x3b2: {  	[tilespmem:s14+$0x90] =	vst v1;
	v1 =	vmul.f32 v5, v60  }
0x3b3: {  	[tilespmem:s14+$0xA0] =	vst v2;
	v2 =	vmul.f32 v5, v61  }
0x3b4: {  	[tilespmem:s14+$0xB0] =	vst v1;
	v1 =	vmul.f32 v5, v62  }
0x3b5: {  	[tilespmem:s14+$0xC0] =	vst v2;
	v2 =	vmul.f32 v5, v3  }
0x3b6: {  	[tilespmem:s14+$0xD0] =	vst v1;
	v1 =	vmul.f32 v5, v63  }
0x3b7: {  	[tilespmem:s14+$0xE0] =	vst v2  }
0x3b8: {  	s17 =	simm.s32 $0x8000;
	[tilespmem:s14+$0xF0] =	vst v1  }
0x3b9: {  	[spmem:s2] =	stream.indirect.scatter.add.f32 [tilespmem:s17], [sflag:$0xD], $0x80, s21, s26, $0xb8;
	[tilespmem:$0x1FD00] =	vst v63  }
0x3ba: {  	_ =	swait.ge [sflag:s13], $0x4000  }
0x3bb: {  	[sflag:s13] =	ssyncset.done $0x0  }
0x3bc: {  	[sflag:s13] =	ssyncadd.s32 $0xFFFFC000  }
0x3bd: {  	s12 =	stileid.u32;
	[bflag:$0x0] =	sbarrier.arrive $0xFFFF  }
0x3be: {  	s11 =	sshll.u32 s12, $0x6;
	s15 =	rddreg [dreg:$0x15]  }
0x3bf: {  	s11 =	sor.u32 $0x1C0D, s11;
	s17 =	rddreg [dreg:$0x4];
	s14 =	sshrl.u32 s15, $0x3  }
0x3c0: {  	[hbm:s17], [sflag:s11] =	dma.local [spmem:s14], $0x500  }
0x3c1: {  	_ =	swait.ge [sflag:s13], $0x500  }
0x3c2: {  	[sflag:s13] =	ssyncset.done $0x0;
	s17 =	rddreg [dreg:$0x16]  }
0x3c3: {  	s14 =	rddreg [dreg:$0x5];
	[sflag:s13] =	ssyncadd.s32 $0xFFFFFB00;
	s12 =	sshrl.u32 s17, $0x3  }
0x3c4: {  	[hbm:s14], [sflag:s11] =	dma.local [spmem:s12], $0x500  }
0x3c5: {  	_ =	swait.ge [sflag:s13], $0x500  }
0x3c6: {  	[sflag:s13] =	ssyncset.done $0x0  }
0x3c7: {  	s12 =	sshrl.u32 s18, $0x3;
	s14 =	rddreg [dreg:$0x6];
	[sflag:s13] =	ssyncadd.s32 $0xFFFFFB00  }
0x3c8: {  	[hbm:s14], [sflag:s11] =	dma.local [spmem:s12], $0x500  }
0x3c9: {  	_ =	swait.ge [sflag:s13], $0x500  }
0x3ca: {  	[sflag:s13] =	ssyncset.done $0x0  }
0x3cb: {  	s12 =	sshrl.u32 s20, $0x3;
	s14 =	rddreg [dreg:$0x7];
	[sflag:s13] =	ssyncadd.s32 $0xFFFFFB00  }
0x3cc: {  	[hbm:s14], [sflag:s11] =	dma.local [spmem:s12], $0x500  }
0x3cd: {  	_ =	swait.ge [sflag:s13], $0x500  }
0x3ce: {  	[sflag:s13] =	ssyncset.done $0x0;
	s14 =	rddreg [dreg:$0x19]  }
0x3cf: {  	[sflag:s13] =	ssyncadd.s32 $0xFFFFFB00;
	s12 =	sshrl.u32 s14, $0x3;
	s14 =	rddreg [dreg:$0x8]  }
0x3d0: {  	[hbm:s14], [sflag:s11] =	dma.local [spmem:s12], $0x500  }
0x3d1: {  	_ =	swait.ge [sflag:s13], $0x500  }
0x3d2: {  	[sflag:s13] =	ssyncset.done $0x0;
	s14 =	rddreg [dreg:$0x1a]  }
0x3d3: {  	[sflag:s13] =	ssyncadd.s32 $0xFFFFFB00;
	s12 =	sshrl.u32 s14, $0x3;
	s14 =	rddreg [dreg:$0x9]  }
0x3d4: {  	[hbm:s14], [sflag:s11] =	dma.local [spmem:s12], $0x500  }
0x3d5: {  	_ =	swait.ge [sflag:s13], $0x500  }
0x3d6: {  	[sflag:s13] =	ssyncset.done $0x0;
	s14 =	rddreg [dreg:$0x1b]  }
0x3d7: {  	[sflag:s13] =	ssyncadd.s32 $0xFFFFFB00;
	s12 =	sshrl.u32 s14, $0x3;
	s14 =	rddreg [dreg:$0xa]  }
0x3d8: {  	[hbm:s14], [sflag:s11] =	dma.local [spmem:s12], $0x500  }
0x3d9: {  	_ =	swait.ge [sflag:s13], $0x500  }
0x3da: {  	[sflag:s13] =	ssyncset.done $0x0;
	s12 =	rddreg [dreg:$0x1c]  }
0x3db: {  	s14 =	rddreg [dreg:$0xb];
	[sflag:s13] =	ssyncadd.s32 $0xFFFFFB00;
	s12 =	sshrl.u32 @!p0 s12, $0x3  }
0x3dc: {  	[hbm:s14], [sflag:s11] =	dma.local @!p0 [spmem:s12], $0x500  }
0x3dd: {  	s11 =	simm.s32 @!p0 $0xD  }
0x3de: {  	_ =	swait.ge @!p0 [sflag:s11], $0x500  }
0x3df: {  	s12 =	sld [smem:$0x7F6];
	_ =	sdelay $0x2  }
0x3e0: {  	s14 =	sadd.s32 $0x1, s12;
	s12 =	sld [smem:$0x7FD];
	_ =	sdelay $0x2  }
0x3e1: {  	p1 =	sne.s32 s14, s12  }
.Ltmp8:
0x3e2: {  	_ = 	snop;
	(pc) =	sbr.rel @p1 .LBB2_1-.Ltmp8, $3  }
0x3e3: {  	_ =	sdelay $0x1  }
0x3e4: {  	[sflag:s11] =	ssyncset.done @!p0 $0x0  }
0x3e5: {  	[sflag:s11] =	ssyncadd.s32 @!p0 $0xFFFFFB00  }
0x3e6: {  	_ =	sfence.sel $0x180000  }
0x3e7: {  	[bflag:$0x0] =	sbarrier.arrive $0xFFFF  }
0x3e8: {  	_ =	strace $0x90000047  }
0x3e9: {  	s0 =	stileid.u32;
	[bflag:$0x2] =	sbarrier.arrive $0xFFFF  }
0x3ea: {  	p0 =	sne.s32 s0, $0x0;
	s0 =	rddreg [dreg:$0x3]  }
0x3eb: {  	s0 =	sadd.s32 @!p0 $0x100000, s0  }
0x3ec: {  	[sflag:s0] =	ssyncadd.tile.s32 @!p0 $0x1;
	_ =	shalt  }
.Lfunc_end2:
_tile_overlayer_lowered:
.L_overlay_start_2:
0x3ed: {  	(tag) =	ssettag $0x2  }
0x3ee: {  	s0 =	rddreg [dreg:$0x0];
	s2 =	stileid.u32  }
0x3ef: {  	s1 =	rddreg [dreg:$0x1];
	p0 =	sne.s32 s2, $0x0  }
0x3f0: {  	s3 =	rddreg [dreg:$0x2];
	[bflag:$0x3] =	sbarrier.arrive $0xFFFF;
	s2 =	simm.s32 @!p0 $0x1C0D  }
0x3f1: {  	[timem:s3], [sflag:s2] =	dma.local @!p0 [hbm:s0], s1  }
0x3f2: {  	s0 =	simm.s32 @!p0 $0xD  }
0x3f3: {  	_ =	swait.ge @!p0 [sflag:s0], s1  }
0x3f4: {  	s1 =	ssub.s32 @!p0 $0x0, s1;
	[sflag:s0] =	ssyncset.done @!p0 $0x0  }
0x3f5: {  	[sflag:s0] =	ssyncadd.s32 @!p0 s1  }
0x3f6: {  	[bflag:$0x3] =	sbarrier.arrive $0xFFFF  }
0x3f7: {  	_ =	shalt  }

</sc_bundles>
